<compile_context>
chip_gen: v7x
topology: tpu7x:2x2x1
jax: 0.10.2.dev20260603
libtpu: 0.0.44.dev20260713+nightly
codegen_flags: <defaults>
</compile_context>

<pallas_src>
import functools

import jax
import jax.numpy as jnp
from jax import lax
from jax.experimental import pallas as pl
from jax.experimental.pallas import tpu as pltpu
from jax.experimental.pallas import tpu_sc as plsc

TILE = 256


def _shared_router_body(x_ref, w1_ref, w3_ref, w2_ref, wr_ref,
                        o_ref, idx_ref, g_ref, rk_ref, cnt_ref, carry_ref):
    x = x_ref[...]
    a = lax.dot_general(x, w1_ref[...], (((1,), (1,)), ((), ())),
                        preferred_element_type=jnp.float32)
    b = lax.dot_general(x, w3_ref[...], (((1,), (1,)), ((), ())),
                        preferred_element_type=jnp.float32)
    h = a * jax.nn.sigmoid(a) * b
    o_ref[...] = lax.dot_general(h, w2_ref[...], (((1,), (1,)), ((), ())),
                                 preferred_element_type=jnp.float32)

    logits = lax.dot_general(x, wr_ref[...], (((1,), (1,)), ((), ())),
                             preferred_element_type=jnp.float32)
    s = jax.nn.sigmoid(logits)
    n, e = s.shape
    col = lax.broadcasted_iota(jnp.int32, (n, e), 1)
    m1 = jnp.max(s, axis=1, keepdims=True)
    i1 = jnp.min(jnp.where(s == m1, col, e), axis=1, keepdims=True)
    s2 = jnp.where(col == i1, -jnp.inf, s)
    m2 = jnp.max(s2, axis=1, keepdims=True)
    i2 = jnp.min(jnp.where(s2 == m2, col, e), axis=1, keepdims=True)
    denom = m1 + m2
    safe = denom > 1e-9
    g1 = jnp.where(safe, m1 / (denom + 1e-9), 0.5)
    g2 = jnp.where(safe, m2 / (denom + 1e-9), 0.5)
    idx_ref[...] = jnp.concatenate([i1, i2], axis=1)
    g_ref[...] = jnp.concatenate([g1, g2], axis=1)

    i = pl.program_id(0)

    @pl.when(i == 0)
    def _():
        carry_ref[...] = jnp.zeros_like(carry_ref)

    sel = (jnp.where(col == i1, 1.0, 0.0)
           + jnp.where(col == i2, 1.0, 0.0))
    r = lax.broadcasted_iota(jnp.int32, (n, n), 0)
    c = lax.broadcasted_iota(jnp.int32, (n, n), 1)
    ltri = jnp.where(r > c, 1.0, 0.0)
    local_ex = lax.dot_general(ltri, sel, (((1,), (0,)), ((), ())),
                               preferred_element_type=jnp.float32)
    carry = carry_ref[...]
    rank = local_ex + carry
    r1 = jnp.sum(jnp.where(col == i1, rank, 0.0), axis=1, keepdims=True)
    r2 = jnp.sum(jnp.where(col == i2, rank, 0.0), axis=1, keepdims=True)
    rk_ref[...] = jnp.concatenate([r1, r2], axis=1).astype(jnp.int32)
    new_carry = carry + jnp.sum(sel, axis=0, keepdims=True)
    carry_ref[...] = new_carry
    cnt_ref[...] = new_carry.astype(jnp.int32)


def _shared_router(xf, w1s, w3s, w2s, Wr):
    n, d = xf.shape
    hs = w1s.shape[0]
    e = Wr.shape[0]
    bt = 256
    return pl.pallas_call(
        _shared_router_body,
        grid=(n // bt,),
        in_specs=[
            pl.BlockSpec((bt, d), lambda i: (i, 0)),
            pl.BlockSpec((hs, d), lambda i: (0, 0)),
            pl.BlockSpec((hs, d), lambda i: (0, 0)),
            pl.BlockSpec((d, hs), lambda i: (0, 0)),
            pl.BlockSpec((e, d), lambda i: (0, 0)),
        ],
        out_specs=(pl.BlockSpec((bt, d), lambda i: (i, 0)),
                   pl.BlockSpec((bt, 2), lambda i: (i, 0)),
                   pl.BlockSpec((bt, 2), lambda i: (i, 0)),
                   pl.BlockSpec((bt, 2), lambda i: (i, 0)),
                   pl.BlockSpec((1, e), lambda i: (0, 0))),
        out_shape=(jax.ShapeDtypeStruct((n, d), jnp.float32),
                   jax.ShapeDtypeStruct((n, 2), jnp.int32),
                   jax.ShapeDtypeStruct((n, 2), jnp.float32),
                   jax.ShapeDtypeStruct((n, 2), jnp.int32),
                   jax.ShapeDtypeStruct((1, e), jnp.int32)),
        scratch_shapes=[pltpu.VMEM((1, e), jnp.float32)],
    )(xf, w1s, w3s, w2s, Wr)


def _layout_body(cnt_ref, idx_ref, rk_ref, pos_ref, te_ref, nu_ref):
    e = cnt_ref.shape[1]
    nt = te_ref.shape[0]
    cnt = cnt_ref[...].astype(jnp.float32)
    gpad = jnp.floor((cnt + (TILE - 1)) / TILE) * TILE
    ce = lax.broadcasted_iota(jnp.int32, (e, e), 0)
    re = lax.broadcasted_iota(jnp.int32, (e, e), 1)
    incl = jnp.where(ce <= re, 1.0, 0.0)
    ends = lax.dot_general(gpad, incl, (((1,), (0,)), ((), ())),
                           preferred_element_type=jnp.float32)
    off = ends - gpad
    n = idx_ref.shape[0]
    idx2 = idx_ref[...]
    rk = rk_ref[...].astype(jnp.float32)
    col = lax.broadcasted_iota(jnp.int32, (n, e), 1)
    p1 = jnp.sum(jnp.where(col == idx2[:, 0:1], off, 0.0), axis=1,
                 keepdims=True) + rk[:, 0:1]
    p2 = jnp.sum(jnp.where(col == idx2[:, 1:2], off, 0.0), axis=1,
                 keepdims=True) + rk[:, 1:2]
    pos_ref[...] = jnp.concatenate([p1, p2], axis=1).astype(jnp.int32)
    tstart = (lax.broadcasted_iota(jnp.int32, (nt, e), 0) * TILE
              ).astype(jnp.float32)
    ends_b = jnp.broadcast_to(ends, (nt, e))
    te = jnp.sum(jnp.where(ends_b <= tstart, 1, 0), axis=1, keepdims=True)
    te_ref[...] = jnp.minimum(te, e - 1).astype(jnp.int32)
    nu_ref[...] = (ends[:, e - 1:e] / TILE).astype(jnp.int32)


def _layout(cnt, idx2, rk, nt):
    n = idx2.shape[0]
    return pl.pallas_call(
        _layout_body,
        out_shape=(jax.ShapeDtypeStruct((n, 2), jnp.int32),
                   jax.ShapeDtypeStruct((nt, 1), jnp.int32),
                   jax.ShapeDtypeStruct((1, 1), jnp.int32)),
    )(cnt, idx2, rk)


def _ffn_body(te_ref, nu_ref, xs_ref, w1_ref, w2_ref, gs_ref, eo_ref):
    del te_ref
    t = pl.program_id(0)

    @pl.when(t < nu_ref[0])
    def _():
        xb = xs_ref[...]
        h = lax.dot_general(xb, w1_ref[0], (((1,), (1,)), ((), ())),
                            preferred_element_type=jnp.float32)
        h = 0.5 * h * (1.0 + lax.erf(h * 0.7071067811865476))
        eo = lax.dot_general(h, w2_ref[0], (((1,), (1,)), ((), ())),
                             preferred_element_type=jnp.float32)
        eo_ref[...] = eo * gs_ref[...]


def _ffn(te, nu, xs, W1, W2, gs2d):
    np_, d = xs.shape
    _, hr, _ = W1.shape
    nt = np_ // TILE
    grid_spec = pltpu.PrefetchScalarGridSpec(
        num_scalar_prefetch=2,
        grid=(nt,),
        in_specs=[
            pl.BlockSpec((TILE, d), lambda t, te_r, nu_r: (t, 0)),
            pl.BlockSpec((1, hr, d), lambda t, te_r, nu_r: (te_r[t], 0, 0)),
            pl.BlockSpec((1, d, hr), lambda t, te_r, nu_r: (te_r[t], 0, 0)),
            pl.BlockSpec((TILE, 1), lambda t, te_r, nu_r: (t, 0)),
        ],
        out_specs=pl.BlockSpec((TILE, d), lambda t, te_r, nu_r: (t, 0)),
    )
    return pl.pallas_call(
        _ffn_body,
        grid_spec=grid_spec,
        out_shape=jax.ShapeDtypeStruct((np_, d), jnp.float32),
    )(te, nu, xs, W1, W2, gs2d)


def _sc_gather(xf, st, np_):
    d = xf.shape[1]
    info = plsc.get_sparse_core_info()
    nw = info.num_cores * info.num_subcores
    rows_per = np_ // nw
    n_ch = 8
    nbuf = 4
    ch = rows_per // n_ch
    mesh = plsc.VectorSubcoreMesh(core_axis_name="c", subcore_axis_name="s")

    @functools.partial(
        pl.kernel, mesh=mesh,
        out_type=jax.ShapeDtypeStruct((np_, d), jnp.float32),
        scratch_types=[pltpu.VMEM((rows_per,), jnp.int32)]
                      + [pltpu.VMEM((ch, d), jnp.float32)] * nbuf
                      + [pltpu.SemaphoreType.DMA] * (2 * nbuf),
    )
    def k(x_hbm, st_hbm, out_hbm, idx_v, *bufs_sems):
        rows = bufs_sems[:nbuf]
        gsem = bufs_sems[nbuf:2 * nbuf]
        wsem = bufs_sems[2 * nbuf:]
        wid = lax.axis_index("s") * info.num_cores + lax.axis_index("c")
        base0 = wid * rows_per
        pltpu.sync_copy(st_hbm.at[pl.ds(base0, rows_per)], idx_v)
        gets = [None] * n_ch
        puts = [None] * n_ch

        def fire(c):
            b = c % nbuf
            gets[c] = pltpu.async_copy(
                x_hbm.at[idx_v.at[pl.ds(c * ch, ch)]], rows[b], gsem[b])

        for c in range(min(nbuf, n_ch)):
            fire(c)
        for c in range(n_ch):
            b = c % nbuf
            gets[c].wait()
            puts[c] = pltpu.async_copy(
                rows[b], out_hbm.at[pl.ds(base0 + c * ch, ch)], wsem[b])
            nxt = c + nbuf
            if nxt < n_ch:
                puts[c].wait()
                fire(nxt)
        for c in range(max(0, n_ch - nbuf), n_ch):
            puts[c].wait()

    return k(xf, st)


def _sc_combine(shared, eo, p0, p1):
    n, d = shared.shape
    info = plsc.get_sparse_core_info()
    nw = info.num_cores * info.num_subcores
    tok_per = n // nw
    ch = 16
    n_ch = tok_per // ch
    mesh = plsc.VectorSubcoreMesh(core_axis_name="c", subcore_axis_name="s")

    @functools.partial(
        pl.kernel, mesh=mesh,
        out_type=jax.ShapeDtypeStruct((n, d), jnp.float32),
        scratch_types=[pltpu.VMEM((tok_per,), jnp.int32),
                       pltpu.VMEM((tok_per,), jnp.int32)]
                      + [pltpu.VMEM((ch, d), jnp.float32)] * 6
                      + [pltpu.SemaphoreType.DMA] * 4,
    )
    def k(sh_hbm, eo_hbm, p0_hbm, p1_hbm, out_hbm, i0_v, i1_v, *bufs_sems):
        sh = bufs_sems[0:2]
        av = bufs_sems[2:4]
        bv = bufs_sems[4:6]
        gsem = bufs_sems[6:8]
        wsem = bufs_sems[8:10]
        wid = lax.axis_index("s") * info.num_cores + lax.axis_index("c")
        base0 = wid * tok_per
        pltpu.sync_copy(p0_hbm.at[pl.ds(base0, tok_per)], i0_v)
        pltpu.sync_copy(p1_hbm.at[pl.ds(base0, tok_per)], i1_v)
        gets = [None] * n_ch
        puts = [None] * n_ch

        def fire(c):
            s = c % 2
            gets[c] = (
                pltpu.async_copy(sh_hbm.at[pl.ds(base0 + c * ch, ch)],
                                 sh[s], gsem[s]),
                pltpu.async_copy(eo_hbm.at[i0_v.at[pl.ds(c * ch, ch)]],
                                 av[s], gsem[s]),
                pltpu.async_copy(eo_hbm.at[i1_v.at[pl.ds(c * ch, ch)]],
                                 bv[s], gsem[s]),
            )

        fire(0)
        for c in range(n_ch):
            s = c % 2
            if c + 1 < n_ch:
                if c >= 1:
                    puts[c - 1].wait()
                fire(c + 1)
            for cp in gets[c]:
                cp.wait()

            def row(i, carry):
                def chunk(j, carry2):
                    for u in range(4):
                        sl = pl.ds(j * 64 + u * 16, 16)
                        sh[s][i, sl] = (sh[s][i, sl] + av[s][i, sl]
                                        + bv[s][i, sl])
                    return carry2
                return lax.fori_loop(0, d // 64, chunk, carry)

            lax.fori_loop(0, ch, row, 0)
            puts[c] = pltpu.async_copy(
                sh[s], out_hbm.at[pl.ds(base0 + c * ch, ch)], wsem[s])
        for c in range(max(0, n_ch - 2), n_ch):
            puts[c].wait()

    return k(shared, eo, p0, p1)


def kernel(x, Wr, w1s, w3s, w2s, W1, W2):
    bq, tq, d = x.shape
    n = bq * tq
    e = Wr.shape[0]
    xf = x.reshape(n, d)
    nt = (n * 2) // TILE + e
    np_ = nt * TILE

    shared, idx2, g2, rk, cnt = _shared_router(xf, w1s, w3s, w2s, Wr)
    pos2, te2, nu2 = _layout(cnt, idx2, rk, nt)

    pos_flat = pos2.reshape(-1)
    tok2 = jnp.arange(2 * n, dtype=jnp.int32) // 2
    st = ((jnp.arange(np_, dtype=jnp.int32) * 97) % n).at[pos_flat].set(tok2)
    gs = jnp.zeros((np_,), jnp.float32).at[pos_flat].set(g2.reshape(-1))

    xs = _sc_gather(xf, st, np_)
    eo = _ffn(te2.reshape(nt), nu2.reshape(1), xs, W1, W2, gs[:, None])
    out = _sc_combine(shared, eo, pos2[:, 0], pos2[:, 1])
    return out.reshape(bq, tq, d)

# --- scband reference (transcript-rebuilt; emitter-appended) ---
"""Pipeline reference for scband-deep-seek-mo-elayer-11690900980107 (READ-ONLY COPY).

The authoritative reference and input builder live on the scoring server;
editing this copy changes nothing except your own understanding.
"""

import jax, jax.numpy as jnp
import numpy as np

B, T, D = 1, 2048, 1024
DFF = 4096
E, K = 8, 2
HS = DFF // 2  # shared expert hidden
HR = DFF // 4  # routed expert hidden
N_SHARED = 1


def setup_inputs(seed: int = 0) -> dict:
    key = jax.random.key(seed)
    ks = jax.random.split(key, 8)
    sc = 0.02
    x = jax.random.normal(ks[0], (B, T, D), dtype=jnp.float32)
    Wr = jax.random.normal(ks[1], (E, D), dtype=jnp.float32) * sc      # router weight [out,in]
    w1s = jax.random.normal(ks[2], (HS, D), dtype=jnp.float32) * sc    # shared expert w1
    w3s = jax.random.normal(ks[3], (HS, D), dtype=jnp.float32) * sc    # shared expert w3
    w2s = jax.random.normal(ks[4], (D, HS), dtype=jnp.float32) * sc    # shared expert w2
    W1 = jax.random.normal(ks[5], (E, HR, D), dtype=jnp.float32) * sc  # routed experts first linear
    W2 = jax.random.normal(ks[6], (E, D, HR), dtype=jnp.float32) * sc  # routed experts second linear
    return {"x": x, "Wr": Wr, "w1s": w1s, "w3s": w3s, "w2s": w2s, "W1": W1, "W2": W2}


def reference(x, Wr, w1s, w3s, w2s, W1, W2):
    Bq, Tq, C = x.shape
    xf = x.reshape(-1, C)
    n_experts = Wr.shape[0]
    # shared experts (SwiGLU), dropout=0.0 -> identity
    shared_out = (jax.nn.silu(xf @ w1s.T) * (xf @ w3s.T)) @ w2s.T
    # router affinity
    s = jax.nn.sigmoid((xf @ Wr.T)).astype(jnp.float32)
    router_bias = jnp.zeros((n_experts,), dtype=jnp.float32)
    sel_scores = s + router_bias
    _, topk_idx = jax.lax.top_k(sel_scores, K)
    s_sel = jnp.take_along_axis(s, topk_idx, axis=1)
    denom = jnp.sum(s_sel, axis=1, keepdims=True)
    gates = jnp.where(denom > 1e-9, s_sel / (denom + 1e-9), jnp.full_like(s_sel, 1.0 / K)).astype(x.dtype)
    # dense-equivalent routed computation: per-token-per-expert gate (0 if not selected)
    onehot = jax.nn.one_hot(topk_idx, n_experts, dtype=gates.dtype)   # [N, K, E]
    gate_pe = jnp.einsum('nk,nke->ne', gates, onehot)                  # [N, E]
    h = jax.nn.gelu(jnp.einsum('nd,ehd->neh', xf, W1), approximate=False)
    eo = jnp.einsum('neh,edh->ned', h, W2)
    routed_out = jnp.einsum('ned,ne->nd', eo, gate_pe)
    return (shared_out + routed_out).reshape(Bq, Tq, C)

if __name__ == "__main__":
    import jax
    _d = setup_inputs()
    print(jax.jit(kernel)(*tuple(_d.values())))

</pallas_src>

<mosaic_0001>
#map = affine_map<(d0, d1) -> (0, 0)>
#map1 = affine_map<(d0, d1) -> (0)>
module attributes {stable_mosaic.version = 14 : i64} {
  func.func @k(%arg0: i32, %arg1: i32, %arg2: memref<2048x1024xf32, #tpu.memory_space<hbm>>, %arg3: memref<6144x1024xf32, #tpu.memory_space<hbm>>, %arg4: memref<2048xi32, #tpu.memory_space<hbm>>, %arg5: memref<2048xi32, #tpu.memory_space<hbm>>, %arg6: memref<2048x1024xf32, #tpu.memory_space<hbm>>, %arg7: memref<64xi32, #tpu.memory_space<vmem>>, %arg8: memref<64xi32, #tpu.memory_space<vmem>>, %arg9: memref<16x1024xf32, #tpu.memory_space<vmem>>, %arg10: memref<16x1024xf32, #tpu.memory_space<vmem>>, %arg11: memref<16x1024xf32, #tpu.memory_space<vmem>>, %arg12: memref<16x1024xf32, #tpu.memory_space<vmem>>, %arg13: memref<16x1024xf32, #tpu.memory_space<vmem>>, %arg14: memref<16x1024xf32, #tpu.memory_space<vmem>>, %arg15: memref<!tpu.dma_semaphore, #tpu.memory_space<semaphore_mem>>, %arg16: memref<!tpu.dma_semaphore, #tpu.memory_space<semaphore_mem>>, %arg17: memref<!tpu.dma_semaphore, #tpu.memory_space<semaphore_mem>>, %arg18: memref<!tpu.dma_semaphore, #tpu.memory_space<semaphore_mem>>) attributes {dimension_semantics = [#tpu.dimension_semantics<core_parallel>, #tpu.dimension_semantics<subcore_parallel>], iteration_bounds = array<i64: 2, 16>, scalar_prefetch = 0 : i64, scratch_operands = 12 : i64, tpu.core_type = #tpu.core_type<sc_vector_subcore>, window_params = [{transform_indices = #map}, {transform_indices = #map}, {transform_indices = #map1}, {transform_indices = #map1}, {transform_indices = #map}]} {
    %mul3A = arith.constant 2 : i32
    %mul3A_0 = arith.muli %arg1, %mul3A : i32
    %add3A = arith.addi %mul3A_0, %arg0 : i32
    %mul3A_1 = arith.constant 64 : i32
    %mul3A_2 = arith.muli %add3A, %mul3A_1 : i32
    "tpu.region"() ({
      %run_scoped3A = tpu.sem_alloc : memref<!tpu.dma_semaphore, #tpu.memory_space<semaphore_mem>>
      %dma_start3A_184 = tpu.memref_slice %arg4[%mul3A_2] : memref<2048xi32, #tpu.memory_space<hbm>> -> memref<64xi32, #tpu.memory_space<hbm>>
      %dma_start3A_185 = tpu.memref_slice %arg4[%mul3A_2] : memref<2048xi32, #tpu.memory_space<hbm>> -> memref<64xi32, #tpu.memory_space<hbm>>
      tpu.enqueue_dma source(%dma_start3A_185 : memref<64xi32, #tpu.memory_space<hbm>>) target(%arg7 : memref<64xi32, #tpu.memory_space<vmem>>) target_semaphore(%run_scoped3A : memref<!tpu.dma_semaphore, #tpu.memory_space<semaphore_mem>>)
      %dma_wait3A_186 = tpu.memref_slice %arg4[%mul3A_2] : memref<2048xi32, #tpu.memory_space<hbm>> -> memref<64xi32, #tpu.memory_space<hbm>>
      %dma_wait3A_187 = tpu.memref_slice %arg4[%mul3A_2] : memref<2048xi32, #tpu.memory_space<hbm>> -> memref<64xi32, #tpu.memory_space<hbm>>
      tpu.wait_dma2 semaphore(%run_scoped3A : memref<!tpu.dma_semaphore, #tpu.memory_space<semaphore_mem>>) src(%dma_wait3A_187 : memref<64xi32, #tpu.memory_space<hbm>>) dst(%arg7 : memref<64xi32, #tpu.memory_space<vmem>>)
      tpu.yield
    }) : () -> ()
    "tpu.region"() ({
      %run_scoped3A = tpu.sem_alloc : memref<!tpu.dma_semaphore, #tpu.memory_space<semaphore_mem>>
      %dma_start3A_184 = tpu.memref_slice %arg5[%mul3A_2] : memref<2048xi32, #tpu.memory_space<hbm>> -> memref<64xi32, #tpu.memory_space<hbm>>
      %dma_start3A_185 = tpu.memref_slice %arg5[%mul3A_2] : memref<2048xi32, #tpu.memory_space<hbm>> -> memref<64xi32, #tpu.memory_space<hbm>>
      tpu.enqueue_dma source(%dma_start3A_185 : memref<64xi32, #tpu.memory_space<hbm>>) target(%arg8 : memref<64xi32, #tpu.memory_space<vmem>>) target_semaphore(%run_scoped3A : memref<!tpu.dma_semaphore, #tpu.memory_space<semaphore_mem>>)
      %dma_wait3A_186 = tpu.memref_slice %arg5[%mul3A_2] : memref<2048xi32, #tpu.memory_space<hbm>> -> memref<64xi32, #tpu.memory_space<hbm>>
      %dma_wait3A_187 = tpu.memref_slice %arg5[%mul3A_2] : memref<2048xi32, #tpu.memory_space<hbm>> -> memref<64xi32, #tpu.memory_space<hbm>>
      tpu.wait_dma2 semaphore(%run_scoped3A : memref<!tpu.dma_semaphore, #tpu.memory_space<semaphore_mem>>) src(%dma_wait3A_187 : memref<64xi32, #tpu.memory_space<hbm>>) dst(%arg8 : memref<64xi32, #tpu.memory_space<vmem>>)
      tpu.yield
    }) : () -> ()
    %add3A_3 = arith.constant 0 : i32
    %add3A_4 = arith.addi %mul3A_2, %add3A_3 : i32
    %dma_start3A = arith.constant 0 : i32
    %dma_start3A_5 = tpu.memref_slice %arg2[%add3A_4, %dma_start3A] : memref<2048x1024xf32, #tpu.memory_space<hbm>> -> memref<16x1024xf32, #tpu.memory_space<hbm>>
    %dma_start3A_6 = arith.constant 0 : i32
    %dma_start3A_7 = tpu.memref_slice %arg2[%add3A_4, %dma_start3A_6] : memref<2048x1024xf32, #tpu.memory_space<hbm>> -> memref<16x1024xf32, #tpu.memory_space<hbm>>
    tpu.enqueue_dma source(%dma_start3A_7 : memref<16x1024xf32, #tpu.memory_space<hbm>>) target(%arg9 : memref<16x1024xf32, #tpu.memory_space<vmem>>) target_semaphore(%arg15 : memref<!tpu.dma_semaphore, #tpu.memory_space<semaphore_mem>>)
    %dma_start3A_8 = arith.constant 0 : i32
    %dma_start3A_9 = tpu.memref_slice %arg7[%dma_start3A_8] : memref<64xi32, #tpu.memory_space<vmem>> -> memref<16xi32, #tpu.memory_space<vmem>>
    %dma_start3A_10 = arith.constant 0 : i32
    %dma_start3A_11 = arith.constant 0 : i32
    %dma_start3A_12 = tpu.memref_slice %arg3[%dma_start3A_10, %dma_start3A_11] : memref<6144x1024xf32, #tpu.memory_space<hbm>> -> memref<6144x1024xf32, #tpu.memory_space<hbm>>
    tpu.enqueue_indirect_dma source(%dma_start3A_12 : memref<6144x1024xf32, #tpu.memory_space<hbm>>) target(%arg11 : memref<16x1024xf32, #tpu.memory_space<vmem>>) offsets(%dma_start3A_9 : memref<16xi32, #tpu.memory_space<vmem>>) semaphore(%arg15 : memref<!tpu.dma_semaphore, #tpu.memory_space<semaphore_mem>>)
    %dma_start3A_13 = arith.constant 0 : i32
    %dma_start3A_14 = tpu.memref_slice %arg8[%dma_start3A_13] : memref<64xi32, #tpu.memory_space<vmem>> -> memref<16xi32, #tpu.memory_space<vmem>>
    %dma_start3A_15 = arith.constant 0 : i32
    %dma_start3A_16 = arith.constant 0 : i32
    %dma_start3A_17 = tpu.memref_slice %arg3[%dma_start3A_15, %dma_start3A_16] : memref<6144x1024xf32, #tpu.memory_space<hbm>> -> memref<6144x1024xf32, #tpu.memory_space<hbm>>
    tpu.enqueue_indirect_dma source(%dma_start3A_17 : memref<6144x1024xf32, #tpu.memory_space<hbm>>) target(%arg13 : memref<16x1024xf32, #tpu.memory_space<vmem>>) offsets(%dma_start3A_14 : memref<16xi32, #tpu.memory_space<vmem>>) semaphore(%arg15 : memref<!tpu.dma_semaphore, #tpu.memory_space<semaphore_mem>>)
    %add3A_18 = arith.constant 16 : i32
    %add3A_19 = arith.addi %mul3A_2, %add3A_18 : i32
    %dma_start3A_20 = arith.constant 0 : i32
    %dma_start3A_21 = tpu.memref_slice %arg2[%add3A_19, %dma_start3A_20] : memref<2048x1024xf32, #tpu.memory_space<hbm>> -> memref<16x1024xf32, #tpu.memory_space<hbm>>
    %dma_start3A_22 = arith.constant 0 : i32
    %dma_start3A_23 = tpu.memref_slice %arg2[%add3A_19, %dma_start3A_22] : memref<2048x1024xf32, #tpu.memory_space<hbm>> -> memref<16x1024xf32, #tpu.memory_space<hbm>>
    tpu.enqueue_dma source(%dma_start3A_23 : memref<16x1024xf32, #tpu.memory_space<hbm>>) target(%arg10 : memref<16x1024xf32, #tpu.memory_space<vmem>>) target_semaphore(%arg16 : memref<!tpu.dma_semaphore, #tpu.memory_space<semaphore_mem>>)
    %dma_start3A_24 = arith.constant 16 : i32
    %dma_start3A_25 = tpu.memref_slice %arg7[%dma_start3A_24] : memref<64xi32, #tpu.memory_space<vmem>> -> memref<16xi32, #tpu.memory_space<vmem>>
    %dma_start3A_26 = arith.constant 0 : i32
    %dma_start3A_27 = arith.constant 0 : i32
    %dma_start3A_28 = tpu.memref_slice %arg3[%dma_start3A_26, %dma_start3A_27] : memref<6144x1024xf32, #tpu.memory_space<hbm>> -> memref<6144x1024xf32, #tpu.memory_space<hbm>>
    tpu.enqueue_indirect_dma source(%dma_start3A_28 : memref<6144x1024xf32, #tpu.memory_space<hbm>>) target(%arg12 : memref<16x1024xf32, #tpu.memory_space<vmem>>) offsets(%dma_start3A_25 : memref<16xi32, #tpu.memory_space<vmem>>) semaphore(%arg16 : memref<!tpu.dma_semaphore, #tpu.memory_space<semaphore_mem>>)
    %dma_start3A_29 = arith.constant 16 : i32
    %dma_start3A_30 = tpu.memref_slice %arg8[%dma_start3A_29] : memref<64xi32, #tpu.memory_space<vmem>> -> memref<16xi32, #tpu.memory_space<vmem>>
    %dma_start3A_31 = arith.constant 0 : i32
    %dma_start3A_32 = arith.constant 0 : i32
    %dma_start3A_33 = tpu.memref_slice %arg3[%dma_start3A_31, %dma_start3A_32] : memref<6144x1024xf32, #tpu.memory_space<hbm>> -> memref<6144x1024xf32, #tpu.memory_space<hbm>>
    tpu.enqueue_indirect_dma source(%dma_start3A_33 : memref<6144x1024xf32, #tpu.memory_space<hbm>>) target(%arg14 : memref<16x1024xf32, #tpu.memory_space<vmem>>) offsets(%dma_start3A_30 : memref<16xi32, #tpu.memory_space<vmem>>) semaphore(%arg16 : memref<!tpu.dma_semaphore, #tpu.memory_space<semaphore_mem>>)
    %dma_wait3A = arith.constant 0 : i32
    %dma_wait3A_34 = tpu.memref_slice %arg2[%add3A_4, %dma_wait3A] : memref<2048x1024xf32, #tpu.memory_space<hbm>> -> memref<16x1024xf32, #tpu.memory_space<hbm>>
    %dma_wait3A_35 = arith.constant 0 : i32
    %dma_wait3A_36 = tpu.memref_slice %arg2[%add3A_4, %dma_wait3A_35] : memref<2048x1024xf32, #tpu.memory_space<hbm>> -> memref<16x1024xf32, #tpu.memory_space<hbm>>
    tpu.wait_dma2 semaphore(%arg15 : memref<!tpu.dma_semaphore, #tpu.memory_space<semaphore_mem>>) src(%dma_wait3A_36 : memref<16x1024xf32, #tpu.memory_space<hbm>>) dst(%arg9 : memref<16x1024xf32, #tpu.memory_space<vmem>>)
    %dma_wait3A_37 = arith.constant 0 : i32
    %dma_wait3A_38 = tpu.memref_slice %arg7[%dma_wait3A_37] : memref<64xi32, #tpu.memory_space<vmem>> -> memref<16xi32, #tpu.memory_space<vmem>>
    %dma_wait3A_39 = arith.constant 0 : i32
    %dma_wait3A_40 = arith.constant 0 : i32
    %dma_wait3A_41 = tpu.memref_slice %arg3[%dma_wait3A_39, %dma_wait3A_40] : memref<6144x1024xf32, #tpu.memory_space<hbm>> -> memref<6144x1024xf32, #tpu.memory_space<hbm>>
    tpu.wait_indirect_dma semaphore(%arg15 : memref<!tpu.dma_semaphore, #tpu.memory_space<semaphore_mem>>) src(%dma_wait3A_41 : memref<6144x1024xf32, #tpu.memory_space<hbm>>) dst(%arg11 : memref<16x1024xf32, #tpu.memory_space<vmem>>)
    %dma_wait3A_42 = arith.constant 0 : i32
    %dma_wait3A_43 = tpu.memref_slice %arg8[%dma_wait3A_42] : memref<64xi32, #tpu.memory_space<vmem>> -> memref<16xi32, #tpu.memory_space<vmem>>
    %dma_wait3A_44 = arith.constant 0 : i32
    %dma_wait3A_45 = arith.constant 0 : i32
    %dma_wait3A_46 = tpu.memref_slice %arg3[%dma_wait3A_44, %dma_wait3A_45] : memref<6144x1024xf32, #tpu.memory_space<hbm>> -> memref<6144x1024xf32, #tpu.memory_space<hbm>>
    tpu.wait_indirect_dma semaphore(%arg15 : memref<!tpu.dma_semaphore, #tpu.memory_space<semaphore_mem>>) src(%dma_wait3A_46 : memref<6144x1024xf32, #tpu.memory_space<hbm>>) dst(%arg13 : memref<16x1024xf32, #tpu.memory_space<vmem>>)
    %scan3A = arith.constant 0 : i32
    %scan3A_47 = arith.constant 0 : i32
    %scan3A_48 = arith.constant 16 : i32
    %scan3A_49 = arith.addi %scan3A_47, %scan3A_48 : i32
    %scan3A_50 = arith.constant 1 : i32
    scf.for %scan3A_184 = %scan3A_47 to %scan3A_49 step %scan3A_50  : i32 {
      %scan3A_185 = arith.constant 0 : i32
      %scan3A_186 = arith.constant 16 : i32
      %scan3A_187 = arith.addi %scan3A_185, %scan3A_186 : i32
      %scan3A_188 = arith.constant 1 : i32
      scf.for %scan3A_190 = %scan3A_185 to %scan3A_187 step %scan3A_188  : i32 {
        %mul3A_191 = arith.constant 64 : i32
        %mul3A_192 = arith.muli %scan3A_190, %mul3A_191 : i32
        %add3A_193 = arith.constant 0 : i32
        %add3A_194 = arith.addi %mul3A_192, %add3A_193 : i32
        %get3A = arith.index_cast %scan3A_184 : i32 to index
        %get3A_195 = arith.index_cast %add3A_194 : i32 to index
        %get3A_196 = tpu.vector_load %arg9[%get3A, %get3A_195] {strides = array<i32>} : memref<16x1024xf32, #tpu.memory_space<vmem>>, vector<1x16xf32>,
        %get3A_197 = vector.shape_cast %get3A_196 : vector<1x16xf32> to vector<16xf32>
        %get3A_198 = arith.index_cast %scan3A_184 : i32 to index
        %get3A_199 = arith.index_cast %add3A_194 : i32 to index
        %get3A_200 = tpu.vector_load %arg11[%get3A_198, %get3A_199] {strides = array<i32>} : memref<16x1024xf32, #tpu.memory_space<vmem>>, vector<1x16xf32>,
        %get3A_201 = vector.shape_cast %get3A_200 : vector<1x16xf32> to vector<16xf32>
        %add3A_202 = arith.addf %get3A_197, %get3A_201 : vector<16xf32>
        %get3A_203 = arith.index_cast %scan3A_184 : i32 to index
        %get3A_204 = arith.index_cast %add3A_194 : i32 to index
        %get3A_205 = tpu.vector_load %arg13[%get3A_203, %get3A_204] {strides = array<i32>} : memref<16x1024xf32, #tpu.memory_space<vmem>>, vector<1x16xf32>,
        %get3A_206 = vector.shape_cast %get3A_205 : vector<1x16xf32> to vector<16xf32>
        %add3A_207 = arith.addf %add3A_202, %get3A_206 : vector<16xf32>
        %swap3A = arith.index_cast %scan3A_184 : i32 to index
        %swap3A_208 = arith.index_cast %add3A_194 : i32 to index
        %swap3A_209 = tpu.vector_load %arg9[%swap3A, %swap3A_208] {strides = array<i32>} : memref<16x1024xf32, #tpu.memory_space<vmem>>, vector<1x16xf32>,
        %swap3A_210 = vector.shape_cast %swap3A_209 : vector<1x16xf32> to vector<16xf32>
        %swap3A_211 = vector.shape_cast %add3A_207 : vector<16xf32> to vector<1x16xf32>
        tpu.vector_store %arg9[%swap3A, %swap3A_208], %swap3A_211 {strides = array<i32>} : memref<16x1024xf32, #tpu.memory_space<vmem>>, vector<1x16xf32>,
        %mul3A_212 = arith.constant 64 : i32
        %mul3A_213 = arith.muli %scan3A_190, %mul3A_212 : i32
        %add3A_214 = arith.constant 16 : i32
        %add3A_215 = arith.addi %mul3A_213, %add3A_214 : i32
        %get3A_216 = arith.index_cast %scan3A_184 : i32 to index
        %get3A_217 = arith.index_cast %add3A_215 : i32 to index
        %get3A_218 = tpu.vector_load %arg9[%get3A_216, %get3A_217] {strides = array<i32>} : memref<16x1024xf32, #tpu.memory_space<vmem>>, vector<1x16xf32>,
        %get3A_219 = vector.shape_cast %get3A_218 : vector<1x16xf32> to vector<16xf32>
        %get3A_220 = arith.index_cast %scan3A_184 : i32 to index
        %get3A_221 = arith.index_cast %add3A_215 : i32 to index
        %get3A_222 = tpu.vector_load %arg11[%get3A_220, %get3A_221] {strides = array<i32>} : memref<16x1024xf32, #tpu.memory_space<vmem>>, vector<1x16xf32>,
        %get3A_223 = vector.shape_cast %get3A_222 : vector<1x16xf32> to vector<16xf32>
        %add3A_224 = arith.addf %get3A_219, %get3A_223 : vector<16xf32>
        %get3A_225 = arith.index_cast %scan3A_184 : i32 to index
        %get3A_226 = arith.index_cast %add3A_215 : i32 to index
        %get3A_227 = tpu.vector_load %arg13[%get3A_225, %get3A_226] {strides = array<i32>} : memref<16x1024xf32, #tpu.memory_space<vmem>>, vector<1x16xf32>,
        %get3A_228 = vector.shape_cast %get3A_227 : vector<1x16xf32> to vector<16xf32>
        %add3A_229 = arith.addf %add3A_224, %get3A_228 : vector<16xf32>
        %swap3A_230 = arith.index_cast %scan3A_184 : i32 to index
        %swap3A_231 = arith.index_cast %add3A_215 : i32 to index
        %swap3A_232 = tpu.vector_load %arg9[%swap3A_230, %swap3A_231] {strides = array<i32>} : memref<16x1024xf32, #tpu.memory_space<vmem>>, vector<1x16xf32>,
        %swap3A_233 = vector.shape_cast %swap3A_232 : vector<1x16xf32> to vector<16xf32>
        %swap3A_234 = vector.shape_cast %add3A_229 : vector<16xf32> to vector<1x16xf32>
        tpu.vector_store %arg9[%swap3A_230, %swap3A_231], %swap3A_234 {strides = array<i32>} : memref<16x1024xf32, #tpu.memory_space<vmem>>, vector<1x16xf32>,
        %mul3A_235 = arith.constant 64 : i32
        %mul3A_236 = arith.muli %scan3A_190, %mul3A_235 : i32
        %add3A_237 = arith.constant 32 : i32
        %add3A_238 = arith.addi %mul3A_236, %add3A_237 : i32
        %get3A_239 = arith.index_cast %scan3A_184 : i32 to index
        %get3A_240 = arith.index_cast %add3A_238 : i32 to index
        %get3A_241 = tpu.vector_load %arg9[%get3A_239, %get3A_240] {strides = array<i32>} : memref<16x1024xf32, #tpu.memory_space<vmem>>, vector<1x16xf32>,
        %get3A_242 = vector.shape_cast %get3A_241 : vector<1x16xf32> to vector<16xf32>
        %get3A_243 = arith.index_cast %scan3A_184 : i32 to index
        %get3A_244 = arith.index_cast %add3A_238 : i32 to index
        %get3A_245 = tpu.vector_load %arg11[%get3A_243, %get3A_244] {strides = array<i32>} : memref<16x1024xf32, #tpu.memory_space<vmem>>, vector<1x16xf32>,
        %get3A_246 = vector.shape_cast %get3A_245 : vector<1x16xf32> to vector<16xf32>
        %add3A_247 = arith.addf %get3A_242, %get3A_246 : vector<16xf32>
        %get3A_248 = arith.index_cast %scan3A_184 : i32 to index
        %get3A_249 = arith.index_cast %add3A_238 : i32 to index
        %get3A_250 = tpu.vector_load %arg13[%get3A_248, %get3A_249] {strides = array<i32>} : memref<16x1024xf32, #tpu.memory_space<vmem>>, vector<1x16xf32>,
        %get3A_251 = vector.shape_cast %get3A_250 : vector<1x16xf32> to vector<16xf32>
        %add3A_252 = arith.addf %add3A_247, %get3A_251 : vector<16xf32>
        %swap3A_253 = arith.index_cast %scan3A_184 : i32 to index
        %swap3A_254 = arith.index_cast %add3A_238 : i32 to index
        %swap3A_255 = tpu.vector_load %arg9[%swap3A_253, %swap3A_254] {strides = array<i32>} : memref<16x1024xf32, #tpu.memory_space<vmem>>, vector<1x16xf32>,
        %swap3A_256 = vector.shape_cast %swap3A_255 : vector<1x16xf32> to vector<16xf32>
        %swap3A_257 = vector.shape_cast %add3A_252 : vector<16xf32> to vector<1x16xf32>
        tpu.vector_store %arg9[%swap3A_253, %swap3A_254], %swap3A_257 {strides = array<i32>} : memref<16x1024xf32, #tpu.memory_space<vmem>>, vector<1x16xf32>,
        %mul3A_258 = arith.constant 64 : i32
        %mul3A_259 = arith.muli %scan3A_190, %mul3A_258 : i32
        %add3A_260 = arith.constant 48 : i32
        %add3A_261 = arith.addi %mul3A_259, %add3A_260 : i32
        %get3A_262 = arith.index_cast %scan3A_184 : i32 to index
        %get3A_263 = arith.index_cast %add3A_261 : i32 to index
        %get3A_264 = tpu.vector_load %arg9[%get3A_262, %get3A_263] {strides = array<i32>} : memref<16x1024xf32, #tpu.memory_space<vmem>>, vector<1x16xf32>,
        %get3A_265 = vector.shape_cast %get3A_264 : vector<1x16xf32> to vector<16xf32>
        %get3A_266 = arith.index_cast %scan3A_184 : i32 to index
        %get3A_267 = arith.index_cast %add3A_261 : i32 to index
        %get3A_268 = tpu.vector_load %arg11[%get3A_266, %get3A_267] {strides = array<i32>} : memref<16x1024xf32, #tpu.memory_space<vmem>>, vector<1x16xf32>,
        %get3A_269 = vector.shape_cast %get3A_268 : vector<1x16xf32> to vector<16xf32>
        %add3A_270 = arith.addf %get3A_265, %get3A_269 : vector<16xf32>
        %get3A_271 = arith.index_cast %scan3A_184 : i32 to index
        %get3A_272 = arith.index_cast %add3A_261 : i32 to index
        %get3A_273 = tpu.vector_load %arg13[%get3A_271, %get3A_272] {strides = array<i32>} : memref<16x1024xf32, #tpu.memory_space<vmem>>, vector<1x16xf32>,
        %get3A_274 = vector.shape_cast %get3A_273 : vector<1x16xf32> to vector<16xf32>
        %add3A_275 = arith.addf %add3A_270, %get3A_274 : vector<16xf32>
        %swap3A_276 = arith.index_cast %scan3A_184 : i32 to index
        %swap3A_277 = arith.index_cast %add3A_261 : i32 to index
        %swap3A_278 = tpu.vector_load %arg9[%swap3A_276, %swap3A_277] {strides = array<i32>} : memref<16x1024xf32, #tpu.memory_space<vmem>>, vector<1x16xf32>,
        %swap3A_279 = vector.shape_cast %swap3A_278 : vector<1x16xf32> to vector<16xf32>
        %swap3A_280 = vector.shape_cast %add3A_275 : vector<16xf32> to vector<1x16xf32>
        tpu.vector_store %arg9[%swap3A_276, %swap3A_277], %swap3A_280 {strides = array<i32>} : memref<16x1024xf32, #tpu.memory_space<vmem>>, vector<1x16xf32>,
      }
      %scan3A_189 = arith.constant 16 : i32
    }
    %scan3A_51 = arith.constant 16 : i32
    %add3A_52 = arith.constant 0 : i32
    %add3A_53 = arith.addi %mul3A_2, %add3A_52 : i32
    %dma_start3A_54 = arith.constant 0 : i32
    %dma_start3A_55 = tpu.memref_slice %arg6[%add3A_53, %dma_start3A_54] : memref<2048x1024xf32, #tpu.memory_space<hbm>> -> memref<16x1024xf32, #tpu.memory_space<hbm>>
    %dma_start3A_56 = arith.constant 0 : i32
    %dma_start3A_57 = tpu.memref_slice %arg6[%add3A_53, %dma_start3A_56] : memref<2048x1024xf32, #tpu.memory_space<hbm>> -> memref<16x1024xf32, #tpu.memory_space<hbm>>
    tpu.enqueue_dma source(%arg9 : memref<16x1024xf32, #tpu.memory_space<vmem>>) target(%dma_start3A_57 : memref<16x1024xf32, #tpu.memory_space<hbm>>) target_semaphore(%arg17 : memref<!tpu.dma_semaphore, #tpu.memory_space<semaphore_mem>>)
    %dma_wait3A_58 = arith.constant 0 : i32
    %dma_wait3A_59 = tpu.memref_slice %arg6[%add3A_53, %dma_wait3A_58] : memref<2048x1024xf32, #tpu.memory_space<hbm>> -> memref<16x1024xf32, #tpu.memory_space<hbm>>
    %dma_wait3A_60 = arith.constant 0 : i32
    %dma_wait3A_61 = tpu.memref_slice %arg6[%add3A_53, %dma_wait3A_60] : memref<2048x1024xf32, #tpu.memory_space<hbm>> -> memref<16x1024xf32, #tpu.memory_space<hbm>>
    tpu.wait_dma2 semaphore(%arg17 : memref<!tpu.dma_semaphore, #tpu.memory_space<semaphore_mem>>) src(%arg9 : memref<16x1024xf32, #tpu.memory_space<vmem>>) dst(%dma_wait3A_61 : memref<16x1024xf32, #tpu.memory_space<hbm>>)
    %add3A_62 = arith.constant 32 : i32
    %add3A_63 = arith.addi %mul3A_2, %add3A_62 : i32
    %dma_start3A_64 = arith.constant 0 : i32
    %dma_start3A_65 = tpu.memref_slice %arg2[%add3A_63, %dma_start3A_64] : memref<2048x1024xf32, #tpu.memory_space<hbm>> -> memref<16x1024xf32, #tpu.memory_space<hbm>>
    %dma_start3A_66 = arith.constant 0 : i32
    %dma_start3A_67 = tpu.memref_slice %arg2[%add3A_63, %dma_start3A_66] : memref<2048x1024xf32, #tpu.memory_space<hbm>> -> memref<16x1024xf32, #tpu.memory_space<hbm>>
    tpu.enqueue_dma source(%dma_start3A_67 : memref<16x1024xf32, #tpu.memory_space<hbm>>) target(%arg9 : memref<16x1024xf32, #tpu.memory_space<vmem>>) target_semaphore(%arg15 : memref<!tpu.dma_semaphore, #tpu.memory_space<semaphore_mem>>)
    %dma_start3A_68 = arith.constant 32 : i32
    %dma_start3A_69 = tpu.memref_slice %arg7[%dma_start3A_68] : memref<64xi32, #tpu.memory_space<vmem>> -> memref<16xi32, #tpu.memory_space<vmem>>
    %dma_start3A_70 = arith.constant 0 : i32
    %dma_start3A_71 = arith.constant 0 : i32
    %dma_start3A_72 = tpu.memref_slice %arg3[%dma_start3A_70, %dma_start3A_71] : memref<6144x1024xf32, #tpu.memory_space<hbm>> -> memref<6144x1024xf32, #tpu.memory_space<hbm>>
    tpu.enqueue_indirect_dma source(%dma_start3A_72 : memref<6144x1024xf32, #tpu.memory_space<hbm>>) target(%arg11 : memref<16x1024xf32, #tpu.memory_space<vmem>>) offsets(%dma_start3A_69 : memref<16xi32, #tpu.memory_space<vmem>>) semaphore(%arg15 : memref<!tpu.dma_semaphore, #tpu.memory_space<semaphore_mem>>)
    %dma_start3A_73 = arith.constant 32 : i32
    %dma_start3A_74 = tpu.memref_slice %arg8[%dma_start3A_73] : memref<64xi32, #tpu.memory_space<vmem>> -> memref<16xi32, #tpu.memory_space<vmem>>
    %dma_start3A_75 = arith.constant 0 : i32
    %dma_start3A_76 = arith.constant 0 : i32
    %dma_start3A_77 = tpu.memref_slice %arg3[%dma_start3A_75, %dma_start3A_76] : memref<6144x1024xf32, #tpu.memory_space<hbm>> -> memref<6144x1024xf32, #tpu.memory_space<hbm>>
    tpu.enqueue_indirect_dma source(%dma_start3A_77 : memref<6144x1024xf32, #tpu.memory_space<hbm>>) target(%arg13 : memref<16x1024xf32, #tpu.memory_space<vmem>>) offsets(%dma_start3A_74 : memref<16xi32, #tpu.memory_space<vmem>>) semaphore(%arg15 : memref<!tpu.dma_semaphore, #tpu.memory_space<semaphore_mem>>)
    %dma_wait3A_78 = arith.constant 0 : i32
    %dma_wait3A_79 = tpu.memref_slice %arg2[%add3A_19, %dma_wait3A_78] : memref<2048x1024xf32, #tpu.memory_space<hbm>> -> memref<16x1024xf32, #tpu.memory_space<hbm>>
    %dma_wait3A_80 = arith.constant 0 : i32
    %dma_wait3A_81 = tpu.memref_slice %arg2[%add3A_19, %dma_wait3A_80] : memref<2048x1024xf32, #tpu.memory_space<hbm>> -> memref<16x1024xf32, #tpu.memory_space<hbm>>
    tpu.wait_dma2 semaphore(%arg16 : memref<!tpu.dma_semaphore, #tpu.memory_space<semaphore_mem>>) src(%dma_wait3A_81 : memref<16x1024xf32, #tpu.memory_space<hbm>>) dst(%arg10 : memref<16x1024xf32, #tpu.memory_space<vmem>>)
    %dma_wait3A_82 = arith.constant 16 : i32
    %dma_wait3A_83 = tpu.memref_slice %arg7[%dma_wait3A_82] : memref<64xi32, #tpu.memory_space<vmem>> -> memref<16xi32, #tpu.memory_space<vmem>>
    %dma_wait3A_84 = arith.constant 0 : i32
    %dma_wait3A_85 = arith.constant 0 : i32
    %dma_wait3A_86 = tpu.memref_slice %arg3[%dma_wait3A_84, %dma_wait3A_85] : memref<6144x1024xf32, #tpu.memory_space<hbm>> -> memref<6144x1024xf32, #tpu.memory_space<hbm>>
    tpu.wait_indirect_dma semaphore(%arg16 : memref<!tpu.dma_semaphore, #tpu.memory_space<semaphore_mem>>) src(%dma_wait3A_86 : memref<6144x1024xf32, #tpu.memory_space<hbm>>) dst(%arg12 : memref<16x1024xf32, #tpu.memory_space<vmem>>)
    %dma_wait3A_87 = arith.constant 16 : i32
    %dma_wait3A_88 = tpu.memref_slice %arg8[%dma_wait3A_87] : memref<64xi32, #tpu.memory_space<vmem>> -> memref<16xi32, #tpu.memory_space<vmem>>
    %dma_wait3A_89 = arith.constant 0 : i32
    %dma_wait3A_90 = arith.constant 0 : i32
    %dma_wait3A_91 = tpu.memref_slice %arg3[%dma_wait3A_89, %dma_wait3A_90] : memref<6144x1024xf32, #tpu.memory_space<hbm>> -> memref<6144x1024xf32, #tpu.memory_space<hbm>>
    tpu.wait_indirect_dma semaphore(%arg16 : memref<!tpu.dma_semaphore, #tpu.memory_space<semaphore_mem>>) src(%dma_wait3A_91 : memref<6144x1024xf32, #tpu.memory_space<hbm>>) dst(%arg14 : memref<16x1024xf32, #tpu.memory_space<vmem>>)
    %scan3A_92 = arith.constant 0 : i32
    %scan3A_93 = arith.constant 0 : i32
    %scan3A_94 = arith.constant 16 : i32
    %scan3A_95 = arith.addi %scan3A_93, %scan3A_94 : i32
    %scan3A_96 = arith.constant 1 : i32
    scf.for %scan3A_184 = %scan3A_93 to %scan3A_95 step %scan3A_96  : i32 {
      %scan3A_185 = arith.constant 0 : i32
      %scan3A_186 = arith.constant 16 : i32
      %scan3A_187 = arith.addi %scan3A_185, %scan3A_186 : i32
      %scan3A_188 = arith.constant 1 : i32
      scf.for %scan3A_190 = %scan3A_185 to %scan3A_187 step %scan3A_188  : i32 {
        %mul3A_191 = arith.constant 64 : i32
        %mul3A_192 = arith.muli %scan3A_190, %mul3A_191 : i32
        %add3A_193 = arith.constant 0 : i32
        %add3A_194 = arith.addi %mul3A_192, %add3A_193 : i32
        %get3A = arith.index_cast %scan3A_184 : i32 to index
        %get3A_195 = arith.index_cast %add3A_194 : i32 to index
        %get3A_196 = tpu.vector_load %arg10[%get3A, %get3A_195] {strides = array<i32>} : memref<16x1024xf32, #tpu.memory_space<vmem>>, vector<1x16xf32>,
        %get3A_197 = vector.shape_cast %get3A_196 : vector<1x16xf32> to vector<16xf32>
        %get3A_198 = arith.index_cast %scan3A_184 : i32 to index
        %get3A_199 = arith.index_cast %add3A_194 : i32 to index
        %get3A_200 = tpu.vector_load %arg12[%get3A_198, %get3A_199] {strides = array<i32>} : memref<16x1024xf32, #tpu.memory_space<vmem>>, vector<1x16xf32>,
        %get3A_201 = vector.shape_cast %get3A_200 : vector<1x16xf32> to vector<16xf32>
        %add3A_202 = arith.addf %get3A_197, %get3A_201 : vector<16xf32>
        %get3A_203 = arith.index_cast %scan3A_184 : i32 to index
        %get3A_204 = arith.index_cast %add3A_194 : i32 to index
        %get3A_205 = tpu.vector_load %arg14[%get3A_203, %get3A_204] {strides = array<i32>} : memref<16x1024xf32, #tpu.memory_space<vmem>>, vector<1x16xf32>,
        %get3A_206 = vector.shape_cast %get3A_205 : vector<1x16xf32> to vector<16xf32>
        %add3A_207 = arith.addf %add3A_202, %get3A_206 : vector<16xf32>
        %swap3A = arith.index_cast %scan3A_184 : i32 to index
        %swap3A_208 = arith.index_cast %add3A_194 : i32 to index
        %swap3A_209 = tpu.vector_load %arg10[%swap3A, %swap3A_208] {strides = array<i32>} : memref<16x1024xf32, #tpu.memory_space<vmem>>, vector<1x16xf32>,
        %swap3A_210 = vector.shape_cast %swap3A_209 : vector<1x16xf32> to vector<16xf32>
        %swap3A_211 = vector.shape_cast %add3A_207 : vector<16xf32> to vector<1x16xf32>
        tpu.vector_store %arg10[%swap3A, %swap3A_208], %swap3A_211 {strides = array<i32>} : memref<16x1024xf32, #tpu.memory_space<vmem>>, vector<1x16xf32>,
        %mul3A_212 = arith.constant 64 : i32
        %mul3A_213 = arith.muli %scan3A_190, %mul3A_212 : i32
        %add3A_214 = arith.constant 16 : i32
        %add3A_215 = arith.addi %mul3A_213, %add3A_214 : i32
        %get3A_216 = arith.index_cast %scan3A_184 : i32 to index
        %get3A_217 = arith.index_cast %add3A_215 : i32 to index
        %get3A_218 = tpu.vector_load %arg10[%get3A_216, %get3A_217] {strides = array<i32>} : memref<16x1024xf32, #tpu.memory_space<vmem>>, vector<1x16xf32>,
        %get3A_219 = vector.shape_cast %get3A_218 : vector<1x16xf32> to vector<16xf32>
        %get3A_220 = arith.index_cast %scan3A_184 : i32 to index
        %get3A_221 = arith.index_cast %add3A_215 : i32 to index
        %get3A_222 = tpu.vector_load %arg12[%get3A_220, %get3A_221] {strides = array<i32>} : memref<16x1024xf32, #tpu.memory_space<vmem>>, vector<1x16xf32>,
        %get3A_223 = vector.shape_cast %get3A_222 : vector<1x16xf32> to vector<16xf32>
        %add3A_224 = arith.addf %get3A_219, %get3A_223 : vector<16xf32>
        %get3A_225 = arith.index_cast %scan3A_184 : i32 to index
        %get3A_226 = arith.index_cast %add3A_215 : i32 to index
        %get3A_227 = tpu.vector_load %arg14[%get3A_225, %get3A_226] {strides = array<i32>} : memref<16x1024xf32, #tpu.memory_space<vmem>>, vector<1x16xf32>,
        %get3A_228 = vector.shape_cast %get3A_227 : vector<1x16xf32> to vector<16xf32>
        %add3A_229 = arith.addf %add3A_224, %get3A_228 : vector<16xf32>
        %swap3A_230 = arith.index_cast %scan3A_184 : i32 to index
        %swap3A_231 = arith.index_cast %add3A_215 : i32 to index
        %swap3A_232 = tpu.vector_load %arg10[%swap3A_230, %swap3A_231] {strides = array<i32>} : memref<16x1024xf32, #tpu.memory_space<vmem>>, vector<1x16xf32>,
        %swap3A_233 = vector.shape_cast %swap3A_232 : vector<1x16xf32> to vector<16xf32>
        %swap3A_234 = vector.shape_cast %add3A_229 : vector<16xf32> to vector<1x16xf32>
        tpu.vector_store %arg10[%swap3A_230, %swap3A_231], %swap3A_234 {strides = array<i32>} : memref<16x1024xf32, #tpu.memory_space<vmem>>, vector<1x16xf32>,
        %mul3A_235 = arith.constant 64 : i32
        %mul3A_236 = arith.muli %scan3A_190, %mul3A_235 : i32
        %add3A_237 = arith.constant 32 : i32
        %add3A_238 = arith.addi %mul3A_236, %add3A_237 : i32
        %get3A_239 = arith.index_cast %scan3A_184 : i32 to index
        %get3A_240 = arith.index_cast %add3A_238 : i32 to index
        %get3A_241 = tpu.vector_load %arg10[%get3A_239, %get3A_240] {strides = array<i32>} : memref<16x1024xf32, #tpu.memory_space<vmem>>, vector<1x16xf32>,
        %get3A_242 = vector.shape_cast %get3A_241 : vector<1x16xf32> to vector<16xf32>
        %get3A_243 = arith.index_cast %scan3A_184 : i32 to index
        %get3A_244 = arith.index_cast %add3A_238 : i32 to index
        %get3A_245 = tpu.vector_load %arg12[%get3A_243, %get3A_244] {strides = array<i32>} : memref<16x1024xf32, #tpu.memory_space<vmem>>, vector<1x16xf32>,
        %get3A_246 = vector.shape_cast %get3A_245 : vector<1x16xf32> to vector<16xf32>
        %add3A_247 = arith.addf %get3A_242, %get3A_246 : vector<16xf32>
        %get3A_248 = arith.index_cast %scan3A_184 : i32 to index
        %get3A_249 = arith.index_cast %add3A_238 : i32 to index
        %get3A_250 = tpu.vector_load %arg14[%get3A_248, %get3A_249] {strides = array<i32>} : memref<16x1024xf32, #tpu.memory_space<vmem>>, vector<1x16xf32>,
        %get3A_251 = vector.shape_cast %get3A_250 : vector<1x16xf32> to vector<16xf32>
        %add3A_252 = arith.addf %add3A_247, %get3A_251 : vector<16xf32>
        %swap3A_253 = arith.index_cast %scan3A_184 : i32 to index
        %swap3A_254 = arith.index_cast %add3A_238 : i32 to index
        %swap3A_255 = tpu.vector_load %arg10[%swap3A_253, %swap3A_254] {strides = array<i32>} : memref<16x1024xf32, #tpu.memory_space<vmem>>, vector<1x16xf32>,
        %swap3A_256 = vector.shape_cast %swap3A_255 : vector<1x16xf32> to vector<16xf32>
        %swap3A_257 = vector.shape_cast %add3A_252 : vector<16xf32> to vector<1x16xf32>
        tpu.vector_store %arg10[%swap3A_253, %swap3A_254], %swap3A_257 {strides = array<i32>} : memref<16x1024xf32, #tpu.memory_space<vmem>>, vector<1x16xf32>,
        %mul3A_258 = arith.constant 64 : i32
        %mul3A_259 = arith.muli %scan3A_190, %mul3A_258 : i32
        %add3A_260 = arith.constant 48 : i32
        %add3A_261 = arith.addi %mul3A_259, %add3A_260 : i32
        %get3A_262 = arith.index_cast %scan3A_184 : i32 to index
        %get3A_263 = arith.index_cast %add3A_261 : i32 to index
        %get3A_264 = tpu.vector_load %arg10[%get3A_262, %get3A_263] {strides = array<i32>} : memref<16x1024xf32, #tpu.memory_space<vmem>>, vector<1x16xf32>,
        %get3A_265 = vector.shape_cast %get3A_264 : vector<1x16xf32> to vector<16xf32>
        %get3A_266 = arith.index_cast %scan3A_184 : i32 to index
        %get3A_267 = arith.index_cast %add3A_261 : i32 to index
        %get3A_268 = tpu.vector_load %arg12[%get3A_266, %get3A_267] {strides = array<i32>} : memref<16x1024xf32, #tpu.memory_space<vmem>>, vector<1x16xf32>,
        %get3A_269 = vector.shape_cast %get3A_268 : vector<1x16xf32> to vector<16xf32>
        %add3A_270 = arith.addf %get3A_265, %get3A_269 : vector<16xf32>
        %get3A_271 = arith.index_cast %scan3A_184 : i32 to index
        %get3A_272 = arith.index_cast %add3A_261 : i32 to index
        %get3A_273 = tpu.vector_load %arg14[%get3A_271, %get3A_272] {strides = array<i32>} : memref<16x1024xf32, #tpu.memory_space<vmem>>, vector<1x16xf32>,
        %get3A_274 = vector.shape_cast %get3A_273 : vector<1x16xf32> to vector<16xf32>
        %add3A_275 = arith.addf %add3A_270, %get3A_274 : vector<16xf32>
        %swap3A_276 = arith.index_cast %scan3A_184 : i32 to index
        %swap3A_277 = arith.index_cast %add3A_261 : i32 to index
        %swap3A_278 = tpu.vector_load %arg10[%swap3A_276, %swap3A_277] {strides = array<i32>} : memref<16x1024xf32, #tpu.memory_space<vmem>>, vector<1x16xf32>,
        %swap3A_279 = vector.shape_cast %swap3A_278 : vector<1x16xf32> to vector<16xf32>
        %swap3A_280 = vector.shape_cast %add3A_275 : vector<16xf32> to vector<1x16xf32>
        tpu.vector_store %arg10[%swap3A_276, %swap3A_277], %swap3A_280 {strides = array<i32>} : memref<16x1024xf32, #tpu.memory_space<vmem>>, vector<1x16xf32>,
      }
      %scan3A_189 = arith.constant 16 : i32
    }
    %scan3A_97 = arith.constant 16 : i32
    %add3A_98 = arith.constant 16 : i32
    %add3A_99 = arith.addi %mul3A_2, %add3A_98 : i32
    %dma_start3A_100 = arith.constant 0 : i32
    %dma_start3A_101 = tpu.memref_slice %arg6[%add3A_99, %dma_start3A_100] : memref<2048x1024xf32, #tpu.memory_space<hbm>> -> memref<16x1024xf32, #tpu.memory_space<hbm>>
    %dma_start3A_102 = arith.constant 0 : i32
    %dma_start3A_103 = tpu.memref_slice %arg6[%add3A_99, %dma_start3A_102] : memref<2048x1024xf32, #tpu.memory_space<hbm>> -> memref<16x1024xf32, #tpu.memory_space<hbm>>
    tpu.enqueue_dma source(%arg10 : memref<16x1024xf32, #tpu.memory_space<vmem>>) target(%dma_start3A_103 : memref<16x1024xf32, #tpu.memory_space<hbm>>) target_semaphore(%arg18 : memref<!tpu.dma_semaphore, #tpu.memory_space<semaphore_mem>>)
    %dma_wait3A_104 = arith.constant 0 : i32
    %dma_wait3A_105 = tpu.memref_slice %arg6[%add3A_99, %dma_wait3A_104] : memref<2048x1024xf32, #tpu.memory_space<hbm>> -> memref<16x1024xf32, #tpu.memory_space<hbm>>
    %dma_wait3A_106 = arith.constant 0 : i32
    %dma_wait3A_107 = tpu.memref_slice %arg6[%add3A_99, %dma_wait3A_106] : memref<2048x1024xf32, #tpu.memory_space<hbm>> -> memref<16x1024xf32, #tpu.memory_space<hbm>>
    tpu.wait_dma2 semaphore(%arg18 : memref<!tpu.dma_semaphore, #tpu.memory_space<semaphore_mem>>) src(%arg10 : memref<16x1024xf32, #tpu.memory_space<vmem>>) dst(%dma_wait3A_107 : memref<16x1024xf32, #tpu.memory_space<hbm>>)
    %add3A_108 = arith.constant 48 : i32
    %add3A_109 = arith.addi %mul3A_2, %add3A_108 : i32
    %dma_start3A_110 = arith.constant 0 : i32
    %dma_start3A_111 = tpu.memref_slice %arg2[%add3A_109, %dma_start3A_110] : memref<2048x1024xf32, #tpu.memory_space<hbm>> -> memref<16x1024xf32, #tpu.memory_space<hbm>>
    %dma_start3A_112 = arith.constant 0 : i32
    %dma_start3A_113 = tpu.memref_slice %arg2[%add3A_109, %dma_start3A_112] : memref<2048x1024xf32, #tpu.memory_space<hbm>> -> memref<16x1024xf32, #tpu.memory_space<hbm>>
    tpu.enqueue_dma source(%dma_start3A_113 : memref<16x1024xf32, #tpu.memory_space<hbm>>) target(%arg10 : memref<16x1024xf32, #tpu.memory_space<vmem>>) target_semaphore(%arg16 : memref<!tpu.dma_semaphore, #tpu.memory_space<semaphore_mem>>)
    %dma_start3A_114 = arith.constant 48 : i32
    %dma_start3A_115 = tpu.memref_slice %arg7[%dma_start3A_114] : memref<64xi32, #tpu.memory_space<vmem>> -> memref<16xi32, #tpu.memory_space<vmem>>
    %dma_start3A_116 = arith.constant 0 : i32
    %dma_start3A_117 = arith.constant 0 : i32
    %dma_start3A_118 = tpu.memref_slice %arg3[%dma_start3A_116, %dma_start3A_117] : memref<6144x1024xf32, #tpu.memory_space<hbm>> -> memref<6144x1024xf32, #tpu.memory_space<hbm>>
    tpu.enqueue_indirect_dma source(%dma_start3A_118 : memref<6144x1024xf32, #tpu.memory_space<hbm>>) target(%arg12 : memref<16x1024xf32, #tpu.memory_space<vmem>>) offsets(%dma_start3A_115 : memref<16xi32, #tpu.memory_space<vmem>>) semaphore(%arg16 : memref<!tpu.dma_semaphore, #tpu.memory_space<semaphore_mem>>)
    %dma_start3A_119 = arith.constant 48 : i32
    %dma_start3A_120 = tpu.memref_slice %arg8[%dma_start3A_119] : memref<64xi32, #tpu.memory_space<vmem>> -> memref<16xi32, #tpu.memory_space<vmem>>
    %dma_start3A_121 = arith.constant 0 : i32
    %dma_start3A_122 = arith.constant 0 : i32
    %dma_start3A_123 = tpu.memref_slice %arg3[%dma_start3A_121, %dma_start3A_122] : memref<6144x1024xf32, #tpu.memory_space<hbm>> -> memref<6144x1024xf32, #tpu.memory_space<hbm>>
    tpu.enqueue_indirect_dma source(%dma_start3A_123 : memref<6144x1024xf32, #tpu.memory_space<hbm>>) target(%arg14 : memref<16x1024xf32, #tpu.memory_space<vmem>>) offsets(%dma_start3A_120 : memref<16xi32, #tpu.memory_space<vmem>>) semaphore(%arg16 : memref<!tpu.dma_semaphore, #tpu.memory_space<semaphore_mem>>)
    %dma_wait3A_124 = arith.constant 0 : i32
    %dma_wait3A_125 = tpu.memref_slice %arg2[%add3A_63, %dma_wait3A_124] : memref<2048x1024xf32, #tpu.memory_space<hbm>> -> memref<16x1024xf32, #tpu.memory_space<hbm>>
    %dma_wait3A_126 = arith.constant 0 : i32
    %dma_wait3A_127 = tpu.memref_slice %arg2[%add3A_63, %dma_wait3A_126] : memref<2048x1024xf32, #tpu.memory_space<hbm>> -> memref<16x1024xf32, #tpu.memory_space<hbm>>
    tpu.wait_dma2 semaphore(%arg15 : memref<!tpu.dma_semaphore, #tpu.memory_space<semaphore_mem>>) src(%dma_wait3A_127 : memref<16x1024xf32, #tpu.memory_space<hbm>>) dst(%arg9 : memref<16x1024xf32, #tpu.memory_space<vmem>>)
    %dma_wait3A_128 = arith.constant 32 : i32
    %dma_wait3A_129 = tpu.memref_slice %arg7[%dma_wait3A_128] : memref<64xi32, #tpu.memory_space<vmem>> -> memref<16xi32, #tpu.memory_space<vmem>>
    %dma_wait3A_130 = arith.constant 0 : i32
    %dma_wait3A_131 = arith.constant 0 : i32
    %dma_wait3A_132 = tpu.memref_slice %arg3[%dma_wait3A_130, %dma_wait3A_131] : memref<6144x1024xf32, #tpu.memory_space<hbm>> -> memref<6144x1024xf32, #tpu.memory_space<hbm>>
    tpu.wait_indirect_dma semaphore(%arg15 : memref<!tpu.dma_semaphore, #tpu.memory_space<semaphore_mem>>) src(%dma_wait3A_132 : memref<6144x1024xf32, #tpu.memory_space<hbm>>) dst(%arg11 : memref<16x1024xf32, #tpu.memory_space<vmem>>)
    %dma_wait3A_133 = arith.constant 32 : i32
    %dma_wait3A_134 = tpu.memref_slice %arg8[%dma_wait3A_133] : memref<64xi32, #tpu.memory_space<vmem>> -> memref<16xi32, #tpu.memory_space<vmem>>
    %dma_wait3A_135 = arith.constant 0 : i32
    %dma_wait3A_136 = arith.constant 0 : i32
    %dma_wait3A_137 = tpu.memref_slice %arg3[%dma_wait3A_135, %dma_wait3A_136] : memref<6144x1024xf32, #tpu.memory_space<hbm>> -> memref<6144x1024xf32, #tpu.memory_space<hbm>>
    tpu.wait_indirect_dma semaphore(%arg15 : memref<!tpu.dma_semaphore, #tpu.memory_space<semaphore_mem>>) src(%dma_wait3A_137 : memref<6144x1024xf32, #tpu.memory_space<hbm>>) dst(%arg13 : memref<16x1024xf32, #tpu.memory_space<vmem>>)
    %scan3A_138 = arith.constant 0 : i32
    %scan3A_139 = arith.constant 0 : i32
    %scan3A_140 = arith.constant 16 : i32
    %scan3A_141 = arith.addi %scan3A_139, %scan3A_140 : i32
    %scan3A_142 = arith.constant 1 : i32
    scf.for %scan3A_184 = %scan3A_139 to %scan3A_141 step %scan3A_142  : i32 {
      %scan3A_185 = arith.constant 0 : i32
      %scan3A_186 = arith.constant 16 : i32
      %scan3A_187 = arith.addi %scan3A_185, %scan3A_186 : i32
      %scan3A_188 = arith.constant 1 : i32
      scf.for %scan3A_190 = %scan3A_185 to %scan3A_187 step %scan3A_188  : i32 {
        %mul3A_191 = arith.constant 64 : i32
        %mul3A_192 = arith.muli %scan3A_190, %mul3A_191 : i32
        %add3A_193 = arith.constant 0 : i32
        %add3A_194 = arith.addi %mul3A_192, %add3A_193 : i32
        %get3A = arith.index_cast %scan3A_184 : i32 to index
        %get3A_195 = arith.index_cast %add3A_194 : i32 to index
        %get3A_196 = tpu.vector_load %arg9[%get3A, %get3A_195] {strides = array<i32>} : memref<16x1024xf32, #tpu.memory_space<vmem>>, vector<1x16xf32>,
        %get3A_197 = vector.shape_cast %get3A_196 : vector<1x16xf32> to vector<16xf32>
        %get3A_198 = arith.index_cast %scan3A_184 : i32 to index
        %get3A_199 = arith.index_cast %add3A_194 : i32 to index
        %get3A_200 = tpu.vector_load %arg11[%get3A_198, %get3A_199] {strides = array<i32>} : memref<16x1024xf32, #tpu.memory_space<vmem>>, vector<1x16xf32>,
        %get3A_201 = vector.shape_cast %get3A_200 : vector<1x16xf32> to vector<16xf32>
        %add3A_202 = arith.addf %get3A_197, %get3A_201 : vector<16xf32>
        %get3A_203 = arith.index_cast %scan3A_184 : i32 to index
        %get3A_204 = arith.index_cast %add3A_194 : i32 to index
        %get3A_205 = tpu.vector_load %arg13[%get3A_203, %get3A_204] {strides = array<i32>} : memref<16x1024xf32, #tpu.memory_space<vmem>>, vector<1x16xf32>,
        %get3A_206 = vector.shape_cast %get3A_205 : vector<1x16xf32> to vector<16xf32>
        %add3A_207 = arith.addf %add3A_202, %get3A_206 : vector<16xf32>
        %swap3A = arith.index_cast %scan3A_184 : i32 to index
        %swap3A_208 = arith.index_cast %add3A_194 : i32 to index
        %swap3A_209 = tpu.vector_load %arg9[%swap3A, %swap3A_208] {strides = array<i32>} : memref<16x1024xf32, #tpu.memory_space<vmem>>, vector<1x16xf32>,
        %swap3A_210 = vector.shape_cast %swap3A_209 : vector<1x16xf32> to vector<16xf32>
        %swap3A_211 = vector.shape_cast %add3A_207 : vector<16xf32> to vector<1x16xf32>
        tpu.vector_store %arg9[%swap3A, %swap3A_208], %swap3A_211 {strides = array<i32>} : memref<16x1024xf32, #tpu.memory_space<vmem>>, vector<1x16xf32>,
        %mul3A_212 = arith.constant 64 : i32
        %mul3A_213 = arith.muli %scan3A_190, %mul3A_212 : i32
        %add3A_214 = arith.constant 16 : i32
        %add3A_215 = arith.addi %mul3A_213, %add3A_214 : i32
        %get3A_216 = arith.index_cast %scan3A_184 : i32 to index
        %get3A_217 = arith.index_cast %add3A_215 : i32 to index
        %get3A_218 = tpu.vector_load %arg9[%get3A_216, %get3A_217] {strides = array<i32>} : memref<16x1024xf32, #tpu.memory_space<vmem>>, vector<1x16xf32>,
        %get3A_219 = vector.shape_cast %get3A_218 : vector<1x16xf32> to vector<16xf32>
        %get3A_220 = arith.index_cast %scan3A_184 : i32 to index
        %get3A_221 = arith.index_cast %add3A_215 : i32 to index
        %get3A_222 = tpu.vector_load %arg11[%get3A_220, %get3A_221] {strides = array<i32>} : memref<16x1024xf32, #tpu.memory_space<vmem>>, vector<1x16xf32>,
        %get3A_223 = vector.shape_cast %get3A_222 : vector<1x16xf32> to vector<16xf32>
        %add3A_224 = arith.addf %get3A_219, %get3A_223 : vector<16xf32>
        %get3A_225 = arith.index_cast %scan3A_184 : i32 to index
        %get3A_226 = arith.index_cast %add3A_215 : i32 to index
        %get3A_227 = tpu.vector_load %arg13[%get3A_225, %get3A_226] {strides = array<i32>} : memref<16x1024xf32, #tpu.memory_space<vmem>>, vector<1x16xf32>,
        %get3A_228 = vector.shape_cast %get3A_227 : vector<1x16xf32> to vector<16xf32>
        %add3A_229 = arith.addf %add3A_224, %get3A_228 : vector<16xf32>
        %swap3A_230 = arith.index_cast %scan3A_184 : i32 to index
        %swap3A_231 = arith.index_cast %add3A_215 : i32 to index
        %swap3A_232 = tpu.vector_load %arg9[%swap3A_230, %swap3A_231] {strides = array<i32>} : memref<16x1024xf32, #tpu.memory_space<vmem>>, vector<1x16xf32>,
        %swap3A_233 = vector.shape_cast %swap3A_232 : vector<1x16xf32> to vector<16xf32>
        %swap3A_234 = vector.shape_cast %add3A_229 : vector<16xf32> to vector<1x16xf32>
        tpu.vector_store %arg9[%swap3A_230, %swap3A_231], %swap3A_234 {strides = array<i32>} : memref<16x1024xf32, #tpu.memory_space<vmem>>, vector<1x16xf32>,
        %mul3A_235 = arith.constant 64 : i32
        %mul3A_236 = arith.muli %scan3A_190, %mul3A_235 : i32
        %add3A_237 = arith.constant 32 : i32
        %add3A_238 = arith.addi %mul3A_236, %add3A_237 : i32
        %get3A_239 = arith.index_cast %scan3A_184 : i32 to index
        %get3A_240 = arith.index_cast %add3A_238 : i32 to index
        %get3A_241 = tpu.vector_load %arg9[%get3A_239, %get3A_240] {strides = array<i32>} : memref<16x1024xf32, #tpu.memory_space<vmem>>, vector<1x16xf32>,
        %get3A_242 = vector.shape_cast %get3A_241 : vector<1x16xf32> to vector<16xf32>
        %get3A_243 = arith.index_cast %scan3A_184 : i32 to index
        %get3A_244 = arith.index_cast %add3A_238 : i32 to index
        %get3A_245 = tpu.vector_load %arg11[%get3A_243, %get3A_244] {strides = array<i32>} : memref<16x1024xf32, #tpu.memory_space<vmem>>, vector<1x16xf32>,
        %get3A_246 = vector.shape_cast %get3A_245 : vector<1x16xf32> to vector<16xf32>
        %add3A_247 = arith.addf %get3A_242, %get3A_246 : vector<16xf32>
        %get3A_248 = arith.index_cast %scan3A_184 : i32 to index
        %get3A_249 = arith.index_cast %add3A_238 : i32 to index
        %get3A_250 = tpu.vector_load %arg13[%get3A_248, %get3A_249] {strides = array<i32>} : memref<16x1024xf32, #tpu.memory_space<vmem>>, vector<1x16xf32>,
        %get3A_251 = vector.shape_cast %get3A_250 : vector<1x16xf32> to vector<16xf32>
        %add3A_252 = arith.addf %add3A_247, %get3A_251 : vector<16xf32>
        %swap3A_253 = arith.index_cast %scan3A_184 : i32 to index
        %swap3A_254 = arith.index_cast %add3A_238 : i32 to index
        %swap3A_255 = tpu.vector_load %arg9[%swap3A_253, %swap3A_254] {strides = array<i32>} : memref<16x1024xf32, #tpu.memory_space<vmem>>, vector<1x16xf32>,
        %swap3A_256 = vector.shape_cast %swap3A_255 : vector<1x16xf32> to vector<16xf32>
        %swap3A_257 = vector.shape_cast %add3A_252 : vector<16xf32> to vector<1x16xf32>
        tpu.vector_store %arg9[%swap3A_253, %swap3A_254], %swap3A_257 {strides = array<i32>} : memref<16x1024xf32, #tpu.memory_space<vmem>>, vector<1x16xf32>,
        %mul3A_258 = arith.constant 64 : i32
        %mul3A_259 = arith.muli %scan3A_190, %mul3A_258 : i32
        %add3A_260 = arith.constant 48 : i32
        %add3A_261 = arith.addi %mul3A_259, %add3A_260 : i32
        %get3A_262 = arith.index_cast %scan3A_184 : i32 to index
        %get3A_263 = arith.index_cast %add3A_261 : i32 to index
        %get3A_264 = tpu.vector_load %arg9[%get3A_262, %get3A_263] {strides = array<i32>} : memref<16x1024xf32, #tpu.memory_space<vmem>>, vector<1x16xf32>,
        %get3A_265 = vector.shape_cast %get3A_264 : vector<1x16xf32> to vector<16xf32>
        %get3A_266 = arith.index_cast %scan3A_184 : i32 to index
        %get3A_267 = arith.index_cast %add3A_261 : i32 to index
        %get3A_268 = tpu.vector_load %arg11[%get3A_266, %get3A_267] {strides = array<i32>} : memref<16x1024xf32, #tpu.memory_space<vmem>>, vector<1x16xf32>,
        %get3A_269 = vector.shape_cast %get3A_268 : vector<1x16xf32> to vector<16xf32>
        %add3A_270 = arith.addf %get3A_265, %get3A_269 : vector<16xf32>
        %get3A_271 = arith.index_cast %scan3A_184 : i32 to index
        %get3A_272 = arith.index_cast %add3A_261 : i32 to index
        %get3A_273 = tpu.vector_load %arg13[%get3A_271, %get3A_272] {strides = array<i32>} : memref<16x1024xf32, #tpu.memory_space<vmem>>, vector<1x16xf32>,
        %get3A_274 = vector.shape_cast %get3A_273 : vector<1x16xf32> to vector<16xf32>
        %add3A_275 = arith.addf %add3A_270, %get3A_274 : vector<16xf32>
        %swap3A_276 = arith.index_cast %scan3A_184 : i32 to index
        %swap3A_277 = arith.index_cast %add3A_261 : i32 to index
        %swap3A_278 = tpu.vector_load %arg9[%swap3A_276, %swap3A_277] {strides = array<i32>} : memref<16x1024xf32, #tpu.memory_space<vmem>>, vector<1x16xf32>,
        %swap3A_279 = vector.shape_cast %swap3A_278 : vector<1x16xf32> to vector<16xf32>
        %swap3A_280 = vector.shape_cast %add3A_275 : vector<16xf32> to vector<1x16xf32>
        tpu.vector_store %arg9[%swap3A_276, %swap3A_277], %swap3A_280 {strides = array<i32>} : memref<16x1024xf32, #tpu.memory_space<vmem>>, vector<1x16xf32>,
      }
      %scan3A_189 = arith.constant 16 : i32
    }
    %scan3A_143 = arith.constant 16 : i32
    %add3A_144 = arith.constant 32 : i32
    %add3A_145 = arith.addi %mul3A_2, %add3A_144 : i32
    %dma_start3A_146 = arith.constant 0 : i32
    %dma_start3A_147 = tpu.memref_slice %arg6[%add3A_145, %dma_start3A_146] : memref<2048x1024xf32, #tpu.memory_space<hbm>> -> memref<16x1024xf32, #tpu.memory_space<hbm>>
    %dma_start3A_148 = arith.constant 0 : i32
    %dma_start3A_149 = tpu.memref_slice %arg6[%add3A_145, %dma_start3A_148] : memref<2048x1024xf32, #tpu.memory_space<hbm>> -> memref<16x1024xf32, #tpu.memory_space<hbm>>
    tpu.enqueue_dma source(%arg9 : memref<16x1024xf32, #tpu.memory_space<vmem>>) target(%dma_start3A_149 : memref<16x1024xf32, #tpu.memory_space<hbm>>) target_semaphore(%arg17 : memref<!tpu.dma_semaphore, #tpu.memory_space<semaphore_mem>>)
    %dma_wait3A_150 = arith.constant 0 : i32
    %dma_wait3A_151 = tpu.memref_slice %arg2[%add3A_109, %dma_wait3A_150] : memref<2048x1024xf32, #tpu.memory_space<hbm>> -> memref<16x1024xf32, #tpu.memory_space<hbm>>
    %dma_wait3A_152 = arith.constant 0 : i32
    %dma_wait3A_153 = tpu.memref_slice %arg2[%add3A_109, %dma_wait3A_152] : memref<2048x1024xf32, #tpu.memory_space<hbm>> -> memref<16x1024xf32, #tpu.memory_space<hbm>>
    tpu.wait_dma2 semaphore(%arg16 : memref<!tpu.dma_semaphore, #tpu.memory_space<semaphore_mem>>) src(%dma_wait3A_153 : memref<16x1024xf32, #tpu.memory_space<hbm>>) dst(%arg10 : memref<16x1024xf32, #tpu.memory_space<vmem>>)
    %dma_wait3A_154 = arith.constant 48 : i32
    %dma_wait3A_155 = tpu.memref_slice %arg7[%dma_wait3A_154] : memref<64xi32, #tpu.memory_space<vmem>> -> memref<16xi32, #tpu.memory_space<vmem>>
    %dma_wait3A_156 = arith.constant 0 : i32
    %dma_wait3A_157 = arith.constant 0 : i32
    %dma_wait3A_158 = tpu.memref_slice %arg3[%dma_wait3A_156, %dma_wait3A_157] : memref<6144x1024xf32, #tpu.memory_space<hbm>> -> memref<6144x1024xf32, #tpu.memory_space<hbm>>
    tpu.wait_indirect_dma semaphore(%arg16 : memref<!tpu.dma_semaphore, #tpu.memory_space<semaphore_mem>>) src(%dma_wait3A_158 : memref<6144x1024xf32, #tpu.memory_space<hbm>>) dst(%arg12 : memref<16x1024xf32, #tpu.memory_space<vmem>>)
    %dma_wait3A_159 = arith.constant 48 : i32
    %dma_wait3A_160 = tpu.memref_slice %arg8[%dma_wait3A_159] : memref<64xi32, #tpu.memory_space<vmem>> -> memref<16xi32, #tpu.memory_space<vmem>>
    %dma_wait3A_161 = arith.constant 0 : i32
    %dma_wait3A_162 = arith.constant 0 : i32
    %dma_wait3A_163 = tpu.memref_slice %arg3[%dma_wait3A_161, %dma_wait3A_162] : memref<6144x1024xf32, #tpu.memory_space<hbm>> -> memref<6144x1024xf32, #tpu.memory_space<hbm>>
    tpu.wait_indirect_dma semaphore(%arg16 : memref<!tpu.dma_semaphore, #tpu.memory_space<semaphore_mem>>) src(%dma_wait3A_163 : memref<6144x1024xf32, #tpu.memory_space<hbm>>) dst(%arg14 : memref<16x1024xf32, #tpu.memory_space<vmem>>)
    %scan3A_164 = arith.constant 0 : i32
    %scan3A_165 = arith.constant 0 : i32
    %scan3A_166 = arith.constant 16 : i32
    %scan3A_167 = arith.addi %scan3A_165, %scan3A_166 : i32
    %scan3A_168 = arith.constant 1 : i32
    scf.for %scan3A_184 = %scan3A_165 to %scan3A_167 step %scan3A_168  : i32 {
      %scan3A_185 = arith.constant 0 : i32
      %scan3A_186 = arith.constant 16 : i32
      %scan3A_187 = arith.addi %scan3A_185, %scan3A_186 : i32
      %scan3A_188 = arith.constant 1 : i32
      scf.for %scan3A_190 = %scan3A_185 to %scan3A_187 step %scan3A_188  : i32 {
        %mul3A_191 = arith.constant 64 : i32
        %mul3A_192 = arith.muli %scan3A_190, %mul3A_191 : i32
        %add3A_193 = arith.constant 0 : i32
        %add3A_194 = arith.addi %mul3A_192, %add3A_193 : i32
        %get3A = arith.index_cast %scan3A_184 : i32 to index
        %get3A_195 = arith.index_cast %add3A_194 : i32 to index
        %get3A_196 = tpu.vector_load %arg10[%get3A, %get3A_195] {strides = array<i32>} : memref<16x1024xf32, #tpu.memory_space<vmem>>, vector<1x16xf32>,
        %get3A_197 = vector.shape_cast %get3A_196 : vector<1x16xf32> to vector<16xf32>
        %get3A_198 = arith.index_cast %scan3A_184 : i32 to index
        %get3A_199 = arith.index_cast %add3A_194 : i32 to index
        %get3A_200 = tpu.vector_load %arg12[%get3A_198, %get3A_199] {strides = array<i32>} : memref<16x1024xf32, #tpu.memory_space<vmem>>, vector<1x16xf32>,
        %get3A_201 = vector.shape_cast %get3A_200 : vector<1x16xf32> to vector<16xf32>
        %add3A_202 = arith.addf %get3A_197, %get3A_201 : vector<16xf32>
        %get3A_203 = arith.index_cast %scan3A_184 : i32 to index
        %get3A_204 = arith.index_cast %add3A_194 : i32 to index
        %get3A_205 = tpu.vector_load %arg14[%get3A_203, %get3A_204] {strides = array<i32>} : memref<16x1024xf32, #tpu.memory_space<vmem>>, vector<1x16xf32>,
        %get3A_206 = vector.shape_cast %get3A_205 : vector<1x16xf32> to vector<16xf32>
        %add3A_207 = arith.addf %add3A_202, %get3A_206 : vector<16xf32>
        %swap3A = arith.index_cast %scan3A_184 : i32 to index
        %swap3A_208 = arith.index_cast %add3A_194 : i32 to index
        %swap3A_209 = tpu.vector_load %arg10[%swap3A, %swap3A_208] {strides = array<i32>} : memref<16x1024xf32, #tpu.memory_space<vmem>>, vector<1x16xf32>,
        %swap3A_210 = vector.shape_cast %swap3A_209 : vector<1x16xf32> to vector<16xf32>
        %swap3A_211 = vector.shape_cast %add3A_207 : vector<16xf32> to vector<1x16xf32>
        tpu.vector_store %arg10[%swap3A, %swap3A_208], %swap3A_211 {strides = array<i32>} : memref<16x1024xf32, #tpu.memory_space<vmem>>, vector<1x16xf32>,
        %mul3A_212 = arith.constant 64 : i32
        %mul3A_213 = arith.muli %scan3A_190, %mul3A_212 : i32
        %add3A_214 = arith.constant 16 : i32
        %add3A_215 = arith.addi %mul3A_213, %add3A_214 : i32
        %get3A_216 = arith.index_cast %scan3A_184 : i32 to index
        %get3A_217 = arith.index_cast %add3A_215 : i32 to index
        %get3A_218 = tpu.vector_load %arg10[%get3A_216, %get3A_217] {strides = array<i32>} : memref<16x1024xf32, #tpu.memory_space<vmem>>, vector<1x16xf32>,
        %get3A_219 = vector.shape_cast %get3A_218 : vector<1x16xf32> to vector<16xf32>
        %get3A_220 = arith.index_cast %scan3A_184 : i32 to index
        %get3A_221 = arith.index_cast %add3A_215 : i32 to index
        %get3A_222 = tpu.vector_load %arg12[%get3A_220, %get3A_221] {strides = array<i32>} : memref<16x1024xf32, #tpu.memory_space<vmem>>, vector<1x16xf32>,
        %get3A_223 = vector.shape_cast %get3A_222 : vector<1x16xf32> to vector<16xf32>
        %add3A_224 = arith.addf %get3A_219, %get3A_223 : vector<16xf32>
        %get3A_225 = arith.index_cast %scan3A_184 : i32 to index
        %get3A_226 = arith.index_cast %add3A_215 : i32 to index
        %get3A_227 = tpu.vector_load %arg14[%get3A_225, %get3A_226] {strides = array<i32>} : memref<16x1024xf32, #tpu.memory_space<vmem>>, vector<1x16xf32>,
        %get3A_228 = vector.shape_cast %get3A_227 : vector<1x16xf32> to vector<16xf32>
        %add3A_229 = arith.addf %add3A_224, %get3A_228 : vector<16xf32>
        %swap3A_230 = arith.index_cast %scan3A_184 : i32 to index
        %swap3A_231 = arith.index_cast %add3A_215 : i32 to index
        %swap3A_232 = tpu.vector_load %arg10[%swap3A_230, %swap3A_231] {strides = array<i32>} : memref<16x1024xf32, #tpu.memory_space<vmem>>, vector<1x16xf32>,
        %swap3A_233 = vector.shape_cast %swap3A_232 : vector<1x16xf32> to vector<16xf32>
        %swap3A_234 = vector.shape_cast %add3A_229 : vector<16xf32> to vector<1x16xf32>
        tpu.vector_store %arg10[%swap3A_230, %swap3A_231], %swap3A_234 {strides = array<i32>} : memref<16x1024xf32, #tpu.memory_space<vmem>>, vector<1x16xf32>,
        %mul3A_235 = arith.constant 64 : i32
        %mul3A_236 = arith.muli %scan3A_190, %mul3A_235 : i32
        %add3A_237 = arith.constant 32 : i32
        %add3A_238 = arith.addi %mul3A_236, %add3A_237 : i32
        %get3A_239 = arith.index_cast %scan3A_184 : i32 to index
        %get3A_240 = arith.index_cast %add3A_238 : i32 to index
        %get3A_241 = tpu.vector_load %arg10[%get3A_239, %get3A_240] {strides = array<i32>} : memref<16x1024xf32, #tpu.memory_space<vmem>>, vector<1x16xf32>,
        %get3A_242 = vector.shape_cast %get3A_241 : vector<1x16xf32> to vector<16xf32>
        %get3A_243 = arith.index_cast %scan3A_184 : i32 to index
        %get3A_244 = arith.index_cast %add3A_238 : i32 to index
        %get3A_245 = tpu.vector_load %arg12[%get3A_243, %get3A_244] {strides = array<i32>} : memref<16x1024xf32, #tpu.memory_space<vmem>>, vector<1x16xf32>,
        %get3A_246 = vector.shape_cast %get3A_245 : vector<1x16xf32> to vector<16xf32>
        %add3A_247 = arith.addf %get3A_242, %get3A_246 : vector<16xf32>
        %get3A_248 = arith.index_cast %scan3A_184 : i32 to index
        %get3A_249 = arith.index_cast %add3A_238 : i32 to index
        %get3A_250 = tpu.vector_load %arg14[%get3A_248, %get3A_249] {strides = array<i32>} : memref<16x1024xf32, #tpu.memory_space<vmem>>, vector<1x16xf32>,
        %get3A_251 = vector.shape_cast %get3A_250 : vector<1x16xf32> to vector<16xf32>
        %add3A_252 = arith.addf %add3A_247, %get3A_251 : vector<16xf32>
        %swap3A_253 = arith.index_cast %scan3A_184 : i32 to index
        %swap3A_254 = arith.index_cast %add3A_238 : i32 to index
        %swap3A_255 = tpu.vector_load %arg10[%swap3A_253, %swap3A_254] {strides = array<i32>} : memref<16x1024xf32, #tpu.memory_space<vmem>>, vector<1x16xf32>,
        %swap3A_256 = vector.shape_cast %swap3A_255 : vector<1x16xf32> to vector<16xf32>
        %swap3A_257 = vector.shape_cast %add3A_252 : vector<16xf32> to vector<1x16xf32>
        tpu.vector_store %arg10[%swap3A_253, %swap3A_254], %swap3A_257 {strides = array<i32>} : memref<16x1024xf32, #tpu.memory_space<vmem>>, vector<1x16xf32>,
        %mul3A_258 = arith.constant 64 : i32
        %mul3A_259 = arith.muli %scan3A_190, %mul3A_258 : i32
        %add3A_260 = arith.constant 48 : i32
        %add3A_261 = arith.addi %mul3A_259, %add3A_260 : i32
        %get3A_262 = arith.index_cast %scan3A_184 : i32 to index
        %get3A_263 = arith.index_cast %add3A_261 : i32 to index
        %get3A_264 = tpu.vector_load %arg10[%get3A_262, %get3A_263] {strides = array<i32>} : memref<16x1024xf32, #tpu.memory_space<vmem>>, vector<1x16xf32>,
        %get3A_265 = vector.shape_cast %get3A_264 : vector<1x16xf32> to vector<16xf32>
        %get3A_266 = arith.index_cast %scan3A_184 : i32 to index
        %get3A_267 = arith.index_cast %add3A_261 : i32 to index
        %get3A_268 = tpu.vector_load %arg12[%get3A_266, %get3A_267] {strides = array<i32>} : memref<16x1024xf32, #tpu.memory_space<vmem>>, vector<1x16xf32>,
        %get3A_269 = vector.shape_cast %get3A_268 : vector<1x16xf32> to vector<16xf32>
        %add3A_270 = arith.addf %get3A_265, %get3A_269 : vector<16xf32>
        %get3A_271 = arith.index_cast %scan3A_184 : i32 to index
        %get3A_272 = arith.index_cast %add3A_261 : i32 to index
        %get3A_273 = tpu.vector_load %arg14[%get3A_271, %get3A_272] {strides = array<i32>} : memref<16x1024xf32, #tpu.memory_space<vmem>>, vector<1x16xf32>,
        %get3A_274 = vector.shape_cast %get3A_273 : vector<1x16xf32> to vector<16xf32>
        %add3A_275 = arith.addf %add3A_270, %get3A_274 : vector<16xf32>
        %swap3A_276 = arith.index_cast %scan3A_184 : i32 to index
        %swap3A_277 = arith.index_cast %add3A_261 : i32 to index
        %swap3A_278 = tpu.vector_load %arg10[%swap3A_276, %swap3A_277] {strides = array<i32>} : memref<16x1024xf32, #tpu.memory_space<vmem>>, vector<1x16xf32>,
        %swap3A_279 = vector.shape_cast %swap3A_278 : vector<1x16xf32> to vector<16xf32>
        %swap3A_280 = vector.shape_cast %add3A_275 : vector<16xf32> to vector<1x16xf32>
        tpu.vector_store %arg10[%swap3A_276, %swap3A_277], %swap3A_280 {strides = array<i32>} : memref<16x1024xf32, #tpu.memory_space<vmem>>, vector<1x16xf32>,
      }
      %scan3A_189 = arith.constant 16 : i32
    }
    %scan3A_169 = arith.constant 16 : i32
    %add3A_170 = arith.constant 48 : i32
    %add3A_171 = arith.addi %mul3A_2, %add3A_170 : i32
    %dma_start3A_172 = arith.constant 0 : i32
    %dma_start3A_173 = tpu.memref_slice %arg6[%add3A_171, %dma_start3A_172] : memref<2048x1024xf32, #tpu.memory_space<hbm>> -> memref<16x1024xf32, #tpu.memory_space<hbm>>
    %dma_start3A_174 = arith.constant 0 : i32
    %dma_start3A_175 = tpu.memref_slice %arg6[%add3A_171, %dma_start3A_174] : memref<2048x1024xf32, #tpu.memory_space<hbm>> -> memref<16x1024xf32, #tpu.memory_space<hbm>>
    tpu.enqueue_dma source(%arg10 : memref<16x1024xf32, #tpu.memory_space<vmem>>) target(%dma_start3A_175 : memref<16x1024xf32, #tpu.memory_space<hbm>>) target_semaphore(%arg18 : memref<!tpu.dma_semaphore, #tpu.memory_space<semaphore_mem>>)
    %dma_wait3A_176 = arith.constant 0 : i32
    %dma_wait3A_177 = tpu.memref_slice %arg6[%add3A_145, %dma_wait3A_176] : memref<2048x1024xf32, #tpu.memory_space<hbm>> -> memref<16x1024xf32, #tpu.memory_space<hbm>>
    %dma_wait3A_178 = arith.constant 0 : i32
    %dma_wait3A_179 = tpu.memref_slice %arg6[%add3A_145, %dma_wait3A_178] : memref<2048x1024xf32, #tpu.memory_space<hbm>> -> memref<16x1024xf32, #tpu.memory_space<hbm>>
    tpu.wait_dma2 semaphore(%arg17 : memref<!tpu.dma_semaphore, #tpu.memory_space<semaphore_mem>>) src(%arg9 : memref<16x1024xf32, #tpu.memory_space<vmem>>) dst(%dma_wait3A_179 : memref<16x1024xf32, #tpu.memory_space<hbm>>)
    %dma_wait3A_180 = arith.constant 0 : i32
    %dma_wait3A_181 = tpu.memref_slice %arg6[%add3A_171, %dma_wait3A_180] : memref<2048x1024xf32, #tpu.memory_space<hbm>> -> memref<16x1024xf32, #tpu.memory_space<hbm>>
    %dma_wait3A_182 = arith.constant 0 : i32
    %dma_wait3A_183 = tpu.memref_slice %arg6[%add3A_171, %dma_wait3A_182] : memref<2048x1024xf32, #tpu.memory_space<hbm>> -> memref<16x1024xf32, #tpu.memory_space<hbm>>
    tpu.wait_dma2 semaphore(%arg18 : memref<!tpu.dma_semaphore, #tpu.memory_space<semaphore_mem>>) src(%arg10 : memref<16x1024xf32, #tpu.memory_space<vmem>>) dst(%dma_wait3A_183 : memref<16x1024xf32, #tpu.memory_space<hbm>>)
    return
  }
}

#map = affine_map<(d0, d1) -> (0, 0)>
#map1 = affine_map<(d0, d1) -> (0)>
module attributes {stable_mosaic.version = 14 : i64} {
  func.func @k(%arg0: i32, %arg1: i32, %arg2: memref<2048x1024xf32, #tpu.memory_space<hbm>>, %arg3: memref<6144xi32, #tpu.memory_space<hbm>>, %arg4: memref<6144x1024xf32, #tpu.memory_space<hbm>>, %arg5: memref<192xi32, #tpu.memory_space<vmem>>, %arg6: memref<24x1024xf32, #tpu.memory_space<vmem>>, %arg7: memref<24x1024xf32, #tpu.memory_space<vmem>>, %arg8: memref<24x1024xf32, #tpu.memory_space<vmem>>, %arg9: memref<24x1024xf32, #tpu.memory_space<vmem>>, %arg10: memref<!tpu.dma_semaphore, #tpu.memory_space<semaphore_mem>>, %arg11: memref<!tpu.dma_semaphore, #tpu.memory_space<semaphore_mem>>, %arg12: memref<!tpu.dma_semaphore, #tpu.memory_space<semaphore_mem>>, %arg13: memref<!tpu.dma_semaphore, #tpu.memory_space<semaphore_mem>>, %arg14: memref<!tpu.dma_semaphore, #tpu.memory_space<semaphore_mem>>, %arg15: memref<!tpu.dma_semaphore, #tpu.memory_space<semaphore_mem>>, %arg16: memref<!tpu.dma_semaphore, #tpu.memory_space<semaphore_mem>>, %arg17: memref<!tpu.dma_semaphore, #tpu.memory_space<semaphore_mem>>) attributes {dimension_semantics = [#tpu.dimension_semantics<core_parallel>, #tpu.dimension_semantics<subcore_parallel>], iteration_bounds = array<i64: 2, 16>, scalar_prefetch = 0 : i64, scratch_operands = 13 : i64, tpu.core_type = #tpu.core_type<sc_vector_subcore>, window_params = [{transform_indices = #map}, {transform_indices = #map1}, {transform_indices = #map}]} {
    %mul3A = arith.constant 2 : i32
    %mul3A_0 = arith.muli %arg1, %mul3A : i32
    %add3A = arith.addi %mul3A_0, %arg0 : i32
    %mul3A_1 = arith.constant 192 : i32
    %mul3A_2 = arith.muli %add3A, %mul3A_1 : i32
    "tpu.region"() ({
      %run_scoped3A = tpu.sem_alloc : memref<!tpu.dma_semaphore, #tpu.memory_space<semaphore_mem>>
      %dma_start3A_161 = tpu.memref_slice %arg3[%mul3A_2] : memref<6144xi32, #tpu.memory_space<hbm>> -> memref<192xi32, #tpu.memory_space<hbm>>
      %dma_start3A_162 = tpu.memref_slice %arg3[%mul3A_2] : memref<6144xi32, #tpu.memory_space<hbm>> -> memref<192xi32, #tpu.memory_space<hbm>>
      tpu.enqueue_dma source(%dma_start3A_162 : memref<192xi32, #tpu.memory_space<hbm>>) target(%arg5 : memref<192xi32, #tpu.memory_space<vmem>>) target_semaphore(%run_scoped3A : memref<!tpu.dma_semaphore, #tpu.memory_space<semaphore_mem>>)
      %dma_wait3A_163 = tpu.memref_slice %arg3[%mul3A_2] : memref<6144xi32, #tpu.memory_space<hbm>> -> memref<192xi32, #tpu.memory_space<hbm>>
      %dma_wait3A_164 = tpu.memref_slice %arg3[%mul3A_2] : memref<6144xi32, #tpu.memory_space<hbm>> -> memref<192xi32, #tpu.memory_space<hbm>>
      tpu.wait_dma2 semaphore(%run_scoped3A : memref<!tpu.dma_semaphore, #tpu.memory_space<semaphore_mem>>) src(%dma_wait3A_164 : memref<192xi32, #tpu.memory_space<hbm>>) dst(%arg5 : memref<192xi32, #tpu.memory_space<vmem>>)
      tpu.yield
    }) : () -> ()
    %dma_start3A = arith.constant 0 : i32
    %dma_start3A_3 = tpu.memref_slice %arg5[%dma_start3A] : memref<192xi32, #tpu.memory_space<vmem>> -> memref<24xi32, #tpu.memory_space<vmem>>
    %dma_start3A_4 = arith.constant 0 : i32
    %dma_start3A_5 = arith.constant 0 : i32
    %dma_start3A_6 = tpu.memref_slice %arg2[%dma_start3A_4, %dma_start3A_5] : memref<2048x1024xf32, #tpu.memory_space<hbm>> -> memref<2048x1024xf32, #tpu.memory_space<hbm>>
    tpu.enqueue_indirect_dma source(%dma_start3A_6 : memref<2048x1024xf32, #tpu.memory_space<hbm>>) target(%arg6 : memref<24x1024xf32, #tpu.memory_space<vmem>>) offsets(%dma_start3A_3 : memref<24xi32, #tpu.memory_space<vmem>>) semaphore(%arg10 : memref<!tpu.dma_semaphore, #tpu.memory_space<semaphore_mem>>)
    %dma_start3A_7 = arith.constant 24 : i32
    %dma_start3A_8 = tpu.memref_slice %arg5[%dma_start3A_7] : memref<192xi32, #tpu.memory_space<vmem>> -> memref<24xi32, #tpu.memory_space<vmem>>
    %dma_start3A_9 = arith.constant 0 : i32
    %dma_start3A_10 = arith.constant 0 : i32
    %dma_start3A_11 = tpu.memref_slice %arg2[%dma_start3A_9, %dma_start3A_10] : memref<2048x1024xf32, #tpu.memory_space<hbm>> -> memref<2048x1024xf32, #tpu.memory_space<hbm>>
    tpu.enqueue_indirect_dma source(%dma_start3A_11 : memref<2048x1024xf32, #tpu.memory_space<hbm>>) target(%arg7 : memref<24x1024xf32, #tpu.memory_space<vmem>>) offsets(%dma_start3A_8 : memref<24xi32, #tpu.memory_space<vmem>>) semaphore(%arg11 : memref<!tpu.dma_semaphore, #tpu.memory_space<semaphore_mem>>)
    %dma_start3A_12 = arith.constant 48 : i32
    %dma_start3A_13 = tpu.memref_slice %arg5[%dma_start3A_12] : memref<192xi32, #tpu.memory_space<vmem>> -> memref<24xi32, #tpu.memory_space<vmem>>
    %dma_start3A_14 = arith.constant 0 : i32
    %dma_start3A_15 = arith.constant 0 : i32
    %dma_start3A_16 = tpu.memref_slice %arg2[%dma_start3A_14, %dma_start3A_15] : memref<2048x1024xf32, #tpu.memory_space<hbm>> -> memref<2048x1024xf32, #tpu.memory_space<hbm>>
    tpu.enqueue_indirect_dma source(%dma_start3A_16 : memref<2048x1024xf32, #tpu.memory_space<hbm>>) target(%arg8 : memref<24x1024xf32, #tpu.memory_space<vmem>>) offsets(%dma_start3A_13 : memref<24xi32, #tpu.memory_space<vmem>>) semaphore(%arg12 : memref<!tpu.dma_semaphore, #tpu.memory_space<semaphore_mem>>)
    %dma_start3A_17 = arith.constant 72 : i32
    %dma_start3A_18 = tpu.memref_slice %arg5[%dma_start3A_17] : memref<192xi32, #tpu.memory_space<vmem>> -> memref<24xi32, #tpu.memory_space<vmem>>
    %dma_start3A_19 = arith.constant 0 : i32
    %dma_start3A_20 = arith.constant 0 : i32
    %dma_start3A_21 = tpu.memref_slice %arg2[%dma_start3A_19, %dma_start3A_20] : memref<2048x1024xf32, #tpu.memory_space<hbm>> -> memref<2048x1024xf32, #tpu.memory_space<hbm>>
    tpu.enqueue_indirect_dma source(%dma_start3A_21 : memref<2048x1024xf32, #tpu.memory_space<hbm>>) target(%arg9 : memref<24x1024xf32, #tpu.memory_space<vmem>>) offsets(%dma_start3A_18 : memref<24xi32, #tpu.memory_space<vmem>>) semaphore(%arg13 : memref<!tpu.dma_semaphore, #tpu.memory_space<semaphore_mem>>)
    %dma_wait3A = arith.constant 0 : i32
    %dma_wait3A_22 = tpu.memref_slice %arg5[%dma_wait3A] : memref<192xi32, #tpu.memory_space<vmem>> -> memref<24xi32, #tpu.memory_space<vmem>>
    %dma_wait3A_23 = arith.constant 0 : i32
    %dma_wait3A_24 = arith.constant 0 : i32
    %dma_wait3A_25 = tpu.memref_slice %arg2[%dma_wait3A_23, %dma_wait3A_24] : memref<2048x1024xf32, #tpu.memory_space<hbm>> -> memref<2048x1024xf32, #tpu.memory_space<hbm>>
    tpu.wait_indirect_dma semaphore(%arg10 : memref<!tpu.dma_semaphore, #tpu.memory_space<semaphore_mem>>) src(%dma_wait3A_25 : memref<2048x1024xf32, #tpu.memory_space<hbm>>) dst(%arg6 : memref<24x1024xf32, #tpu.memory_space<vmem>>)
    %add3A_26 = arith.constant 0 : i32
    %add3A_27 = arith.addi %mul3A_2, %add3A_26 : i32
    %dma_start3A_28 = arith.constant 0 : i32
    %dma_start3A_29 = tpu.memref_slice %arg4[%add3A_27, %dma_start3A_28] : memref<6144x1024xf32, #tpu.memory_space<hbm>> -> memref<24x1024xf32, #tpu.memory_space<hbm>>
    %dma_start3A_30 = arith.constant 0 : i32
    %dma_start3A_31 = tpu.memref_slice %arg4[%add3A_27, %dma_start3A_30] : memref<6144x1024xf32, #tpu.memory_space<hbm>> -> memref<24x1024xf32, #tpu.memory_space<hbm>>
    tpu.enqueue_dma source(%arg6 : memref<24x1024xf32, #tpu.memory_space<vmem>>) target(%dma_start3A_31 : memref<24x1024xf32, #tpu.memory_space<hbm>>) target_semaphore(%arg14 : memref<!tpu.dma_semaphore, #tpu.memory_space<semaphore_mem>>)
    %dma_wait3A_32 = arith.constant 0 : i32
    %dma_wait3A_33 = tpu.memref_slice %arg4[%add3A_27, %dma_wait3A_32] : memref<6144x1024xf32, #tpu.memory_space<hbm>> -> memref<24x1024xf32, #tpu.memory_space<hbm>>
    %dma_wait3A_34 = arith.constant 0 : i32
    %dma_wait3A_35 = tpu.memref_slice %arg4[%add3A_27, %dma_wait3A_34] : memref<6144x1024xf32, #tpu.memory_space<hbm>> -> memref<24x1024xf32, #tpu.memory_space<hbm>>
    tpu.wait_dma2 semaphore(%arg14 : memref<!tpu.dma_semaphore, #tpu.memory_space<semaphore_mem>>) src(%arg6 : memref<24x1024xf32, #tpu.memory_space<vmem>>) dst(%dma_wait3A_35 : memref<24x1024xf32, #tpu.memory_space<hbm>>)
    %dma_start3A_36 = arith.constant 96 : i32
    %dma_start3A_37 = tpu.memref_slice %arg5[%dma_start3A_36] : memref<192xi32, #tpu.memory_space<vmem>> -> memref<24xi32, #tpu.memory_space<vmem>>
    %dma_start3A_38 = arith.constant 0 : i32
    %dma_start3A_39 = arith.constant 0 : i32
    %dma_start3A_40 = tpu.memref_slice %arg2[%dma_start3A_38, %dma_start3A_39] : memref<2048x1024xf32, #tpu.memory_space<hbm>> -> memref<2048x1024xf32, #tpu.memory_space<hbm>>
    tpu.enqueue_indirect_dma source(%dma_start3A_40 : memref<2048x1024xf32, #tpu.memory_space<hbm>>) target(%arg6 : memref<24x1024xf32, #tpu.memory_space<vmem>>) offsets(%dma_start3A_37 : memref<24xi32, #tpu.memory_space<vmem>>) semaphore(%arg10 : memref<!tpu.dma_semaphore, #tpu.memory_space<semaphore_mem>>)
    %dma_wait3A_41 = arith.constant 24 : i32
    %dma_wait3A_42 = tpu.memref_slice %arg5[%dma_wait3A_41] : memref<192xi32, #tpu.memory_space<vmem>> -> memref<24xi32, #tpu.memory_space<vmem>>
    %dma_wait3A_43 = arith.constant 0 : i32
    %dma_wait3A_44 = arith.constant 0 : i32
    %dma_wait3A_45 = tpu.memref_slice %arg2[%dma_wait3A_43, %dma_wait3A_44] : memref<2048x1024xf32, #tpu.memory_space<hbm>> -> memref<2048x1024xf32, #tpu.memory_space<hbm>>
    tpu.wait_indirect_dma semaphore(%arg11 : memref<!tpu.dma_semaphore, #tpu.memory_space<semaphore_mem>>) src(%dma_wait3A_45 : memref<2048x1024xf32, #tpu.memory_space<hbm>>) dst(%arg7 : memref<24x1024xf32, #tpu.memory_space<vmem>>)
    %add3A_46 = arith.constant 24 : i32
    %add3A_47 = arith.addi %mul3A_2, %add3A_46 : i32
    %dma_start3A_48 = arith.constant 0 : i32
    %dma_start3A_49 = tpu.memref_slice %arg4[%add3A_47, %dma_start3A_48] : memref<6144x1024xf32, #tpu.memory_space<hbm>> -> memref<24x1024xf32, #tpu.memory_space<hbm>>
    %dma_start3A_50 = arith.constant 0 : i32
    %dma_start3A_51 = tpu.memref_slice %arg4[%add3A_47, %dma_start3A_50] : memref<6144x1024xf32, #tpu.memory_space<hbm>> -> memref<24x1024xf32, #tpu.memory_space<hbm>>
    tpu.enqueue_dma source(%arg7 : memref<24x1024xf32, #tpu.memory_space<vmem>>) target(%dma_start3A_51 : memref<24x1024xf32, #tpu.memory_space<hbm>>) target_semaphore(%arg15 : memref<!tpu.dma_semaphore, #tpu.memory_space<semaphore_mem>>)
    %dma_wait3A_52 = arith.constant 0 : i32
    %dma_wait3A_53 = tpu.memref_slice %arg4[%add3A_47, %dma_wait3A_52] : memref<6144x1024xf32, #tpu.memory_space<hbm>> -> memref<24x1024xf32, #tpu.memory_space<hbm>>
    %dma_wait3A_54 = arith.constant 0 : i32
    %dma_wait3A_55 = tpu.memref_slice %arg4[%add3A_47, %dma_wait3A_54] : memref<6144x1024xf32, #tpu.memory_space<hbm>> -> memref<24x1024xf32, #tpu.memory_space<hbm>>
    tpu.wait_dma2 semaphore(%arg15 : memref<!tpu.dma_semaphore, #tpu.memory_space<semaphore_mem>>) src(%arg7 : memref<24x1024xf32, #tpu.memory_space<vmem>>) dst(%dma_wait3A_55 : memref<24x1024xf32, #tpu.memory_space<hbm>>)
    %dma_start3A_56 = arith.constant 120 : i32
    %dma_start3A_57 = tpu.memref_slice %arg5[%dma_start3A_56] : memref<192xi32, #tpu.memory_space<vmem>> -> memref<24xi32, #tpu.memory_space<vmem>>
    %dma_start3A_58 = arith.constant 0 : i32
    %dma_start3A_59 = arith.constant 0 : i32
    %dma_start3A_60 = tpu.memref_slice %arg2[%dma_start3A_58, %dma_start3A_59] : memref<2048x1024xf32, #tpu.memory_space<hbm>> -> memref<2048x1024xf32, #tpu.memory_space<hbm>>
    tpu.enqueue_indirect_dma source(%dma_start3A_60 : memref<2048x1024xf32, #tpu.memory_space<hbm>>) target(%arg7 : memref<24x1024xf32, #tpu.memory_space<vmem>>) offsets(%dma_start3A_57 : memref<24xi32, #tpu.memory_space<vmem>>) semaphore(%arg11 : memref<!tpu.dma_semaphore, #tpu.memory_space<semaphore_mem>>)
    %dma_wait3A_61 = arith.constant 48 : i32
    %dma_wait3A_62 = tpu.memref_slice %arg5[%dma_wait3A_61] : memref<192xi32, #tpu.memory_space<vmem>> -> memref<24xi32, #tpu.memory_space<vmem>>
    %dma_wait3A_63 = arith.constant 0 : i32
    %dma_wait3A_64 = arith.constant 0 : i32
    %dma_wait3A_65 = tpu.memref_slice %arg2[%dma_wait3A_63, %dma_wait3A_64] : memref<2048x1024xf32, #tpu.memory_space<hbm>> -> memref<2048x1024xf32, #tpu.memory_space<hbm>>
    tpu.wait_indirect_dma semaphore(%arg12 : memref<!tpu.dma_semaphore, #tpu.memory_space<semaphore_mem>>) src(%dma_wait3A_65 : memref<2048x1024xf32, #tpu.memory_space<hbm>>) dst(%arg8 : memref<24x1024xf32, #tpu.memory_space<vmem>>)
    %add3A_66 = arith.constant 48 : i32
    %add3A_67 = arith.addi %mul3A_2, %add3A_66 : i32
    %dma_start3A_68 = arith.constant 0 : i32
    %dma_start3A_69 = tpu.memref_slice %arg4[%add3A_67, %dma_start3A_68] : memref<6144x1024xf32, #tpu.memory_space<hbm>> -> memref<24x1024xf32, #tpu.memory_space<hbm>>
    %dma_start3A_70 = arith.constant 0 : i32
    %dma_start3A_71 = tpu.memref_slice %arg4[%add3A_67, %dma_start3A_70] : memref<6144x1024xf32, #tpu.memory_space<hbm>> -> memref<24x1024xf32, #tpu.memory_space<hbm>>
    tpu.enqueue_dma source(%arg8 : memref<24x1024xf32, #tpu.memory_space<vmem>>) target(%dma_start3A_71 : memref<24x1024xf32, #tpu.memory_space<hbm>>) target_semaphore(%arg16 : memref<!tpu.dma_semaphore, #tpu.memory_space<semaphore_mem>>)
    %dma_wait3A_72 = arith.constant 0 : i32
    %dma_wait3A_73 = tpu.memref_slice %arg4[%add3A_67, %dma_wait3A_72] : memref<6144x1024xf32, #tpu.memory_space<hbm>> -> memref<24x1024xf32, #tpu.memory_space<hbm>>
    %dma_wait3A_74 = arith.constant 0 : i32
    %dma_wait3A_75 = tpu.memref_slice %arg4[%add3A_67, %dma_wait3A_74] : memref<6144x1024xf32, #tpu.memory_space<hbm>> -> memref<24x1024xf32, #tpu.memory_space<hbm>>
    tpu.wait_dma2 semaphore(%arg16 : memref<!tpu.dma_semaphore, #tpu.memory_space<semaphore_mem>>) src(%arg8 : memref<24x1024xf32, #tpu.memory_space<vmem>>) dst(%dma_wait3A_75 : memref<24x1024xf32, #tpu.memory_space<hbm>>)
    %dma_start3A_76 = arith.constant 144 : i32
    %dma_start3A_77 = tpu.memref_slice %arg5[%dma_start3A_76] : memref<192xi32, #tpu.memory_space<vmem>> -> memref<24xi32, #tpu.memory_space<vmem>>
    %dma_start3A_78 = arith.constant 0 : i32
    %dma_start3A_79 = arith.constant 0 : i32
    %dma_start3A_80 = tpu.memref_slice %arg2[%dma_start3A_78, %dma_start3A_79] : memref<2048x1024xf32, #tpu.memory_space<hbm>> -> memref<2048x1024xf32, #tpu.memory_space<hbm>>
    tpu.enqueue_indirect_dma source(%dma_start3A_80 : memref<2048x1024xf32, #tpu.memory_space<hbm>>) target(%arg8 : memref<24x1024xf32, #tpu.memory_space<vmem>>) offsets(%dma_start3A_77 : memref<24xi32, #tpu.memory_space<vmem>>) semaphore(%arg12 : memref<!tpu.dma_semaphore, #tpu.memory_space<semaphore_mem>>)
    %dma_wait3A_81 = arith.constant 72 : i32
    %dma_wait3A_82 = tpu.memref_slice %arg5[%dma_wait3A_81] : memref<192xi32, #tpu.memory_space<vmem>> -> memref<24xi32, #tpu.memory_space<vmem>>
    %dma_wait3A_83 = arith.constant 0 : i32
    %dma_wait3A_84 = arith.constant 0 : i32
    %dma_wait3A_85 = tpu.memref_slice %arg2[%dma_wait3A_83, %dma_wait3A_84] : memref<2048x1024xf32, #tpu.memory_space<hbm>> -> memref<2048x1024xf32, #tpu.memory_space<hbm>>
    tpu.wait_indirect_dma semaphore(%arg13 : memref<!tpu.dma_semaphore, #tpu.memory_space<semaphore_mem>>) src(%dma_wait3A_85 : memref<2048x1024xf32, #tpu.memory_space<hbm>>) dst(%arg9 : memref<24x1024xf32, #tpu.memory_space<vmem>>)
    %add3A_86 = arith.constant 72 : i32
    %add3A_87 = arith.addi %mul3A_2, %add3A_86 : i32
    %dma_start3A_88 = arith.constant 0 : i32
    %dma_start3A_89 = tpu.memref_slice %arg4[%add3A_87, %dma_start3A_88] : memref<6144x1024xf32, #tpu.memory_space<hbm>> -> memref<24x1024xf32, #tpu.memory_space<hbm>>
    %dma_start3A_90 = arith.constant 0 : i32
    %dma_start3A_91 = tpu.memref_slice %arg4[%add3A_87, %dma_start3A_90] : memref<6144x1024xf32, #tpu.memory_space<hbm>> -> memref<24x1024xf32, #tpu.memory_space<hbm>>
    tpu.enqueue_dma source(%arg9 : memref<24x1024xf32, #tpu.memory_space<vmem>>) target(%dma_start3A_91 : memref<24x1024xf32, #tpu.memory_space<hbm>>) target_semaphore(%arg17 : memref<!tpu.dma_semaphore, #tpu.memory_space<semaphore_mem>>)
    %dma_wait3A_92 = arith.constant 0 : i32
    %dma_wait3A_93 = tpu.memref_slice %arg4[%add3A_87, %dma_wait3A_92] : memref<6144x1024xf32, #tpu.memory_space<hbm>> -> memref<24x1024xf32, #tpu.memory_space<hbm>>
    %dma_wait3A_94 = arith.constant 0 : i32
    %dma_wait3A_95 = tpu.memref_slice %arg4[%add3A_87, %dma_wait3A_94] : memref<6144x1024xf32, #tpu.memory_space<hbm>> -> memref<24x1024xf32, #tpu.memory_space<hbm>>
    tpu.wait_dma2 semaphore(%arg17 : memref<!tpu.dma_semaphore, #tpu.memory_space<semaphore_mem>>) src(%arg9 : memref<24x1024xf32, #tpu.memory_space<vmem>>) dst(%dma_wait3A_95 : memref<24x1024xf32, #tpu.memory_space<hbm>>)
    %dma_start3A_96 = arith.constant 168 : i32
    %dma_start3A_97 = tpu.memref_slice %arg5[%dma_start3A_96] : memref<192xi32, #tpu.memory_space<vmem>> -> memref<24xi32, #tpu.memory_space<vmem>>
    %dma_start3A_98 = arith.constant 0 : i32
    %dma_start3A_99 = arith.constant 0 : i32
    %dma_start3A_100 = tpu.memref_slice %arg2[%dma_start3A_98, %dma_start3A_99] : memref<2048x1024xf32, #tpu.memory_space<hbm>> -> memref<2048x1024xf32, #tpu.memory_space<hbm>>
    tpu.enqueue_indirect_dma source(%dma_start3A_100 : memref<2048x1024xf32, #tpu.memory_space<hbm>>) target(%arg9 : memref<24x1024xf32, #tpu.memory_space<vmem>>) offsets(%dma_start3A_97 : memref<24xi32, #tpu.memory_space<vmem>>) semaphore(%arg13 : memref<!tpu.dma_semaphore, #tpu.memory_space<semaphore_mem>>)
    %dma_wait3A_101 = arith.constant 96 : i32
    %dma_wait3A_102 = tpu.memref_slice %arg5[%dma_wait3A_101] : memref<192xi32, #tpu.memory_space<vmem>> -> memref<24xi32, #tpu.memory_space<vmem>>
    %dma_wait3A_103 = arith.constant 0 : i32
    %dma_wait3A_104 = arith.constant 0 : i32
    %dma_wait3A_105 = tpu.memref_slice %arg2[%dma_wait3A_103, %dma_wait3A_104] : memref<2048x1024xf32, #tpu.memory_space<hbm>> -> memref<2048x1024xf32, #tpu.memory_space<hbm>>
    tpu.wait_indirect_dma semaphore(%arg10 : memref<!tpu.dma_semaphore, #tpu.memory_space<semaphore_mem>>) src(%dma_wait3A_105 : memref<2048x1024xf32, #tpu.memory_space<hbm>>) dst(%arg6 : memref<24x1024xf32, #tpu.memory_space<vmem>>)
    %add3A_106 = arith.constant 96 : i32
    %add3A_107 = arith.addi %mul3A_2, %add3A_106 : i32
    %dma_start3A_108 = arith.constant 0 : i32
    %dma_start3A_109 = tpu.memref_slice %arg4[%add3A_107, %dma_start3A_108] : memref<6144x1024xf32, #tpu.memory_space<hbm>> -> memref<24x1024xf32, #tpu.memory_space<hbm>>
    %dma_start3A_110 = arith.constant 0 : i32
    %dma_start3A_111 = tpu.memref_slice %arg4[%add3A_107, %dma_start3A_110] : memref<6144x1024xf32, #tpu.memory_space<hbm>> -> memref<24x1024xf32, #tpu.memory_space<hbm>>
    tpu.enqueue_dma source(%arg6 : memref<24x1024xf32, #tpu.memory_space<vmem>>) target(%dma_start3A_111 : memref<24x1024xf32, #tpu.memory_space<hbm>>) target_semaphore(%arg14 : memref<!tpu.dma_semaphore, #tpu.memory_space<semaphore_mem>>)
    %dma_wait3A_112 = arith.constant 120 : i32
    %dma_wait3A_113 = tpu.memref_slice %arg5[%dma_wait3A_112] : memref<192xi32, #tpu.memory_space<vmem>> -> memref<24xi32, #tpu.memory_space<vmem>>
    %dma_wait3A_114 = arith.constant 0 : i32
    %dma_wait3A_115 = arith.constant 0 : i32
    %dma_wait3A_116 = tpu.memref_slice %arg2[%dma_wait3A_114, %dma_wait3A_115] : memref<2048x1024xf32, #tpu.memory_space<hbm>> -> memref<2048x1024xf32, #tpu.memory_space<hbm>>
    tpu.wait_indirect_dma semaphore(%arg11 : memref<!tpu.dma_semaphore, #tpu.memory_space<semaphore_mem>>) src(%dma_wait3A_116 : memref<2048x1024xf32, #tpu.memory_space<hbm>>) dst(%arg7 : memref<24x1024xf32, #tpu.memory_space<vmem>>)
    %add3A_117 = arith.constant 120 : i32
    %add3A_118 = arith.addi %mul3A_2, %add3A_117 : i32
    %dma_start3A_119 = arith.constant 0 : i32
    %dma_start3A_120 = tpu.memref_slice %arg4[%add3A_118, %dma_start3A_119] : memref<6144x1024xf32, #tpu.memory_space<hbm>> -> memref<24x1024xf32, #tpu.memory_space<hbm>>
    %dma_start3A_121 = arith.constant 0 : i32
    %dma_start3A_122 = tpu.memref_slice %arg4[%add3A_118, %dma_start3A_121] : memref<6144x1024xf32, #tpu.memory_space<hbm>> -> memref<24x1024xf32, #tpu.memory_space<hbm>>
    tpu.enqueue_dma source(%arg7 : memref<24x1024xf32, #tpu.memory_space<vmem>>) target(%dma_start3A_122 : memref<24x1024xf32, #tpu.memory_space<hbm>>) target_semaphore(%arg15 : memref<!tpu.dma_semaphore, #tpu.memory_space<semaphore_mem>>)
    %dma_wait3A_123 = arith.constant 144 : i32
    %dma_wait3A_124 = tpu.memref_slice %arg5[%dma_wait3A_123] : memref<192xi32, #tpu.memory_space<vmem>> -> memref<24xi32, #tpu.memory_space<vmem>>
    %dma_wait3A_125 = arith.constant 0 : i32
    %dma_wait3A_126 = arith.constant 0 : i32
    %dma_wait3A_127 = tpu.memref_slice %arg2[%dma_wait3A_125, %dma_wait3A_126] : memref<2048x1024xf32, #tpu.memory_space<hbm>> -> memref<2048x1024xf32, #tpu.memory_space<hbm>>
    tpu.wait_indirect_dma semaphore(%arg12 : memref<!tpu.dma_semaphore, #tpu.memory_space<semaphore_mem>>) src(%dma_wait3A_127 : memref<2048x1024xf32, #tpu.memory_space<hbm>>) dst(%arg8 : memref<24x1024xf32, #tpu.memory_space<vmem>>)
    %add3A_128 = arith.constant 144 : i32
    %add3A_129 = arith.addi %mul3A_2, %add3A_128 : i32
    %dma_start3A_130 = arith.constant 0 : i32
    %dma_start3A_131 = tpu.memref_slice %arg4[%add3A_129, %dma_start3A_130] : memref<6144x1024xf32, #tpu.memory_space<hbm>> -> memref<24x1024xf32, #tpu.memory_space<hbm>>
    %dma_start3A_132 = arith.constant 0 : i32
    %dma_start3A_133 = tpu.memref_slice %arg4[%add3A_129, %dma_start3A_132] : memref<6144x1024xf32, #tpu.memory_space<hbm>> -> memref<24x1024xf32, #tpu.memory_space<hbm>>
    tpu.enqueue_dma source(%arg8 : memref<24x1024xf32, #tpu.memory_space<vmem>>) target(%dma_start3A_133 : memref<24x1024xf32, #tpu.memory_space<hbm>>) target_semaphore(%arg16 : memref<!tpu.dma_semaphore, #tpu.memory_space<semaphore_mem>>)
    %dma_wait3A_134 = arith.constant 168 : i32
    %dma_wait3A_135 = tpu.memref_slice %arg5[%dma_wait3A_134] : memref<192xi32, #tpu.memory_space<vmem>> -> memref<24xi32, #tpu.memory_space<vmem>>
    %dma_wait3A_136 = arith.constant 0 : i32
    %dma_wait3A_137 = arith.constant 0 : i32
    %dma_wait3A_138 = tpu.memref_slice %arg2[%dma_wait3A_136, %dma_wait3A_137] : memref<2048x1024xf32, #tpu.memory_space<hbm>> -> memref<2048x1024xf32, #tpu.memory_space<hbm>>
    tpu.wait_indirect_dma semaphore(%arg13 : memref<!tpu.dma_semaphore, #tpu.memory_space<semaphore_mem>>) src(%dma_wait3A_138 : memref<2048x1024xf32, #tpu.memory_space<hbm>>) dst(%arg9 : memref<24x1024xf32, #tpu.memory_space<vmem>>)
    %add3A_139 = arith.constant 168 : i32
    %add3A_140 = arith.addi %mul3A_2, %add3A_139 : i32
    %dma_start3A_141 = arith.constant 0 : i32
    %dma_start3A_142 = tpu.memref_slice %arg4[%add3A_140, %dma_start3A_141] : memref<6144x1024xf32, #tpu.memory_space<hbm>> -> memref<24x1024xf32, #tpu.memory_space<hbm>>
    %dma_start3A_143 = arith.constant 0 : i32
    %dma_start3A_144 = tpu.memref_slice %arg4[%add3A_140, %dma_start3A_143] : memref<6144x1024xf32, #tpu.memory_space<hbm>> -> memref<24x1024xf32, #tpu.memory_space<hbm>>
    tpu.enqueue_dma source(%arg9 : memref<24x1024xf32, #tpu.memory_space<vmem>>) target(%dma_start3A_144 : memref<24x1024xf32, #tpu.memory_space<hbm>>) target_semaphore(%arg17 : memref<!tpu.dma_semaphore, #tpu.memory_space<semaphore_mem>>)
    %dma_wait3A_145 = arith.constant 0 : i32
    %dma_wait3A_146 = tpu.memref_slice %arg4[%add3A_107, %dma_wait3A_145] : memref<6144x1024xf32, #tpu.memory_space<hbm>> -> memref<24x1024xf32, #tpu.memory_space<hbm>>
    %dma_wait3A_147 = arith.constant 0 : i32
    %dma_wait3A_148 = tpu.memref_slice %arg4[%add3A_107, %dma_wait3A_147] : memref<6144x1024xf32, #tpu.memory_space<hbm>> -> memref<24x1024xf32, #tpu.memory_space<hbm>>
    tpu.wait_dma2 semaphore(%arg14 : memref<!tpu.dma_semaphore, #tpu.memory_space<semaphore_mem>>) src(%arg6 : memref<24x1024xf32, #tpu.memory_space<vmem>>) dst(%dma_wait3A_148 : memref<24x1024xf32, #tpu.memory_space<hbm>>)
    %dma_wait3A_149 = arith.constant 0 : i32
    %dma_wait3A_150 = tpu.memref_slice %arg4[%add3A_118, %dma_wait3A_149] : memref<6144x1024xf32, #tpu.memory_space<hbm>> -> memref<24x1024xf32, #tpu.memory_space<hbm>>
    %dma_wait3A_151 = arith.constant 0 : i32
    %dma_wait3A_152 = tpu.memref_slice %arg4[%add3A_118, %dma_wait3A_151] : memref<6144x1024xf32, #tpu.memory_space<hbm>> -> memref<24x1024xf32, #tpu.memory_space<hbm>>
    tpu.wait_dma2 semaphore(%arg15 : memref<!tpu.dma_semaphore, #tpu.memory_space<semaphore_mem>>) src(%arg7 : memref<24x1024xf32, #tpu.memory_space<vmem>>) dst(%dma_wait3A_152 : memref<24x1024xf32, #tpu.memory_space<hbm>>)
    %dma_wait3A_153 = arith.constant 0 : i32
    %dma_wait3A_154 = tpu.memref_slice %arg4[%add3A_129, %dma_wait3A_153] : memref<6144x1024xf32, #tpu.memory_space<hbm>> -> memref<24x1024xf32, #tpu.memory_space<hbm>>
    %dma_wait3A_155 = arith.constant 0 : i32
    %dma_wait3A_156 = tpu.memref_slice %arg4[%add3A_129, %dma_wait3A_155] : memref<6144x1024xf32, #tpu.memory_space<hbm>> -> memref<24x1024xf32, #tpu.memory_space<hbm>>
    tpu.wait_dma2 semaphore(%arg16 : memref<!tpu.dma_semaphore, #tpu.memory_space<semaphore_mem>>) src(%arg8 : memref<24x1024xf32, #tpu.memory_space<vmem>>) dst(%dma_wait3A_156 : memref<24x1024xf32, #tpu.memory_space<hbm>>)
    %dma_wait3A_157 = arith.constant 0 : i32
    %dma_wait3A_158 = tpu.memref_slice %arg4[%add3A_140, %dma_wait3A_157] : memref<6144x1024xf32, #tpu.memory_space<hbm>> -> memref<24x1024xf32, #tpu.memory_space<hbm>>
    %dma_wait3A_159 = arith.constant 0 : i32
    %dma_wait3A_160 = tpu.memref_slice %arg4[%add3A_140, %dma_wait3A_159] : memref<6144x1024xf32, #tpu.memory_space<hbm>> -> memref<24x1024xf32, #tpu.memory_space<hbm>>
    tpu.wait_dma2 semaphore(%arg17 : memref<!tpu.dma_semaphore, #tpu.memory_space<semaphore_mem>>) src(%arg9 : memref<24x1024xf32, #tpu.memory_space<vmem>>) dst(%dma_wait3A_160 : memref<24x1024xf32, #tpu.memory_space<hbm>>)
    return
  }
}

module attributes {stable_mosaic.version = 14 : i64} {
  func.func @_layout_body(%arg0: memref<1x8xi32, #tpu.memory_space<vmem>>, %arg1: memref<2048x2xi32, #tpu.memory_space<vmem>>, %arg2: memref<2048x2xi32, #tpu.memory_space<vmem>>, %arg3: memref<2048x2xi32, #tpu.memory_space<vmem>>, %arg4: memref<24x1xi32, #tpu.memory_space<vmem>>, %arg5: memref<1x1xi32, #tpu.memory_space<vmem>>) attributes {dimension_semantics = [], scalar_prefetch = 0 : i64, scratch_operands = 0 : i64, tpu.core_type = #tpu.core_type<tc>} {
    %get3A = arith.constant 0 : index
    %get3A_0 = arith.constant 0 : index
    %get3A_1 = vector.load %arg0[%get3A, %get3A_0] : memref<1x8xi32, #tpu.memory_space<vmem>>, vector<1x8xi32>
    %convert_element_type3A = arith.sitofp %get3A_1 : vector<1x8xi32> to vector<1x8xf32>
    %add3A = arith.constant 2.550000e+02 : f32
    %add3A_2 = vector.broadcast %add3A : f32 to vector<1x8xf32>
    %add3A_3 = arith.addf %convert_element_type3A, %add3A_2 : vector<1x8xf32>
    %div3A = arith.constant 2.560000e+02 : f32
    %div3A_4 = vector.broadcast %div3A : f32 to vector<1x8xf32>
    %div3A_5 = arith.divf %add3A_3, %div3A_4 : vector<1x8xf32>
    %floor3A = math.floor %div3A_5 : vector<1x8xf32>
    %mul3A = arith.constant 2.560000e+02 : f32
    %mul3A_6 = vector.broadcast %mul3A : f32 to vector<1x8xf32>
    %mul3A_7 = arith.mulf %floor3A, %mul3A_6 : vector<1x8xf32>
    %iota3A = tpu.iota {dimensions = array<i32: 0>} : vector<8x8xi32>
    %iota3A_8 = tpu.iota {dimensions = array<i32: 1>} : vector<8x8xi32>
    %le3A = arith.cmpi sle, %iota3A, %iota3A_8 : vector<8x8xi32>
    %jit3A = arith.constant 1.000000e+00 : f32
    %jit3A_9 = arith.constant 0.000000e+00 : f32
    %broadcast_in_dim3A = vector.broadcast %jit3A : f32 to vector<8x8xf32>
    %broadcast_in_dim3A_10 = vector.broadcast %jit3A_9 : f32 to vector<8x8xf32>
    %select_n3A = arith.select %le3A, %broadcast_in_dim3A, %broadcast_in_dim3A_10 : vector<8x8xi1>, vector<8x8xf32>
    %dot_general3A = arith.constant dense<0.000000e+00> : vector<1x8xf32>
    %dot_general3A_11 = tpu.matmul %mul3A_7, %select_n3A, %dot_general3A {dimension_numbers = #tpu.dot_dimension_numbers<[1], [0], [0], [1], [0, 0, 1, 1], [], []>, transpose_lhs_hint = false} : vector<1x8xf32>, vector<8x8xf32>, vector<1x8xf32> -> vector<1x8xf32>
    %sub3A = arith.subf %dot_general3A_11, %mul3A_7 : vector<1x8xf32>
    %get3A_12 = arith.constant 0 : index
    %get3A_13 = arith.constant 0 : index
    %get3A_14 = vector.load %arg1[%get3A_12, %get3A_13] : memref<2048x2xi32, #tpu.memory_space<vmem>>, vector<2048x2xi32>
    %get3A_15 = arith.constant 0 : index
    %get3A_16 = arith.constant 0 : index
    %get3A_17 = vector.load %arg2[%get3A_15, %get3A_16] : memref<2048x2xi32, #tpu.memory_space<vmem>>, vector<2048x2xi32>
    %convert_element_type3A_18 = arith.sitofp %get3A_17 : vector<2048x2xi32> to vector<2048x2xf32>
    %iota3A_19 = tpu.iota {dimensions = array<i32: 1>} : vector<2048x8xi32>
    %slice3A = vector.extract_strided_slice %get3A_14 {offsets = [0, 0], sizes = [2048, 1], strides = [1, 1]} : vector<2048x2xi32> to vector<2048x1xi32>
    %eq3A = vector.broadcast %slice3A : vector<2048x1xi32> to vector<2048x8xi32>
    %eq3A_20 = arith.cmpi eq, %iota3A_19, %eq3A : vector<2048x8xi32>
    %jit3A_21 = arith.constant 0.000000e+00 : f32
    %broadcast_in_dim3A_22 = vector.shape_cast %sub3A : vector<1x8xf32> to vector<1x8xf32>
    %broadcast_in_dim3A_23 = vector.broadcast %broadcast_in_dim3A_22 : vector<1x8xf32> to vector<2048x8xf32>
    %broadcast_in_dim3A_24 = vector.broadcast %jit3A_21 : f32 to vector<2048x8xf32>
    %select_n3A_25 = arith.select %eq3A_20, %broadcast_in_dim3A_23, %broadcast_in_dim3A_24 : vector<2048x8xi1>, vector<2048x8xf32>
    %reduce_sum3A = arith.constant dense<0.000000e+00> : vector<2048xf32>
    %reduce_sum3A_26 = vector.multi_reduction <add>, %select_n3A_25, %reduce_sum3A [1] : vector<2048x8xf32> to vector<2048xf32>
    %broadcast_in_dim3A_27 = vector.shape_cast %reduce_sum3A_26 : vector<2048xf32> to vector<2048x1xf32>
    %slice3A_28 = vector.extract_strided_slice %convert_element_type3A_18 {offsets = [0, 0], sizes = [2048, 1], strides = [1, 1]} : vector<2048x2xf32> to vector<2048x1xf32>
    %add3A_29 = arith.addf %broadcast_in_dim3A_27, %slice3A_28 : vector<2048x1xf32>
    %slice3A_30 = vector.extract_strided_slice %get3A_14 {offsets = [0, 1], sizes = [2048, 1], strides = [1, 1]} : vector<2048x2xi32> to vector<2048x1xi32>
    %eq3A_31 = vector.broadcast %slice3A_30 : vector<2048x1xi32> to vector<2048x8xi32>
    %eq3A_32 = arith.cmpi eq, %iota3A_19, %eq3A_31 : vector<2048x8xi32>
    %jit3A_33 = arith.constant 0.000000e+00 : f32
    %broadcast_in_dim3A_34 = vector.shape_cast %sub3A : vector<1x8xf32> to vector<1x8xf32>
    %broadcast_in_dim3A_35 = vector.broadcast %broadcast_in_dim3A_34 : vector<1x8xf32> to vector<2048x8xf32>
    %broadcast_in_dim3A_36 = vector.broadcast %jit3A_33 : f32 to vector<2048x8xf32>
    %select_n3A_37 = arith.select %eq3A_32, %broadcast_in_dim3A_35, %broadcast_in_dim3A_36 : vector<2048x8xi1>, vector<2048x8xf32>
    %reduce_sum3A_38 = arith.constant dense<0.000000e+00> : vector<2048xf32>
    %reduce_sum3A_39 = vector.multi_reduction <add>, %select_n3A_37, %reduce_sum3A_38 [1] : vector<2048x8xf32> to vector<2048xf32>
    %broadcast_in_dim3A_40 = vector.shape_cast %reduce_sum3A_39 : vector<2048xf32> to vector<2048x1xf32>
    %slice3A_41 = vector.extract_strided_slice %convert_element_type3A_18 {offsets = [0, 1], sizes = [2048, 1], strides = [1, 1]} : vector<2048x2xf32> to vector<2048x1xf32>
    %add3A_42 = arith.addf %broadcast_in_dim3A_40, %slice3A_41 : vector<2048x1xf32>
    %concatenate3A = tpu.concatenate %add3A_29, %add3A_42 in 1 : vector<2048x1xf32>, vector<2048x1xf32> -> vector<2048x2xf32>
    %convert_element_type3A_43 = arith.fptosi %concatenate3A : vector<2048x2xf32> to vector<2048x2xi32>
    %swap3A = arith.constant 0 : index
    %swap3A_44 = arith.constant 0 : index
    %swap3A_45 = vector.load %arg3[%swap3A, %swap3A_44] : memref<2048x2xi32, #tpu.memory_space<vmem>>, vector<2048x2xi32>
    tpu.vector_store %arg3[%swap3A, %swap3A_44], %convert_element_type3A_43 {strides = array<i32>} : memref<2048x2xi32, #tpu.memory_space<vmem>>, vector<2048x2xi32>,
    %iota3A_46 = tpu.iota {dimensions = array<i32: 0>} : vector<24x8xi32>
    %mul3A_47 = arith.constant 256 : i32
    %mul3A_48 = vector.broadcast %mul3A_47 : i32 to vector<24x8xi32>
    %mul3A_49 = arith.muli %iota3A_46, %mul3A_48 : vector<24x8xi32>
    %convert_element_type3A_50 = arith.sitofp %mul3A_49 : vector<24x8xi32> to vector<24x8xf32>
    %broadcast_in_dim3A_51 = vector.shape_cast %dot_general3A_11 : vector<1x8xf32> to vector<1x8xf32>
    %broadcast_in_dim3A_52 = vector.broadcast %broadcast_in_dim3A_51 : vector<1x8xf32> to vector<24x8xf32>
    %le3A_53 = arith.cmpf ole, %broadcast_in_dim3A_52, %convert_element_type3A_50 : vector<24x8xf32>
    %jit3A_54 = arith.constant 1 : i32
    %jit3A_55 = arith.constant 0 : i32
    %broadcast_in_dim3A_56 = vector.broadcast %jit3A_54 : i32 to vector<24x8xi32>
    %broadcast_in_dim3A_57 = vector.broadcast %jit3A_55 : i32 to vector<24x8xi32>
    %select_n3A_58 = arith.select %le3A_53, %broadcast_in_dim3A_56, %broadcast_in_dim3A_57 : vector<24x8xi1>, vector<24x8xi32>
    %reduce_sum3A_59 = arith.constant dense<0> : vector<24xi32>
    %reduce_sum3A_60 = vector.multi_reduction <add>, %select_n3A_58, %reduce_sum3A_59 [1] : vector<24x8xi32> to vector<24xi32>
    %broadcast_in_dim3A_61 = vector.shape_cast %reduce_sum3A_60 : vector<24xi32> to vector<24x1xi32>
    %min3A = arith.constant 7 : i32
    %min3A_62 = vector.broadcast %min3A : i32 to vector<24x1xi32>
    %min3A_63 = arith.minsi %broadcast_in_dim3A_61, %min3A_62 : vector<24x1xi32>
    %swap3A_64 = arith.constant 0 : index
    %swap3A_65 = arith.constant 0 : index
    %swap3A_66 = vector.load %arg4[%swap3A_64, %swap3A_65] : memref<24x1xi32, #tpu.memory_space<vmem>>, vector<24x1xi32>
    tpu.vector_store %arg4[%swap3A_64, %swap3A_65], %min3A_63 {strides = array<i32>} : memref<24x1xi32, #tpu.memory_space<vmem>>, vector<24x1xi32>,
    %slice3A_67 = vector.extract_strided_slice %dot_general3A_11 {offsets = [0, 7], sizes = [1, 1], strides = [1, 1]} : vector<1x8xf32> to vector<1x1xf32>
    %div3A_68 = arith.constant 2.560000e+02 : f32
    %div3A_69 = vector.broadcast %div3A_68 : f32 to vector<1x1xf32>
    %div3A_70 = arith.divf %slice3A_67, %div3A_69 : vector<1x1xf32>
    %convert_element_type3A_71 = arith.fptosi %div3A_70 : vector<1x1xf32> to vector<1x1xi32>
    %swap3A_72 = arith.constant 0 : index
    %swap3A_73 = arith.constant 0 : index
    %swap3A_74 = vector.load %arg5[%swap3A_72, %swap3A_73] : memref<1x1xi32, #tpu.memory_space<vmem>>, vector<1x1xi32>
    tpu.vector_store %arg5[%swap3A_72, %swap3A_73], %convert_element_type3A_71 {strides = array<i32>} : memref<1x1xi32, #tpu.memory_space<vmem>>, vector<1x1xi32>,
    return
  }
}

module attributes {stable_mosaic.version = 14 : i64} {
  func.func @_shared_router_body(%arg0: i32, %arg1: memref<256x1024xf32, #tpu.memory_space<vmem>>, %arg2: memref<2048x1024xf32, #tpu.memory_space<vmem>>, %arg3: memref<2048x1024xf32, #tpu.memory_space<vmem>>, %arg4: memref<1024x2048xf32, #tpu.memory_space<vmem>>, %arg5: memref<8x1024xf32, #tpu.memory_space<vmem>>, %arg6: memref<256x1024xf32, #tpu.memory_space<vmem>>, %arg7: memref<256x2xi32, #tpu.memory_space<vmem>>, %arg8: memref<256x2xf32, #tpu.memory_space<vmem>>, %arg9: memref<256x2xi32, #tpu.memory_space<vmem>>, %arg10: memref<1x8xi32, #tpu.memory_space<vmem>>, %arg11: memref<1x8xf32, #tpu.memory_space<vmem>>) attributes {dimension_semantics = [#tpu.dimension_semantics<arbitrary>], iteration_bounds = array<i64: 8>, scalar_prefetch = 0 : i64, scratch_operands = 1 : i64, tpu.core_type = #tpu.core_type<tc>, window_params = [{transform_indices = @transform_0, window_bounds = array<i64: 256, 1024>}, {pipeline_mode = #tpu.pipeline_mode<synchronous>, transform_indices = @transform_1, window_bounds = array<i64: 2048, 1024>}, {pipeline_mode = #tpu.pipeline_mode<synchronous>, transform_indices = @transform_2, window_bounds = array<i64: 2048, 1024>}, {pipeline_mode = #tpu.pipeline_mode<synchronous>, transform_indices = @transform_3, window_bounds = array<i64: 1024, 2048>}, {pipeline_mode = #tpu.pipeline_mode<synchronous>, transform_indices = @transform_4, window_bounds = array<i64: 8, 1024>}, {transform_indices = @transform_5, window_bounds = array<i64: 256, 1024>}, {transform_indices = @transform_6, window_bounds = array<i64: 256, 2>}, {transform_indices = @transform_7, window_bounds = array<i64: 256, 2>}, {transform_indices = @transform_8, window_bounds = array<i64: 256, 2>}, {pipeline_mode = #tpu.pipeline_mode<synchronous>, transform_indices = @transform_9, window_bounds = array<i64: 1, 8>}]} {
    %get3A = arith.constant 0 : index
    %get3A_0 = arith.constant 0 : index
    %get3A_1 = vector.load %arg1[%get3A, %get3A_0] : memref<256x1024xf32, #tpu.memory_space<vmem>>, vector<256x1024xf32>
    %get3A_2 = arith.constant 0 : index
    %get3A_3 = arith.constant 0 : index
    %get3A_4 = vector.load %arg2[%get3A_2, %get3A_3] : memref<2048x1024xf32, #tpu.memory_space<vmem>>, vector<2048x1024xf32>
    %dot_general3A = arith.constant dense<0.000000e+00> : vector<256x2048xf32>
    %dot_general3A_5 = tpu.matmul %get3A_1, %get3A_4, %dot_general3A {dimension_numbers = #tpu.dot_dimension_numbers<[1], [1], [0], [0], [0, 0, 1, 0], [], []>, transpose_lhs_hint = false} : vector<256x1024xf32>, vector<2048x1024xf32>, vector<256x2048xf32> -> vector<256x2048xf32>
    %get3A_6 = arith.constant 0 : index
    %get3A_7 = arith.constant 0 : index
    %get3A_8 = vector.load %arg3[%get3A_6, %get3A_7] : memref<2048x1024xf32, #tpu.memory_space<vmem>>, vector<2048x1024xf32>
    %dot_general3A_9 = arith.constant dense<0.000000e+00> : vector<256x2048xf32>
    %dot_general3A_10 = tpu.matmul %get3A_1, %get3A_8, %dot_general3A_9 {dimension_numbers = #tpu.dot_dimension_numbers<[1], [1], [0], [0], [0, 0, 1, 0], [], []>, transpose_lhs_hint = false} : vector<256x1024xf32>, vector<2048x1024xf32>, vector<256x2048xf32> -> vector<256x2048xf32>
    %logistic3A = arith.negf %dot_general3A_5 : vector<256x2048xf32>
    %logistic3A_11 = math.exp %logistic3A : vector<256x2048xf32>
    %logistic3A_12 = arith.constant 1.000000e+00 : f32
    %logistic3A_13 = vector.broadcast %logistic3A_12 : f32 to vector<256x2048xf32>
    %logistic3A_14 = arith.addf %logistic3A_13, %logistic3A_11 : vector<256x2048xf32>
    %logistic3A_15 = arith.divf %logistic3A_13, %logistic3A_14 : vector<256x2048xf32>
    %mul3A = arith.mulf %dot_general3A_5, %logistic3A_15 : vector<256x2048xf32>
    %mul3A_16 = arith.mulf %mul3A, %dot_general3A_10 : vector<256x2048xf32>
    %get3A_17 = arith.constant 0 : index
    %get3A_18 = arith.constant 0 : index
    %get3A_19 = vector.load %arg4[%get3A_17, %get3A_18] : memref<1024x2048xf32, #tpu.memory_space<vmem>>, vector<1024x2048xf32>
    %dot_general3A_20 = arith.constant dense<0.000000e+00> : vector<256x1024xf32>
    %dot_general3A_21 = tpu.matmul %mul3A_16, %get3A_19, %dot_general3A_20 {dimension_numbers = #tpu.dot_dimension_numbers<[1], [1], [0], [0], [0, 0, 1, 0], [], []>, transpose_lhs_hint = false} : vector<256x2048xf32>, vector<1024x2048xf32>, vector<256x1024xf32> -> vector<256x1024xf32>
    %swap3A = arith.constant 0 : index
    %swap3A_22 = arith.constant 0 : index
    %swap3A_23 = vector.load %arg6[%swap3A, %swap3A_22] : memref<256x1024xf32, #tpu.memory_space<vmem>>, vector<256x1024xf32>
    tpu.vector_store %arg6[%swap3A, %swap3A_22], %dot_general3A_21 {strides = array<i32>} : memref<256x1024xf32, #tpu.memory_space<vmem>>, vector<256x1024xf32>,
    %get3A_24 = arith.constant 0 : index
    %get3A_25 = arith.constant 0 : index
    %get3A_26 = vector.load %arg5[%get3A_24, %get3A_25] : memref<8x1024xf32, #tpu.memory_space<vmem>>, vector<8x1024xf32>
    %dot_general3A_27 = arith.constant dense<0.000000e+00> : vector<256x8xf32>
    %dot_general3A_28 = tpu.matmul %get3A_1, %get3A_26, %dot_general3A_27 {dimension_numbers = #tpu.dot_dimension_numbers<[1], [1], [0], [0], [0, 0, 1, 0], [], []>, transpose_lhs_hint = false} : vector<256x1024xf32>, vector<8x1024xf32>, vector<256x8xf32> -> vector<256x8xf32>
    %logistic3A_29 = arith.negf %dot_general3A_28 : vector<256x8xf32>
    %logistic3A_30 = math.exp %logistic3A_29 : vector<256x8xf32>
    %logistic3A_31 = arith.constant 1.000000e+00 : f32
    %logistic3A_32 = vector.broadcast %logistic3A_31 : f32 to vector<256x8xf32>
    %logistic3A_33 = arith.addf %logistic3A_32, %logistic3A_30 : vector<256x8xf32>
    %logistic3A_34 = arith.divf %logistic3A_32, %logistic3A_33 : vector<256x8xf32>
    %iota3A = tpu.iota {dimensions = array<i32: 1>} : vector<256x8xi32>
    %reduce_max3A = arith.constant dense<0xFF800000> : vector<256xf32>
    %reduce_max3A_35 = vector.multi_reduction <maximumf>, %logistic3A_34, %reduce_max3A [1] : vector<256x8xf32> to vector<256xf32>
    %broadcast_in_dim3A = vector.shape_cast %reduce_max3A_35 : vector<256xf32> to vector<256x1xf32>
    %eq3A = vector.broadcast %broadcast_in_dim3A : vector<256x1xf32> to vector<256x8xf32>
    %eq3A_36 = arith.cmpf oeq, %logistic3A_34, %eq3A : vector<256x8xf32>
    %jit3A = arith.constant 8 : i32
    %broadcast_in_dim3A_37 = vector.broadcast %jit3A : i32 to vector<256x8xi32>
    %select_n3A = arith.select %eq3A_36, %iota3A, %broadcast_in_dim3A_37 : vector<256x8xi1>, vector<256x8xi32>
    %reduce_min3A = arith.constant dense<2147483647> : vector<256xi32>
    %reduce_min3A_38 = vector.multi_reduction <minsi>, %select_n3A, %reduce_min3A [1] : vector<256x8xi32> to vector<256xi32>
    %broadcast_in_dim3A_39 = vector.shape_cast %reduce_min3A_38 : vector<256xi32> to vector<256x1xi32>
    %eq3A_40 = vector.broadcast %broadcast_in_dim3A_39 : vector<256x1xi32> to vector<256x8xi32>
    %eq3A_41 = arith.cmpi eq, %iota3A, %eq3A_40 : vector<256x8xi32>
    %jit3A_42 = arith.constant 0xFF800000 : f32
    %broadcast_in_dim3A_43 = vector.broadcast %jit3A_42 : f32 to vector<256x8xf32>
    %select_n3A_44 = arith.select %eq3A_41, %broadcast_in_dim3A_43, %logistic3A_34 : vector<256x8xi1>, vector<256x8xf32>
    %reduce_max3A_45 = arith.constant dense<0xFF800000> : vector<256xf32>
    %reduce_max3A_46 = vector.multi_reduction <maximumf>, %select_n3A_44, %reduce_max3A_45 [1] : vector<256x8xf32> to vector<256xf32>
    %broadcast_in_dim3A_47 = vector.shape_cast %reduce_max3A_46 : vector<256xf32> to vector<256x1xf32>
    %eq3A_48 = vector.broadcast %broadcast_in_dim3A_47 : vector<256x1xf32> to vector<256x8xf32>
    %eq3A_49 = arith.cmpf oeq, %select_n3A_44, %eq3A_48 : vector<256x8xf32>
    %jit3A_50 = arith.constant 8 : i32
    %broadcast_in_dim3A_51 = vector.broadcast %jit3A_50 : i32 to vector<256x8xi32>
    %select_n3A_52 = arith.select %eq3A_49, %iota3A, %broadcast_in_dim3A_51 : vector<256x8xi1>, vector<256x8xi32>
    %reduce_min3A_53 = arith.constant dense<2147483647> : vector<256xi32>
    %reduce_min3A_54 = vector.multi_reduction <minsi>, %select_n3A_52, %reduce_min3A_53 [1] : vector<256x8xi32> to vector<256xi32>
    %broadcast_in_dim3A_55 = vector.shape_cast %reduce_min3A_54 : vector<256xi32> to vector<256x1xi32>
    %add3A = arith.addf %broadcast_in_dim3A, %broadcast_in_dim3A_47 : vector<256x1xf32>
    %gt3A = arith.constant 9.99999971E-10 : f32
    %gt3A_56 = vector.broadcast %gt3A : f32 to vector<256x1xf32>
    %gt3A_57 = arith.cmpf ogt, %add3A, %gt3A_56 : vector<256x1xf32>
    %add3A_58 = arith.constant 9.99999971E-10 : f32
    %add3A_59 = vector.broadcast %add3A_58 : f32 to vector<256x1xf32>
    %add3A_60 = arith.addf %add3A, %add3A_59 : vector<256x1xf32>
    %div3A = arith.divf %broadcast_in_dim3A, %add3A_60 : vector<256x1xf32>
    %jit3A_61 = arith.constant 5.000000e-01 : f32
    %broadcast_in_dim3A_62 = vector.broadcast %jit3A_61 : f32 to vector<256x1xf32>
    %select_n3A_63 = arith.select %gt3A_57, %div3A, %broadcast_in_dim3A_62 : vector<256x1xi1>, vector<256x1xf32>
    %add3A_64 = arith.constant 9.99999971E-10 : f32
    %add3A_65 = vector.broadcast %add3A_64 : f32 to vector<256x1xf32>
    %add3A_66 = arith.addf %add3A, %add3A_65 : vector<256x1xf32>
    %div3A_67 = arith.divf %broadcast_in_dim3A_47, %add3A_66 : vector<256x1xf32>
    %jit3A_68 = arith.constant 5.000000e-01 : f32
    %broadcast_in_dim3A_69 = vector.broadcast %jit3A_68 : f32 to vector<256x1xf32>
    %select_n3A_70 = arith.select %gt3A_57, %div3A_67, %broadcast_in_dim3A_69 : vector<256x1xi1>, vector<256x1xf32>
    %concatenate3A = tpu.concatenate %broadcast_in_dim3A_39, %broadcast_in_dim3A_55 in 1 : vector<256x1xi32>, vector<256x1xi32> -> vector<256x2xi32>
    %swap3A_71 = arith.constant 0 : index
    %swap3A_72 = arith.constant 0 : index
    %swap3A_73 = vector.load %arg7[%swap3A_71, %swap3A_72] : memref<256x2xi32, #tpu.memory_space<vmem>>, vector<256x2xi32>
    tpu.vector_store %arg7[%swap3A_71, %swap3A_72], %concatenate3A {strides = array<i32>} : memref<256x2xi32, #tpu.memory_space<vmem>>, vector<256x2xi32>,
    %concatenate3A_74 = tpu.concatenate %select_n3A_63, %select_n3A_70 in 1 : vector<256x1xf32>, vector<256x1xf32> -> vector<256x2xf32>
    %swap3A_75 = arith.constant 0 : index
    %swap3A_76 = arith.constant 0 : index
    %swap3A_77 = vector.load %arg8[%swap3A_75, %swap3A_76] : memref<256x2xf32, #tpu.memory_space<vmem>>, vector<256x2xf32>
    tpu.vector_store %arg8[%swap3A_75, %swap3A_76], %concatenate3A_74 {strides = array<i32>} : memref<256x2xf32, #tpu.memory_space<vmem>>, vector<256x2xf32>,
    %eq3A_78 = arith.constant 0 : i32
    %eq3A_79 = arith.cmpi eq, %arg0, %eq3A_78 : i32
    %convert_element_type3A = arith.extui %eq3A_79 : i1 to i32
    %cond3A = arith.constant 0 : i32
    %cond3A_80 = arith.cmpi ne, %convert_element_type3A, %cond3A : i32
    scf.if %cond3A_80 {
      %broadcast_in_dim3A_142 = arith.constant 0.000000e+00 : f32
      %broadcast_in_dim3A_143 = vector.broadcast %broadcast_in_dim3A_142 : f32 to vector<1x8xf32>
      %swap3A_144 = arith.constant 0 : index
      %swap3A_145 = arith.constant 0 : index
      %swap3A_146 = vector.load %arg11[%swap3A_144, %swap3A_145] : memref<1x8xf32, #tpu.memory_space<vmem>>, vector<1x8xf32>
      tpu.vector_store %arg11[%swap3A_144, %swap3A_145], %broadcast_in_dim3A_143 {strides = array<i32>} : memref<1x8xf32, #tpu.memory_space<vmem>>, vector<1x8xf32>,
    } else {
    }
    %eq3A_81 = vector.broadcast %broadcast_in_dim3A_39 : vector<256x1xi32> to vector<256x8xi32>
    %eq3A_82 = arith.cmpi eq, %iota3A, %eq3A_81 : vector<256x8xi32>
    %jit3A_83 = arith.constant 1.000000e+00 : f32
    %jit3A_84 = arith.constant 0.000000e+00 : f32
    %broadcast_in_dim3A_85 = vector.broadcast %jit3A_83 : f32 to vector<256x8xf32>
    %broadcast_in_dim3A_86 = vector.broadcast %jit3A_84 : f32 to vector<256x8xf32>
    %select_n3A_87 = arith.select %eq3A_82, %broadcast_in_dim3A_85, %broadcast_in_dim3A_86 : vector<256x8xi1>, vector<256x8xf32>
    %eq3A_88 = vector.broadcast %broadcast_in_dim3A_55 : vector<256x1xi32> to vector<256x8xi32>
    %eq3A_89 = arith.cmpi eq, %iota3A, %eq3A_88 : vector<256x8xi32>
    %jit3A_90 = arith.constant 1.000000e+00 : f32
    %jit3A_91 = arith.constant 0.000000e+00 : f32
    %broadcast_in_dim3A_92 = vector.broadcast %jit3A_90 : f32 to vector<256x8xf32>
    %broadcast_in_dim3A_93 = vector.broadcast %jit3A_91 : f32 to vector<256x8xf32>
    %select_n3A_94 = arith.select %eq3A_89, %broadcast_in_dim3A_92, %broadcast_in_dim3A_93 : vector<256x8xi1>, vector<256x8xf32>
    %add3A_95 = arith.addf %select_n3A_87, %select_n3A_94 : vector<256x8xf32>
    %iota3A_96 = tpu.iota {dimensions = array<i32: 0>} : vector<256x256xi32>
    %iota3A_97 = tpu.iota {dimensions = array<i32: 1>} : vector<256x256xi32>
    %gt3A_98 = arith.cmpi sgt, %iota3A_96, %iota3A_97 : vector<256x256xi32>
    %jit3A_99 = arith.constant 1.000000e+00 : f32
    %jit3A_100 = arith.constant 0.000000e+00 : f32
    %broadcast_in_dim3A_101 = vector.broadcast %jit3A_99 : f32 to vector<256x256xf32>
    %broadcast_in_dim3A_102 = vector.broadcast %jit3A_100 : f32 to vector<256x256xf32>
    %select_n3A_103 = arith.select %gt3A_98, %broadcast_in_dim3A_101, %broadcast_in_dim3A_102 : vector<256x256xi1>, vector<256x256xf32>
    %dot_general3A_104 = arith.constant dense<0.000000e+00> : vector<256x8xf32>
    %dot_general3A_105 = tpu.matmul %select_n3A_103, %add3A_95, %dot_general3A_104 {dimension_numbers = #tpu.dot_dimension_numbers<[1], [0], [0], [1], [0, 0, 1, 1], [], []>, transpose_lhs_hint = false} : vector<256x256xf32>, vector<256x8xf32>, vector<256x8xf32> -> vector<256x8xf32>
    %get3A_106 = arith.constant 0 : index
    %get3A_107 = arith.constant 0 : index
    %get3A_108 = vector.load %arg11[%get3A_106, %get3A_107] : memref<1x8xf32, #tpu.memory_space<vmem>>, vector<1x8xf32>
    %add3A_109 = vector.broadcast %get3A_108 : vector<1x8xf32> to vector<256x8xf32>
    %add3A_110 = arith.addf %dot_general3A_105, %add3A_109 : vector<256x8xf32>
    %eq3A_111 = vector.broadcast %broadcast_in_dim3A_39 : vector<256x1xi32> to vector<256x8xi32>
    %eq3A_112 = arith.cmpi eq, %iota3A, %eq3A_111 : vector<256x8xi32>
    %jit3A_113 = arith.constant 0.000000e+00 : f32
    %broadcast_in_dim3A_114 = vector.broadcast %jit3A_113 : f32 to vector<256x8xf32>
    %select_n3A_115 = arith.select %eq3A_112, %add3A_110, %broadcast_in_dim3A_114 : vector<256x8xi1>, vector<256x8xf32>
    %reduce_sum3A = arith.constant dense<0.000000e+00> : vector<256xf32>
    %reduce_sum3A_116 = vector.multi_reduction <add>, %select_n3A_115, %reduce_sum3A [1] : vector<256x8xf32> to vector<256xf32>
    %broadcast_in_dim3A_117 = vector.shape_cast %reduce_sum3A_116 : vector<256xf32> to vector<256x1xf32>
    %eq3A_118 = vector.broadcast %broadcast_in_dim3A_55 : vector<256x1xi32> to vector<256x8xi32>
    %eq3A_119 = arith.cmpi eq, %iota3A, %eq3A_118 : vector<256x8xi32>
    %jit3A_120 = arith.constant 0.000000e+00 : f32
    %broadcast_in_dim3A_121 = vector.broadcast %jit3A_120 : f32 to vector<256x8xf32>
    %select_n3A_122 = arith.select %eq3A_119, %add3A_110, %broadcast_in_dim3A_121 : vector<256x8xi1>, vector<256x8xf32>
    %reduce_sum3A_123 = arith.constant dense<0.000000e+00> : vector<256xf32>
    %reduce_sum3A_124 = vector.multi_reduction <add>, %select_n3A_122, %reduce_sum3A_123 [1] : vector<256x8xf32> to vector<256xf32>
    %broadcast_in_dim3A_125 = vector.shape_cast %reduce_sum3A_124 : vector<256xf32> to vector<256x1xf32>
    %concatenate3A_126 = tpu.concatenate %broadcast_in_dim3A_117, %broadcast_in_dim3A_125 in 1 : vector<256x1xf32>, vector<256x1xf32> -> vector<256x2xf32>
    %convert_element_type3A_127 = arith.fptosi %concatenate3A_126 : vector<256x2xf32> to vector<256x2xi32>
    %swap3A_128 = arith.constant 0 : index
    %swap3A_129 = arith.constant 0 : index
    %swap3A_130 = vector.load %arg9[%swap3A_128, %swap3A_129] : memref<256x2xi32, #tpu.memory_space<vmem>>, vector<256x2xi32>
    tpu.vector_store %arg9[%swap3A_128, %swap3A_129], %convert_element_type3A_127 {strides = array<i32>} : memref<256x2xi32, #tpu.memory_space<vmem>>, vector<256x2xi32>,
    %reduce_sum3A_131 = arith.constant dense<0.000000e+00> : vector<8xf32>
    %reduce_sum3A_132 = vector.multi_reduction <add>, %add3A_95, %reduce_sum3A_131 [0] : vector<256x8xf32> to vector<8xf32>
    %broadcast_in_dim3A_133 = vector.shape_cast %reduce_sum3A_132 : vector<8xf32> to vector<1x8xf32>
    %add3A_134 = arith.addf %get3A_108, %broadcast_in_dim3A_133 : vector<1x8xf32>
    %swap3A_135 = arith.constant 0 : index
    %swap3A_136 = arith.constant 0 : index
    %swap3A_137 = vector.load %arg11[%swap3A_135, %swap3A_136] : memref<1x8xf32, #tpu.memory_space<vmem>>, vector<1x8xf32>
    tpu.vector_store %arg11[%swap3A_135, %swap3A_136], %add3A_134 {strides = array<i32>} : memref<1x8xf32, #tpu.memory_space<vmem>>, vector<1x8xf32>,
    %convert_element_type3A_138 = arith.fptosi %add3A_134 : vector<1x8xf32> to vector<1x8xi32>
    %swap3A_139 = arith.constant 0 : index
    %swap3A_140 = arith.constant 0 : index
    %swap3A_141 = vector.load %arg10[%swap3A_139, %swap3A_140] : memref<1x8xi32, #tpu.memory_space<vmem>>, vector<1x8xi32>
    tpu.vector_store %arg10[%swap3A_139, %swap3A_140], %convert_element_type3A_138 {strides = array<i32>} : memref<1x8xi32, #tpu.memory_space<vmem>>, vector<1x8xi32>,
    return
  }
  func.func @transform_0(%arg0: i32) -> (i32, i32) {
    %c0_i32 = arith.constant 0 : i32
    %c0_i32_0 = arith.constant 0 : i32
    return %arg0, %c0_i32 : i32, i32
  }
  func.func @transform_1(%arg0: i32) -> (i32, i32) {
    %c0_i32 = arith.constant 0 : i32
    %c0_i32_0 = arith.constant 0 : i32
    %c0_i32_1 = arith.constant 0 : i32
    return %c0_i32, %c0_i32_0 : i32, i32
  }
  func.func @transform_2(%arg0: i32) -> (i32, i32) {
    %c0_i32 = arith.constant 0 : i32
    %c0_i32_0 = arith.constant 0 : i32
    %c0_i32_1 = arith.constant 0 : i32
    return %c0_i32, %c0_i32_0 : i32, i32
  }
  func.func @transform_3(%arg0: i32) -> (i32, i32) {
    %c0_i32 = arith.constant 0 : i32
    %c0_i32_0 = arith.constant 0 : i32
    %c0_i32_1 = arith.constant 0 : i32
    return %c0_i32, %c0_i32_0 : i32, i32
  }
  func.func @transform_4(%arg0: i32) -> (i32, i32) {
    %c0_i32 = arith.constant 0 : i32
    %c0_i32_0 = arith.constant 0 : i32
    %c0_i32_1 = arith.constant 0 : i32
    return %c0_i32, %c0_i32_0 : i32, i32
  }
  func.func @transform_5(%arg0: i32) -> (i32, i32) {
    %c0_i32 = arith.constant 0 : i32
    %c0_i32_0 = arith.constant 0 : i32
    return %arg0, %c0_i32 : i32, i32
  }
  func.func @transform_6(%arg0: i32) -> (i32, i32) {
    %c0_i32 = arith.constant 0 : i32
    %c0_i32_0 = arith.constant 0 : i32
    return %arg0, %c0_i32 : i32, i32
  }
  func.func @transform_7(%arg0: i32) -> (i32, i32) {
    %c0_i32 = arith.constant 0 : i32
    %c0_i32_0 = arith.constant 0 : i32
    return %arg0, %c0_i32 : i32, i32
  }
  func.func @transform_8(%arg0: i32) -> (i32, i32) {
    %c0_i32 = arith.constant 0 : i32
    %c0_i32_0 = arith.constant 0 : i32
    return %arg0, %c0_i32 : i32, i32
  }
  func.func @transform_9(%arg0: i32) -> (i32, i32) {
    %c0_i32 = arith.constant 0 : i32
    %c0_i32_0 = arith.constant 0 : i32
    %c0_i32_1 = arith.constant 0 : i32
    return %c0_i32, %c0_i32_0 : i32, i32
  }
}

module attributes {stable_mosaic.version = 14 : i64} {
  func.func @_ffn_body(%arg0: i32, %arg1: memref<24xi32, #tpu.memory_space<smem>>, %arg2: memref<1xi32, #tpu.memory_space<smem>>, %arg3: memref<256x1024xf32, #tpu.memory_space<vmem>>, %arg4: memref<1x1024x1024xf32, #tpu.memory_space<vmem>>, %arg5: memref<1x1024x1024xf32, #tpu.memory_space<vmem>>, %arg6: memref<256x1xf32, #tpu.memory_space<vmem>>, %arg7: memref<256x1024xf32, #tpu.memory_space<vmem>>) attributes {dimension_semantics = [#tpu.dimension_semantics<arbitrary>], iteration_bounds = array<i64: 24>, scalar_prefetch = 2 : i64, scratch_operands = 0 : i64, tpu.core_type = #tpu.core_type<tc>, window_params = [{transform_indices = @transform_0, window_bounds = array<i64: 256, 1024>}, {transform_indices = @transform_1, window_bounds = array<i64: 1, 1024, 1024>}, {transform_indices = @transform_2, window_bounds = array<i64: 1, 1024, 1024>}, {transform_indices = @transform_3, window_bounds = array<i64: 256, 1>}, {transform_indices = @transform_4, window_bounds = array<i64: 256, 1024>}]} {
    %get3A = arith.constant 0 : index
    %get3A_0 = memref.load %arg2[%get3A] : memref<1xi32, #tpu.memory_space<smem>>
    %lt3A = arith.cmpi slt, %arg0, %get3A_0 : i32
    %convert_element_type3A = arith.extui %lt3A : i1 to i32
    %cond3A = arith.constant 0 : i32
    %cond3A_1 = arith.cmpi ne, %convert_element_type3A, %cond3A : i32
    scf.if %cond3A_1 {
      %get3A_2 = arith.constant 0 : index
      %get3A_3 = arith.constant 0 : index
      %get3A_4 = vector.load %arg3[%get3A_2, %get3A_3] : memref<256x1024xf32, #tpu.memory_space<vmem>>, vector<256x1024xf32>
      %get3A_5 = arith.constant 0 : index
      %get3A_6 = arith.constant 0 : index
      %get3A_7 = arith.constant 0 : index
      %get3A_8 = vector.load %arg4[%get3A_5, %get3A_6, %get3A_7] : memref<1x1024x1024xf32, #tpu.memory_space<vmem>>, vector<1x1024x1024xf32>
      %get3A_9 = vector.shape_cast %get3A_8 : vector<1x1024x1024xf32> to vector<1024x1024xf32>
      %dot_general3A = arith.constant dense<0.000000e+00> : vector<256x1024xf32>
      %dot_general3A_10 = tpu.matmul %get3A_4, %get3A_9, %dot_general3A {dimension_numbers = #tpu.dot_dimension_numbers<[1], [1], [0], [0], [0, 0, 1, 0], [], []>, transpose_lhs_hint = false} : vector<256x1024xf32>, vector<1024x1024xf32>, vector<256x1024xf32> -> vector<256x1024xf32>
      %mul3A = arith.constant 5.000000e-01 : f32
      %mul3A_11 = vector.broadcast %mul3A : f32 to vector<256x1024xf32>
      %mul3A_12 = arith.mulf %mul3A_11, %dot_general3A_10 : vector<256x1024xf32>
      %mul3A_13 = arith.constant 0.707106769 : f32
      %mul3A_14 = vector.broadcast %mul3A_13 : f32 to vector<256x1024xf32>
      %mul3A_15 = arith.mulf %dot_general3A_10, %mul3A_14 : vector<256x1024xf32>
      %erf3A = math.erf %mul3A_15 : vector<256x1024xf32>
      %add3A = arith.constant 1.000000e+00 : f32
      %add3A_16 = vector.broadcast %add3A : f32 to vector<256x1024xf32>
      %add3A_17 = arith.addf %add3A_16, %erf3A : vector<256x1024xf32>
      %mul3A_18 = arith.mulf %mul3A_12, %add3A_17 : vector<256x1024xf32>
      %get3A_19 = arith.constant 0 : index
      %get3A_20 = arith.constant 0 : index
      %get3A_21 = arith.constant 0 : index
      %get3A_22 = vector.load %arg5[%get3A_19, %get3A_20, %get3A_21] : memref<1x1024x1024xf32, #tpu.memory_space<vmem>>, vector<1x1024x1024xf32>
      %get3A_23 = vector.shape_cast %get3A_22 : vector<1x1024x1024xf32> to vector<1024x1024xf32>
      %dot_general3A_24 = arith.constant dense<0.000000e+00> : vector<256x1024xf32>
      %dot_general3A_25 = tpu.matmul %mul3A_18, %get3A_23, %dot_general3A_24 {dimension_numbers = #tpu.dot_dimension_numbers<[1], [1], [0], [0], [0, 0, 1, 0], [], []>, transpose_lhs_hint = false} : vector<256x1024xf32>, vector<1024x1024xf32>, vector<256x1024xf32> -> vector<256x1024xf32>
      %get3A_26 = arith.constant 0 : index
      %get3A_27 = arith.constant 0 : index
      %get3A_28 = vector.load %arg6[%get3A_26, %get3A_27] : memref<256x1xf32, #tpu.memory_space<vmem>>, vector<256x1xf32>
      %mul3A_29 = vector.broadcast %get3A_28 : vector<256x1xf32> to vector<256x1024xf32>
      %mul3A_30 = arith.mulf %dot_general3A_25, %mul3A_29 : vector<256x1024xf32>
      %swap3A = arith.constant 0 : index
      %swap3A_31 = arith.constant 0 : index
      %swap3A_32 = vector.load %arg7[%swap3A, %swap3A_31] : memref<256x1024xf32, #tpu.memory_space<vmem>>, vector<256x1024xf32>
      tpu.vector_store %arg7[%swap3A, %swap3A_31], %mul3A_30 {strides = array<i32>} : memref<256x1024xf32, #tpu.memory_space<vmem>>, vector<256x1024xf32>,
    } else {
    }
    return
  }
  func.func @transform_0(%arg0: i32, %arg1: memref<24xi32, #tpu.memory_space<smem>>, %arg2: memref<1xi32, #tpu.memory_space<smem>>) -> (i32, i32) {
    %c0_i32 = arith.constant 0 : i32
    %c0_i32_0 = arith.constant 0 : i32
    return %arg0, %c0_i32 : i32, i32
  }
  func.func @transform_1(%arg0: i32, %arg1: memref<24xi32, #tpu.memory_space<smem>>, %arg2: memref<1xi32, #tpu.memory_space<smem>>) -> (i32, i32, i32) {
    %get3A = arith.index_cast %arg0 : i32 to index
    %get3A_0 = memref.load %arg1[%get3A] : memref<24xi32, #tpu.memory_space<smem>>
    %c0_i32 = arith.constant 0 : i32
    %c0_i32_1 = arith.constant 0 : i32
    %c0_i32_2 = arith.constant 0 : i32
    return %get3A_0, %c0_i32, %c0_i32_1 : i32, i32, i32
  }
  func.func @transform_2(%arg0: i32, %arg1: memref<24xi32, #tpu.memory_space<smem>>, %arg2: memref<1xi32, #tpu.memory_space<smem>>) -> (i32, i32, i32) {
    %get3A = arith.index_cast %arg0 : i32 to index
    %get3A_0 = memref.load %arg1[%get3A] : memref<24xi32, #tpu.memory_space<smem>>
    %c0_i32 = arith.constant 0 : i32
    %c0_i32_1 = arith.constant 0 : i32
    %c0_i32_2 = arith.constant 0 : i32
    return %get3A_0, %c0_i32, %c0_i32_1 : i32, i32, i32
  }
  func.func @transform_3(%arg0: i32, %arg1: memref<24xi32, #tpu.memory_space<smem>>, %arg2: memref<1xi32, #tpu.memory_space<smem>>) -> (i32, i32) {
    %c0_i32 = arith.constant 0 : i32
    %c0_i32_0 = arith.constant 0 : i32
    return %arg0, %c0_i32 : i32, i32
  }
  func.func @transform_4(%arg0: i32, %arg1: memref<24xi32, #tpu.memory_space<smem>>, %arg2: memref<1xi32, #tpu.memory_space<smem>>) -> (i32, i32) {
    %c0_i32 = arith.constant 0 : i32
    %c0_i32_0 = arith.constant 0 : i32
    return %arg0, %c0_i32 : i32, i32
  }
}

</mosaic_0001>

<sc_bundles>
// kernel: kernel.10.cloned.1.call-start
scs
__scs_entry_jumppad:
0x0: {  	(pc) =	sbr.rel $0x88, $3  }
0x1: {  	(tag) =	ssettag $0x0;
	lr =	simm.s32 $0x1  }
0x2: {  	[smem:$0x3F9A] =	sst lr;
	_ =	strace $0xD0000000  }
0x3: {  	_ = 	snop  }
0x4: {  	_ = 	snop  }
0x5: {  	_ = 	snop  }
0x6: {  	_ = 	snop  }
0x7: {  	_ = 	snop  }
__scs_overlays_trampoline_lowered:
0x8: {  	[smem:$0x3FA9] =	sst s0  }
0x9: {  	[smem:$0x3FAA] =	sst s1  }
0xa: {  	[smem:$0x3FAB] =	sst s2  }
0xb: {  	[smem:$0x3FAC] =	sst s3  }
0xc: {  	[smem:$0x3FAD] =	sst s4  }
0xd: {  	[smem:$0x3FAE] =	sst s5  }
0xe: {  	[smem:$0x3FAF] =	sst s6  }
0xf: {  	[smem:$0x3FB0] =	sst s7  }
0x10: {  	[smem:$0x3FB1] =	sst s8  }
0x11: {  	[smem:$0x3FB2] =	sst s9;
	s0 =	simm.s32 @!p0 $0x0  }
0x12: {  	s1 =	sld [smem:$0x3F98];
	s0 =	simm.s32 @p0 $0x1  }
0x13: {  	[smem:$0x3FB3] =	sst s0;
	s0 =	simm.s32 @!p1 $0x0  }
0x14: {  	s2 =	sld [smem:$0x3F97];
	s0 =	simm.s32 @p1 $0x1  }
0x15: {  	[smem:$0x3FB4] =	sst s0;
	s0 =	simm.s32 @!p2 $0x0  }
0x16: {  	s3 =	sld [smem:$0x3FDB];
	s0 =	simm.s32 @p2 $0x1  }
0x17: {  	s4 =	simm.s32 $0x1BF5;
	[smem:$0x3FB6] =	sst s0  }
0x18: {  	s0 =	sld [smem:$0x3F99];
	_ =	swait.ge [sflag:s4], $0x0  }
0x19: {  	s7 =	sld [smem:$0x3F9A]  }
0x1a: {  	s8 =	sadd.s32 $0xFFFFE003, lr  }
0x1b: {  	s9 =	sadd.s32 $0xFFFFFEF7, lr;
	s5 =	simm.s32 $0xFFFFFFFF;
	p2 =	slt.u32 s8, $0xFFFFF086  }
0x1c: {  	p1 =	slt.u32 s9, $0xF7A;
	s5 =	simm.s32 @!p2 $0x0  }
0x1d: {  	s5 =	simm.s32 @p1 $0x1;
	p0 =	seq.s32 s7, s2  }
0x1e: {  	s7 =	smul.u32 @!p0 $0xF7A, s2;
	p2 =	seq.s32 @!p0 s5, $0x0  }
0x1f: {  	s9 =	smul.u32 $0xF7A, s1;
	s8 =	simm.s32 @!p0 $0x1BF5;
	p2 =	por !p2, p0  }
0x20: {  	[sflag:s8] =	ssyncset.s32 @!p0 $0xFFFFF086;
	s6 =	sadd.s32 @!p0 s3, s7;
	s7 =	simm.s32 @!p0 $0x108  }
0x21: {  	s3 =	sadd.s32 s3, s9;
	s6 =	sadd.s32 @!p0 $0x88, s6;
	s7 =	simm.s32 @p2 $0x1082  }
0x22: {  	[simem:s7], [sflag:s8] =	dma.local @!p0 [hbm:s6], $0xF7A  }
0x23: {  	s9 =	sor.u32 $0xD0000000, s2;
	s6 =	simm.s32 $0x108;
	_ =	swait.ge @!p0 [sflag:s8], $0x0  }
0x24: {  	s3 =	sadd.s32 $0x88, s3;
	s6 =	simm.s32 @!p1 $0x1082;
	[sflag:s4] =	ssyncset.s32 $0xFFFFF086  }
0x25: {  	[simem:s6], [sflag:s4] =	dma.local [hbm:s3], $0xF7A  }
0x26: {  	[smem:$0x3F9A] =	sst s1;
	(tag) =	ssettag s2;
	_ =	strace s9  }
0x27: {  	s1 =	sld [smem:$0x3FAA]  }
0x28: {  	s2 =	sld [smem:$0x3FAB]  }
0x29: {  	s4 =	sld [smem:$0x3FAD]  }
0x2a: {  	p0 =	seq.s32 s5, $0x0;
	s5 =	sld [smem:$0x3FAE]  }
0x2b: {  	s6 =	sld [smem:$0x3FAF]  }
0x2c: {  	s7 =	sld [smem:$0x3FB0]  }
0x2d: {  	s3 =	simm.s32 $0x108;
	s8 =	sld [smem:$0x3FB1]  }
0x2e: {  	s3 =	simm.s32 @!p0 $0x1082;
	s9 =	sld [smem:$0x3FB2]  }
0x2f: {  	lr =	sadd.s32 s0, s3;
	s0 =	sld [smem:$0x3FA9]  }
0x30: {  	s3 =	sld [smem:$0x3FAC]  }
0x31: {  	[smem:$0x3FB5] =	sst s10  }
0x32: {  	s10 =	sld [smem:$0x3FB3];
	_ =	sdelay $0x3  }
0x33: {  	p0 =	seq.s32 s10, $0x1;
	s10 =	sld [smem:$0x3FB5];
	_ =	sdelay $0x3  }
0x34: {  	[smem:$0x3FB5] =	sst s10  }
0x35: {  	s10 =	sld [smem:$0x3FB4];
	_ =	sdelay $0x3  }
0x36: {  	p1 =	seq.s32 s10, $0x1;
	s10 =	sld [smem:$0x3FB5];
	_ =	sdelay $0x3  }
0x37: {  	[smem:$0x3FB5] =	sst s10  }
0x38: {  	s10 =	sld [smem:$0x3FB6]  }
0x39: {  	_ = 	snop;
	(pc) =	sbr.ind lr, $3  }
0x3a: {  	_ = 	snop  }
0x3b: {  	_ = 	snop  }
0x3c: {  	p2 =	seq.s32 s10, $0x1;
	s10 =	sld [smem:$0x3FB5]  }
0x3d: {  	_ =	shalt  }
0x3e: {  	_ =	shalt  }
0x3f: {  	_ =	shalt  }
0x40: {  	_ =	shalt  }
0x41: {  	_ =	shalt  }
0x42: {  	_ =	shalt  }
0x43: {  	_ =	shalt  }
0x44: {  	_ =	shalt  }
0x45: {  	_ =	shalt  }
0x46: {  	_ =	shalt  }
0x47: {  	_ =	shalt  }
0x48: {  	_ =	shalt  }
0x49: {  	_ =	shalt  }
0x4a: {  	_ =	shalt  }
0x4b: {  	_ =	shalt  }
0x4c: {  	_ =	shalt  }
0x4d: {  	_ =	shalt  }
0x4e: {  	_ =	shalt  }
0x4f: {  	_ =	shalt  }
0x50: {  	_ =	shalt  }
0x51: {  	_ =	shalt  }
0x52: {  	_ =	shalt  }
0x53: {  	_ =	shalt  }
0x54: {  	_ =	shalt  }
0x55: {  	_ =	shalt  }
0x56: {  	_ =	shalt  }
0x57: {  	_ =	shalt  }
0x58: {  	_ =	shalt  }
0x59: {  	_ =	shalt  }
0x5a: {  	_ =	shalt  }
0x5b: {  	_ =	shalt  }
0x5c: {  	_ =	shalt  }
0x5d: {  	_ =	shalt  }
0x5e: {  	_ =	shalt  }
0x5f: {  	_ =	shalt  }
0x60: {  	_ =	shalt  }
0x61: {  	_ =	shalt  }
0x62: {  	_ =	shalt  }
0x63: {  	_ =	shalt  }
0x64: {  	_ =	shalt  }
0x65: {  	_ =	shalt  }
0x66: {  	_ =	shalt  }
0x67: {  	_ =	shalt  }
0x68: {  	_ =	shalt  }
0x69: {  	_ =	shalt  }
0x6a: {  	_ =	shalt  }
0x6b: {  	_ =	shalt  }
0x6c: {  	_ =	shalt  }
0x6d: {  	_ =	shalt  }
0x6e: {  	_ =	shalt  }
0x6f: {  	_ =	shalt  }
0x70: {  	_ =	shalt  }
0x71: {  	_ =	shalt  }
0x72: {  	_ =	shalt  }
0x73: {  	_ =	shalt  }
0x74: {  	_ =	shalt  }
0x75: {  	_ =	shalt  }
0x76: {  	_ =	shalt  }
0x77: {  	_ =	shalt  }
0x78: {  	_ =	shalt  }
0x79: {  	_ =	shalt  }
0x7a: {  	_ =	shalt  }
0x7b: {  	_ =	shalt  }
0x7c: {  	_ =	shalt  }
0x7d: {  	_ =	shalt  }
0x7e: {  	_ =	shalt  }
0x7f: {  	_ =	shalt  }
0x80: {  	_ =	shalt  }
0x81: {  	_ =	shalt  }
0x82: {  	_ =	shalt  }
0x83: {  	_ =	shalt  }
0x84: {  	_ =	shalt  }
0x85: {  	_ =	shalt  }
0x86: {  	_ =	shalt  }
0x87: {  	_ =	shalt  }
.Lfunc_end0:
.L_simem_size_0:
called_computation.1_lowered:
.L_overlay_start_0:
0x88: {  	s2 =	sld [smem:$0x3FD9]  }
0x89: {  	s3 =	sld [smem:$0x3FFE];
	_ =	sdelay $0x1  }
0x8a: {  	s1 =	srdreg.scid  }
0x8b: {  	s0 =	sand.u32 $0x1, s1  }
0x8c: {  	s17 =	sshll.u32 s0, $0xA;
	s2 =	sadd.s32 s3, s2  }
0x8d: {  	s2 =	sadd.s32 s2, s17  }
0x8e: {  	[smem:$0x3FC1] =	sst s2  }
0x8f: {  	_ = 	snop  }
0x90: {  	s2 =	sld [smem:$0x3FD0];
	(tm) =	ssettm $0x1  }
0x91: {  	s18 =	sld [smem:$0x3FFB];
	_ =	sdelay $0x3  }
0x92: {  	_ =	strace s18  }
0x93: {  	s3 =	sld [smem:$0x3FFC];
	_ =	sdelay $0x3  }
0x94: {  	_ =	strace s3  }
0x95: {  	s3 =	sld [smem:$0x3FFD];
	_ =	sdelay $0x3  }
0x96: {  	_ =	strace s3  }
0x97: {  	_ =	strace $0x8FFFFFFF  }
0x98: {  	s19 =	sld [smem:$0x3FDB];
	_ =	sdelay $0x1  }
0x99: {  	s4 =	simm.s32 $_scs_section_size  }
0x9a: {  	s5 =	simm.s32 $_size__tile_overlayer_lowered;
	s6 =	simm.s32 $_tile_overlayer_lowered  }
0x9b: {  	s22 =	simm.s32 $0x1BFF;
	s21 =	sshll.u32 s6, $0x1;
	s3 =	sadd.s32 s4, s19  }
0x9c: {  	s7 =	simm.s32 $0x0;
	s20 =	sshll.u32 s5, $0x1;
	s5 =	sadd.s32 s21, s3  }
0x9d: {  	[timem:s7], [sflag:s22] =	dma.local [hbm:s5], s20  }
0x9e: {  	_ =	swait.ge [sflag:s22], s20  }
0x9f: {  	s4 =	ssub.s32 $0x0, s20;
	[sflag:s22] =	ssyncset.done $0x0  }
0xa0: {  	[sflag:s22] =	ssyncadd.s32 s4;
	_ =	sdelay $0x1  }
0xa1: {  	s23 =	simm.s32 $0x1B8B  }
0xa2: {  	_ =	swait.ge [sflag:s23], $0x1  }
0xa3: {  	[sflag:s23] =	ssyncset.done $0x0  }
0xa4: {  	s25 =	simm.s32 $0x1B8E;
	s24 =	sld [smem:$0x3FFE];
	[sflag:s23] =	ssyncadd.s32 $0xFFFFFFFF  }
0xa5: {  	s26 =	simm.s32 $execute0_lowered;
	[smem:$0x3FD2] =	sst s25  }
0xa6: {  	s5 =	sshll.u32 s26, $0x1;
	_ =	strace $0x80000049;
	[dreg:$0x1] =	wrdreg $0xFFFFFFFF  }
0xa7: {  	s28 =	simm.s32 $_size_execute0_lowered;
	s3 =	sadd.s32 s3, s5;
	[dreg:$0x0] =	wrdreg $0x0  }
0xa8: {  	s5 =	sshll.u32 s28, $0x1;
	[dreg:$0x2] =	wrdreg s3  }
0xa9: {  	[dreg:$0x3] =	wrdreg s5  }
0xaa: {  	[dreg:$0x4] =	wrdreg $0xC0  }
0xab: {  	_ =	task [dreg:s7], $0x5FFFF  }
0xac: {  	[dreg:$0x1] =	wrdreg $0xFFFFFFFF  }
0xad: {  	[dreg:$0x0] =	wrdreg $0x60  }
0xae: {  	[dreg:$0x2] =	wrdreg s24  }
0xaf: {  	[dreg:$0x3] =	wrdreg s2  }
0xb0: {  	[dreg:$0x4] =	wrdreg $0x9  }
0xb1: {  	_ =	task.clear_ibuf [dreg:s7], $0x5FFFF;
	_ =	strace $0x90000049  }
0xb2: {  	s29 =	simm.s32 $0x9;
	_ =	strace $0x8000004B  }
0xb3: {  	_ =	swait.ge [sflag:s29], $0x1  }
0xb4: {  	[sflag:s29] =	ssyncadd.s32 $0xFFFFFFFF  }
0xb5: {  	_ =	strace $0x9000004B  }
0xb6: {  	_ =	sfence  }
0xb7: {  	s30 =	sld [smem:$0x0];
	_ =	sdelay $0x2  }
0xb8: {  	s31 =	sshll.u32 s1, $0xD;
	s1 =	sshrl.u32 s1, $0x2  }
0xb9: {  	s3 =	sand.u32 $0x4000, s31;
	s1 =	sadd.s32 s1, s30  }
0xba: {  	s0 =	sor.u32 s3, s0;
	s1 =	sshll.u32 s1, $0x11  }
0xbb: {  	s0 =	sor.u32 s1, s0  }
0xbc: {  	s0 =	sadd.s32 $0x8F2B, s0  }
0xbd: {  	[sflag:s0] =	ssyncadd.remote.s32 $0x1  }
0xbe: {  	_ =	sfence.sel $0xFFFF  }
0xbf: {  	[dreg:$0x0] =	wrdreg $0xFFFFFFFF;
	(pc) =	sbr.abs _section_cstart, $3  }
0xc0: {  	[dreg:$0x1] =	wrdreg $0xFFFFFFFF  }
0xc1: {  	_ =	task.clear_ibuf [dreg:s7], $0x2FFFF;
	_ =	strace $0x9FFFFFFF  }
0xc2: {  	(tm) =	ssettm $0x7FFFFFFF  }
0xc3: {  	_ =	shalt  }
tec
execute0_lowered:
.L_overlay_start_1:
0x0: {  	(tag) =	ssettag $0x1  }
0x1: {  	s0 =	rddreg [dreg:$0x0]  }
0x2: {  	s1 =	rddreg [dreg:$0x1]  }
0x3: {  	s2 =	srdreg.scid;
	s4 =	stileid.u32;
	s18 =	simm.s32 $0x5  }
0x4: {  	s14 =	simm.s32 $0xF100;
	s15 =	simm.s32 $0x14100;
	s16 =	simm.s32 $0x15100  }
0x5: {  	s17 =	simm.s32 $0x16100;
	s28 =	simm.s32 $0x16900;
	s29 =	simm.s32 $0x17100  }
0x6: {  	s30 =	simm.s32 $0x17900;
	s31 =	simm.s32 $0x1;
	s3 =	sand.u32 $0x1, s2  }
0x7: {  	s2 =	simm.s32 $0x0;
	s4 =	sshll.u32 s4, $0x7;
	s8 =	sadd.s32 $0x100800, s0  }
0x8: {  	s9 =	sadd.s32 $0x100900, s0;
	s5 =	sshll.u32 s3, $0x6;
	[smem:$0x7FF] =	sst s2  }
0x9: {  	s6 =	ssub.s32 $0x2, s3;
	s3 =	sadd.s32 $0x100600, s0;
	s4 =	sor.u32 s5, s4  }
0xa: {  	s7 =	sshrl.u32 s6, $0x1;
	s5 =	sshrl.u32 s4, $0x3;
	s4 =	sshll.u32 s4, $0x7  }
0xb: {  	_ =	strace $0x8000004A;
	s6 =	ssub.s32 s6, s7;
	s20 =	sadd.s32 s0, s4  }
0xc: {  	s7 =	sadd.s32 $0x100700, s0;
	s22 =	sadd.s32 s1, s4;
	[dreg:$0x5] =	wrdreg s20  }
0xd: {  	s5 =	sadd.s32 s5, s0;
	s26 =	smax.u32 s6, $0x1;
	[dreg:$0x7] =	wrdreg s22  }
0xe: {  	s21 =	sor.u32 $0x800, s4;
	s19 =	sadd.s32 $0x100400, s5;
	[dreg:$0xd] =	wrdreg s26  }
0xf: {  	s23 =	sor.u32 $0x1000, s4;
	s5 =	sadd.s32 $0x100200, s5;
	[dreg:$0x3] =	wrdreg s19  }
0x10: {  	s4 =	sor.u32 $0x1800, s4;
	s10 =	sadd.s32 s0, s21;
	[dreg:$0x4] =	wrdreg s5  }
0x11: {  	s11 =	sadd.s32 s0, s23;
	s0 =	sadd.s32 s0, s4;
	[dreg:$0x6] =	wrdreg s10  }
0x12: {  	s24 =	sadd.s32 s1, s23;
	s25 =	sadd.s32 s1, s4;
	[dreg:$0x8] =	wrdreg s11  }
0x13: {  	s20 =	simm.s32 $0x100;
	s23 =	simm.s32 $0x8100;
	[dreg:$0xa] =	wrdreg s0  }
0x14: {  	s26 =	simm.s32 $0x15900;
	s4 =	simm.s32 $0x0;
	[dreg:$0xb] =	wrdreg s24  }
0x15: {  	v2 =	vlaneseq.u32;
	s5 =	sadd.s32 s1, s21;
	[dreg:$0xc] =	wrdreg s25;
	s10 =	simm.s32 $0x4100  }
0x16: {  	vm0 =	vmmov $0xffff;
	v1 =	vshrl.u32 v2, $0x3;
	s24 =	simm.s32 $0xF900;
	s25 =	simm.s32 $0x14900;
	s0 =	simm.s32 $0x3  }
0x17: {  	v0 =	vand.u32 $0x7, v2;
	v2 =	vor.u32 $0x8, v2;
	v1 =	vmul.u32 $0x8, v1;
	s1 =	simm.s32 $0x2;
	s19 =	simm.s32 $0x4;
	[dreg:$0x9] =	wrdreg s5  }
.LBB2_1:
0x18: {  	s5 =	rddreg [dreg:$0x3]  }
0x19: {  	[tilespmem:s2], [sflag:$0x5] =	stream.linear.gather [hbm4b:s5+s2], $0x40, $0x38;
	[tilespmem:$0x18100] =	vst v63  }
0x1a: {  	_ =	swait.ge [sflag:s18], $0x40  }
0x1b: {  	[sflag:s18] =	ssyncset.done $0x0  }
0x1c: {  	s6 =	simm.s32 $0x80;
	s22 =	rddreg [dreg:$0x4];
	[sflag:s18] =	ssyncadd.s32 $0xFFFFFFC0  }
0x1d: {  	[tilespmem:s6], [sflag:$0x5] =	stream.linear.gather [hbm4b:s22+s2], $0x40, $0x38;
	[tilespmem:$0x18100] =	vst v63  }
0x1e: {  	_ =	swait.ge [sflag:s18], $0x40  }
0x1f: {  	[sflag:s18] =	ssyncset.done $0x0  }
0x20: {  	s11 =	rddreg [dreg:$0x5];
	[sflag:s18] =	ssyncadd.s32 $0xFFFFFFC0  }
0x21: {  	[tilespmem:s20], [sflag:$0x1] =	stream.linear.gather [hbm4b:s11+s2], $0x4000, $0x38;
	[tilespmem:$0x18100] =	vst v63  }
0x22: {  	v3 =	vld [tilespmem:$0x0];
	_ =	sdelay $0x4  }
0x23: {  	v4 =	vshll.u32 v3, $0x3  }
0x24: {  	v3 =	vand.u32 $0x7, v3;
	v4 =	vand.u32 $0xFFFFFFC0, v4  }
0x25: {  	v3 =	vor.u32 v3, v4  }
0x26: {  	v4 =	vperm.xlane v3, v0;
	_ =	sdelay $0x1  }
0x27: {  	v4 =	vadd.s32 v1, v4;
	_ =	sdelay $0x4  }
0x28: {  	[tilespmem:s23], [sflag:$0x1] =	stream.indirect_vreg.gather [hbm4b:s3+s2], $0x80, v4, vm0, $0xb8;
	[tilespmem:$0x18100] =	vst v63  }
0x29: {  	s12 =	simm.s32 $0x8900;
	v3 =	vperm.xlane v3, v2  }
0x2a: {  	[tilespmem:s12], [sflag:$0x1] =	stream.indirect_vreg.gather [hbm4b:s7+s2], $0x80, v4, vm0, $0xb8;
	[tilespmem:$0x18100] =	vst v63  }
0x2b: {  	s13 =	simm.s32 $0x9100;
	v3 =	vadd.s32 v1, v3  }
0x2c: {  	[tilespmem:s13], [sflag:$0x1] =	stream.indirect_vreg.gather [hbm4b:s8+s2], $0x80, v4, vm0, $0xb8;
	[tilespmem:$0x18100] =	vst v63  }
0x2d: {  	s21 =	simm.s32 $0x9900  }
0x2e: {  	[tilespmem:s21], [sflag:$0x1] =	stream.indirect_vreg.gather [hbm4b:s9+s2], $0x80, v4, vm0, $0xb8;
	[tilespmem:$0x18100] =	vst v63  }
0x2f: {  	s22 =	simm.s32 $0xA100  }
0x30: {  	[tilespmem:s22], [sflag:$0x1] =	stream.indirect_vreg.gather [hbm4b:s3+s2], $0x80, v3, vm0, $0xb8;
	[tilespmem:$0x18100] =	vst v63  }
0x31: {  	s6 =	simm.s32 $0xA900  }
0x32: {  	[tilespmem:s6], [sflag:$0x1] =	stream.indirect_vreg.gather [hbm4b:s7+s2], $0x80, v3, vm0, $0xb8;
	[tilespmem:$0x18100] =	vst v63  }
0x33: {  	s11 =	simm.s32 $0xB100  }
0x34: {  	[tilespmem:s11], [sflag:$0x1] =	stream.indirect_vreg.gather [hbm4b:s8+s2], $0x80, v3, vm0, $0xb8;
	[tilespmem:$0x18100] =	vst v63  }
0x35: {  	s12 =	simm.s32 $0xB900  }
0x36: {  	[tilespmem:s12], [sflag:$0x1] =	stream.indirect_vreg.gather [hbm4b:s9+s2], $0x80, v3, vm0, $0xb8;
	[tilespmem:$0x18100] =	vst v63  }
0x37: {  	v3 =	vld [tilespmem:$0x80];
	_ =	sdelay $0x4  }
0x38: {  	v61 =	vshll.u32 v3, $0x3  }
0x39: {  	v3 =	vand.u32 $0x7, v3;
	v4 =	vand.u32 $0xFFFFFFC0, v61  }
0x3a: {  	v3 =	vor.u32 v3, v4  }
0x3b: {  	v4 =	vperm.xlane v3, v0;
	_ =	sdelay $0x1  }
0x3c: {  	v4 =	vadd.s32 v1, v4;
	_ =	sdelay $0x3  }
0x3d: {  	s13 =	simm.s32 $0x10100  }
0x3e: {  	[tilespmem:s13], [sflag:$0x1] =	stream.indirect_vreg.gather [hbm4b:s3+s2], $0x80, v4, vm0, $0xb8;
	[tilespmem:$0x18100] =	vst v63  }
0x3f: {  	s21 =	simm.s32 $0x10900;
	v3 =	vperm.xlane v3, v2  }
0x40: {  	[tilespmem:s21], [sflag:$0x1] =	stream.indirect_vreg.gather [hbm4b:s7+s2], $0x80, v4, vm0, $0xb8;
	[tilespmem:$0x18100] =	vst v63  }
0x41: {  	s22 =	simm.s32 $0x11100;
	v3 =	vadd.s32 v1, v3  }
0x42: {  	[tilespmem:s22], [sflag:$0x1] =	stream.indirect_vreg.gather [hbm4b:s8+s2], $0x80, v4, vm0, $0xb8;
	[tilespmem:$0x18100] =	vst v63  }
0x43: {  	s6 =	simm.s32 $0x11900  }
0x44: {  	[tilespmem:s6], [sflag:$0x1] =	stream.indirect_vreg.gather [hbm4b:s9+s2], $0x80, v4, vm0, $0xb8;
	[tilespmem:$0x18100] =	vst v63  }
0x45: {  	s11 =	simm.s32 $0x12100  }
0x46: {  	[tilespmem:s11], [sflag:$0x1] =	stream.indirect_vreg.gather [hbm4b:s3+s2], $0x80, v3, vm0, $0xb8;
	[tilespmem:$0x18100] =	vst v63  }
0x47: {  	s12 =	simm.s32 $0x12900  }
0x48: {  	[tilespmem:s12], [sflag:$0x1] =	stream.indirect_vreg.gather [hbm4b:s7+s2], $0x80, v3, vm0, $0xb8;
	[tilespmem:$0x18100] =	vst v63  }
0x49: {  	s13 =	simm.s32 $0x13100  }
0x4a: {  	[tilespmem:s13], [sflag:$0x1] =	stream.indirect_vreg.gather [hbm4b:s8+s2], $0x80, v3, vm0, $0xb8;
	[tilespmem:$0x18100] =	vst v63  }
0x4b: {  	s21 =	simm.s32 $0x13900  }
0x4c: {  	[tilespmem:s21], [sflag:$0x1] =	stream.indirect_vreg.gather [hbm4b:s9+s2], $0x80, v3, vm0, $0xb8;
	[tilespmem:$0x18100] =	vst v63  }
0x4d: {  	s22 =	rddreg [dreg:$0x6]  }
0x4e: {  	[tilespmem:s10], [sflag:$0x2] =	stream.linear.gather [hbm4b:s22+s2], $0x4000, $0x38;
	[tilespmem:$0x18100] =	vst v63  }
0x4f: {  	v3 =	vld [tilespmem:$0x10];
	_ =	sdelay $0x4  }
0x50: {  	v62 =	vshll.u32 v3, $0x3  }
0x51: {  	v3 =	vand.u32 $0x7, v3;
	v4 =	vand.u32 $0xFFFFFFC0, v62  }
0x52: {  	v3 =	vor.u32 v3, v4  }
0x53: {  	v4 =	vperm.xlane v3, v0;
	_ =	sdelay $0x1  }
0x54: {  	v4 =	vadd.s32 v1, v4;
	_ =	sdelay $0x3  }
0x55: {  	s6 =	simm.s32 $0xC100  }
0x56: {  	[tilespmem:s6], [sflag:$0x2] =	stream.indirect_vreg.gather [hbm4b:s3+s2], $0x80, v4, vm0, $0xb8;
	[tilespmem:$0x18100] =	vst v63  }
0x57: {  	s11 =	simm.s32 $0xC900;
	v3 =	vperm.xlane v3, v2  }
0x58: {  	[tilespmem:s11], [sflag:$0x2] =	stream.indirect_vreg.gather [hbm4b:s7+s2], $0x80, v4, vm0, $0xb8;
	[tilespmem:$0x18100] =	vst v63  }
0x59: {  	s12 =	simm.s32 $0xD100;
	v3 =	vadd.s32 v1, v3  }
0x5a: {  	[tilespmem:s12], [sflag:$0x2] =	stream.indirect_vreg.gather [hbm4b:s8+s2], $0x80, v4, vm0, $0xb8;
	[tilespmem:$0x18100] =	vst v63  }
0x5b: {  	s13 =	simm.s32 $0xD900  }
0x5c: {  	[tilespmem:s13], [sflag:$0x2] =	stream.indirect_vreg.gather [hbm4b:s9+s2], $0x80, v4, vm0, $0xb8;
	[tilespmem:$0x18100] =	vst v63  }
0x5d: {  	s21 =	simm.s32 $0xE100  }
0x5e: {  	[tilespmem:s21], [sflag:$0x2] =	stream.indirect_vreg.gather [hbm4b:s3+s2], $0x80, v3, vm0, $0xb8;
	[tilespmem:$0x18100] =	vst v63  }
0x5f: {  	s22 =	simm.s32 $0xE900  }
0x60: {  	[tilespmem:s22], [sflag:$0x2] =	stream.indirect_vreg.gather [hbm4b:s7+s2], $0x80, v3, vm0, $0xb8;
	[tilespmem:$0x18100] =	vst v63  }
0x61: {  	_ = 	snop  }
0x62: {  	[tilespmem:s14], [sflag:$0x2] =	stream.indirect_vreg.gather [hbm4b:s8+s2], $0x80, v3, vm0, $0xb8;
	[tilespmem:$0x18100] =	vst v63  }
0x63: {  	_ = 	snop  }
0x64: {  	[tilespmem:s24], [sflag:$0x2] =	stream.indirect_vreg.gather [hbm4b:s9+s2], $0x80, v3, vm0, $0xb8;
	[tilespmem:$0x18100] =	vst v63  }
0x65: {  	v3 =	vld [tilespmem:$0x90];
	_ =	sdelay $0x4  }
0x66: {  	v63 =	vshll.u32 v3, $0x3  }
0x67: {  	v3 =	vand.u32 $0x7, v3;
	v4 =	vand.u32 $0xFFFFFFC0, v63  }
0x68: {  	v3 =	vor.u32 v3, v4  }
0x69: {  	v4 =	vperm.xlane v3, v0;
	_ =	sdelay $0x1  }
0x6a: {  	v4 =	vadd.s32 v1, v4;
	_ =	sdelay $0x4  }
0x6b: {  	[tilespmem:s15], [sflag:$0x2] =	stream.indirect_vreg.gather [hbm4b:s3+s2], $0x80, v4, vm0, $0xb8;
	[tilespmem:$0x18100] =	vst v63  }
0x6c: {  	v3 =	vperm.xlane v3, v2  }
0x6d: {  	[tilespmem:s25], [sflag:$0x2] =	stream.indirect_vreg.gather [hbm4b:s7+s2], $0x80, v4, vm0, $0xb8;
	[tilespmem:$0x18100] =	vst v63  }
0x6e: {  	v3 =	vadd.s32 v1, v3  }
0x6f: {  	[tilespmem:s16], [sflag:$0x2] =	stream.indirect_vreg.gather [hbm4b:s8+s2], $0x80, v4, vm0, $0xb8;
	[tilespmem:$0x18100] =	vst v63  }
0x70: {  	_ = 	snop  }
0x71: {  	[tilespmem:s26], [sflag:$0x2] =	stream.indirect_vreg.gather [hbm4b:s9+s2], $0x80, v4, vm0, $0xb8;
	[tilespmem:$0x18100] =	vst v63  }
0x72: {  	_ = 	snop  }
0x73: {  	[tilespmem:s17], [sflag:$0x2] =	stream.indirect_vreg.gather [hbm4b:s3+s2], $0x80, v3, vm0, $0xb8;
	[tilespmem:$0x18100] =	vst v63  }
0x74: {  	_ = 	snop  }
0x75: {  	[tilespmem:s28], [sflag:$0x2] =	stream.indirect_vreg.gather [hbm4b:s7+s2], $0x80, v3, vm0, $0xb8;
	[tilespmem:$0x18100] =	vst v63  }
0x76: {  	_ = 	snop  }
0x77: {  	[tilespmem:s29], [sflag:$0x2] =	stream.indirect_vreg.gather [hbm4b:s8+s2], $0x80, v3, vm0, $0xb8;
	[tilespmem:$0x18100] =	vst v63  }
0x78: {  	_ = 	snop  }
0x79: {  	[tilespmem:s30], [sflag:$0x2] =	stream.indirect_vreg.gather [hbm4b:s9+s2], $0x80, v3, vm0, $0xb8;
	[tilespmem:$0x18100] =	vst v63  }
0x7a: {  	_ =	swait.ge [sflag:s31], $0x4000  }
0x7b: {  	[sflag:s31] =	ssyncset.done $0x0  }
0x7c: {  	[sflag:s31] =	ssyncadd.s32 $0xFFFFC000  }
0x7d: {  	_ =	swait.ge [sflag:s31], $0x4000  }
0x7e: {  	[sflag:s31] =	ssyncset.done $0x0  }
0x7f: {  	[sflag:s31] =	ssyncadd.s32 $0xFFFFC000  }
0x80: {  	_ =	swait.ge [sflag:s31], $0x4000  }
0x81: {  	[sflag:s31] =	ssyncset.done $0x0  }
0x82: {  	s5 =	simm.s32 $0x0;
	[sflag:s31] =	ssyncadd.s32 $0xFFFFC000  }
.LBB2_2:
0x83: {  	s6 =	sshll.u32 s5, $0xA;
	s11 =	sshll.u32 s5, $0x7  }
0x84: {  	s6 =	sand.u32 $0x2000, s6;
	s12 =	sand.u32 $0x380, s11;
	s11 =	simm.s32 $0x0  }
0x85: {  	s12 =	sor.u32 s6, s12;
	s22 =	sand.u32 $0x40, s11  }
0x86: {  	s13 =	sand.u32 $0x1C00, s11;
	s6 =	sor.u32 s22, s12  }
0x87: {  	s6 =	sor.u32 s13, s6  }
0x88: {  	v7 =	vld [tilespmem:s6+$0x10100]  }
0x89: {  	v8 =	vld [tilespmem:s6+$0x10110]  }
0x8a: {  	v6 =	vld [tilespmem:s6+$0x8100]  }
0x8b: {  	v5 =	vld [tilespmem:s6+$0x8110]  }
0x8c: {  	v4 =	vld [tilespmem:s6+$0x8120]  }
0x8d: {  	v3 =	vld [tilespmem:s6+$0x8130]  }
0x8e: {  	s21 =	simm.s32 $0x40;
	v9 =	vld [tilespmem:s6+$0x100]  }
.LBB2_3:
0x8f: {  	p0 =	sne.s32 s21, $0x3C0;
	v10 =	vld [tilespmem:s6+$0x110]  }
0x90: {  	v11 =	vld [tilespmem:s6+$0x120]  }
0x91: {  	s13 =	sand.u32 $0x40, s21;
	s11 =	sadd.s32 $0x200, s11;
	v12 =	vld [tilespmem:s6+$0x130]  }
0x92: {  	s22 =	sand.u32 $0x1C00, s11;
	s13 =	sor.u32 s13, s12;
	v13 =	vld [tilespmem:s6+$0x10120]  }
0x93: {  	s13 =	sor.u32 s22, s13;
	v6 =	vadd.f32 v6, v9;
	v9 =	vld [tilespmem:s6+$0x10130]  }
0x94: {  	v14 =	vld [tilespmem:s13+$0x10100];
	v5 =	vadd.f32 v5, v10  }
0x95: {  	v10 =	vld [tilespmem:s13+$0x10110];
	v7 =	vadd.f32 v7, v6;
	v4 =	vadd.f32 v4, v11  }
.Ltmp0:
0x96: {  	v6 =	vld [tilespmem:s13+$0x8100];
	v8 =	vadd.f32 v8, v5;
	v3 =	vadd.f32 v3, v12;
	(pc) =	sbr.rel @p0 .LBB2_3-.Ltmp0, $4  }
0x97: {  	v5 =	vld [tilespmem:s13+$0x8110];
	[tilespmem:s6+$0x100] =	vst v7;
	v11 =	vadd.f32 v13, v4  }
0x98: {  	v4 =	vld [tilespmem:s13+$0x8120];
	[tilespmem:s6+$0x110] =	vst v8;
	v12 =	vadd.f32 v9, v3  }
0x99: {  	v3 =	vld [tilespmem:s13+$0x8130];
	[tilespmem:s6+$0x120] =	vst v11;
	v7 =	vmov v14  }
0x9a: {  	s21 =	sadd.s32 $0x40, s21;
	v9 =	vld [tilespmem:s13+$0x100];
	[tilespmem:s6+$0x130] =	vst v12;
	v8 =	vmov v10;
	s6 =	smov.u32 s13  }
0x9b: {  	v10 =	vld [tilespmem:s6+$0x110]  }
0x9c: {  	v11 =	vld [tilespmem:s6+$0x120]  }
0x9d: {  	v12 =	vld [tilespmem:s6+$0x130]  }
0x9e: {  	v13 =	vld [tilespmem:s6+$0x10120]  }
0x9f: {  	v63 =	vld [tilespmem:s6+$0x10130];
	v6 =	vadd.f32 v6, v9  }
0xa0: {  	s5 =	sadd.s32 $0x1, s5;
	v5 =	vadd.f32 v5, v10  }
0xa1: {  	p0 =	sne.s32 s5, $0x10;
	v4 =	vadd.f32 v4, v11;
	v6 =	vadd.f32 v7, v6  }
.Ltmp1:
0xa2: {  	v3 =	vadd.f32 v3, v12;
	v5 =	vadd.f32 v8, v5;
	(pc) =	sbr.rel @p0 .LBB2_2-.Ltmp1, $4  }
0xa3: {  	v4 =	vadd.f32 v13, v4;
	[tilespmem:s6+$0x100] =	vst v6  }
0xa4: {  	v3 =	vadd.f32 v63, v3;
	[tilespmem:s6+$0x110] =	vst v5  }
0xa5: {  	[tilespmem:s6+$0x120] =	vst v4  }
0xa6: {  	[tilespmem:s6+$0x130] =	vst v3  }
0xa7: {  	s5 =	simm.s32 $0x0;
	s6 =	rddreg [dreg:$0x7]  }
0xa8: {  	[hbm4b:s6+s5] =	stream.linear.scatter [tilespmem:s20], [sflag:$0x3], $0x4000, $0x38;
	[tilespmem:$0x18100] =	vst v63  }
0xa9: {  	_ =	swait.ge [sflag:s0], $0x4000  }
0xaa: {  	[sflag:s0] =	ssyncset.done $0x0  }
0xab: {  	s13 =	rddreg [dreg:$0x8];
	[sflag:s0] =	ssyncadd.s32 $0xFFFFC000  }
0xac: {  	[tilespmem:s20], [sflag:$0x1] =	stream.linear.gather [hbm4b:s13+s5], $0x4000, $0x38;
	[tilespmem:$0x18100] =	vst v63  }
0xad: {  	v3 =	vld [tilespmem:$0x20];
	_ =	sdelay $0x4  }
0xae: {  	v4 =	vshll.u32 v3, $0x3  }
0xaf: {  	v3 =	vand.u32 $0x7, v3;
	v4 =	vand.u32 $0xFFFFFFC0, v4  }
0xb0: {  	v3 =	vor.u32 v3, v4  }
0xb1: {  	v4 =	vperm.xlane v3, v0;
	_ =	sdelay $0x1  }
0xb2: {  	v4 =	vadd.s32 v1, v4;
	_ =	sdelay $0x4  }
0xb3: {  	[tilespmem:s23], [sflag:$0x1] =	stream.indirect_vreg.gather [hbm4b:s3+s5], $0x80, v4, vm0, $0xb8;
	[tilespmem:$0x18100] =	vst v63  }
0xb4: {  	s21 =	simm.s32 $0x8900;
	v3 =	vperm.xlane v3, v2  }
0xb5: {  	[tilespmem:s21], [sflag:$0x1] =	stream.indirect_vreg.gather [hbm4b:s7+s5], $0x80, v4, vm0, $0xb8;
	[tilespmem:$0x18100] =	vst v63  }
0xb6: {  	s22 =	simm.s32 $0x9100;
	v3 =	vadd.s32 v1, v3  }
0xb7: {  	[tilespmem:s22], [sflag:$0x1] =	stream.indirect_vreg.gather [hbm4b:s8+s5], $0x80, v4, vm0, $0xb8;
	[tilespmem:$0x18100] =	vst v63  }
0xb8: {  	s23 =	simm.s32 $0x9900  }
0xb9: {  	[tilespmem:s23], [sflag:$0x1] =	stream.indirect_vreg.gather [hbm4b:s9+s5], $0x80, v4, vm0, $0xb8;
	[tilespmem:$0x18100] =	vst v63  }
0xba: {  	s11 =	simm.s32 $0xA100  }
0xbb: {  	[tilespmem:s11], [sflag:$0x1] =	stream.indirect_vreg.gather [hbm4b:s3+s5], $0x80, v3, vm0, $0xb8;
	[tilespmem:$0x18100] =	vst v63  }
0xbc: {  	s12 =	simm.s32 $0xA900  }
0xbd: {  	[tilespmem:s12], [sflag:$0x1] =	stream.indirect_vreg.gather [hbm4b:s7+s5], $0x80, v3, vm0, $0xb8;
	[tilespmem:$0x18100] =	vst v63  }
0xbe: {  	s13 =	simm.s32 $0xB100  }
0xbf: {  	[tilespmem:s13], [sflag:$0x1] =	stream.indirect_vreg.gather [hbm4b:s8+s5], $0x80, v3, vm0, $0xb8;
	[tilespmem:$0x18100] =	vst v63  }
0xc0: {  	s21 =	simm.s32 $0xB900  }
0xc1: {  	[tilespmem:s21], [sflag:$0x1] =	stream.indirect_vreg.gather [hbm4b:s9+s5], $0x80, v3, vm0, $0xb8;
	[tilespmem:$0x18100] =	vst v63  }
0xc2: {  	v3 =	vld [tilespmem:$0xA0];
	_ =	sdelay $0x4  }
0xc3: {  	v63 =	vshll.u32 v3, $0x3  }
0xc4: {  	v3 =	vand.u32 $0x7, v3;
	v4 =	vand.u32 $0xFFFFFFC0, v63  }
0xc5: {  	v3 =	vor.u32 v3, v4  }
0xc6: {  	v4 =	vperm.xlane v3, v0;
	_ =	sdelay $0x1  }
0xc7: {  	v4 =	vadd.s32 v1, v4;
	_ =	sdelay $0x3  }
0xc8: {  	s22 =	simm.s32 $0x10100  }
0xc9: {  	[tilespmem:s22], [sflag:$0x1] =	stream.indirect_vreg.gather [hbm4b:s3+s5], $0x80, v4, vm0, $0xb8;
	[tilespmem:$0x18100] =	vst v63  }
0xca: {  	s23 =	simm.s32 $0x10900;
	v3 =	vperm.xlane v3, v2  }
0xcb: {  	[tilespmem:s23], [sflag:$0x1] =	stream.indirect_vreg.gather [hbm4b:s7+s5], $0x80, v4, vm0, $0xb8;
	[tilespmem:$0x18100] =	vst v63  }
0xcc: {  	s11 =	simm.s32 $0x11100;
	v3 =	vadd.s32 v1, v3  }
0xcd: {  	[tilespmem:s11], [sflag:$0x1] =	stream.indirect_vreg.gather [hbm4b:s8+s5], $0x80, v4, vm0, $0xb8;
	[tilespmem:$0x18100] =	vst v63  }
0xce: {  	s12 =	simm.s32 $0x11900  }
0xcf: {  	[tilespmem:s12], [sflag:$0x1] =	stream.indirect_vreg.gather [hbm4b:s9+s5], $0x80, v4, vm0, $0xb8;
	[tilespmem:$0x18100] =	vst v63  }
0xd0: {  	s13 =	simm.s32 $0x12100  }
0xd1: {  	[tilespmem:s13], [sflag:$0x1] =	stream.indirect_vreg.gather [hbm4b:s3+s5], $0x80, v3, vm0, $0xb8;
	[tilespmem:$0x18100] =	vst v63  }
0xd2: {  	s21 =	simm.s32 $0x12900  }
0xd3: {  	[tilespmem:s21], [sflag:$0x1] =	stream.indirect_vreg.gather [hbm4b:s7+s5], $0x80, v3, vm0, $0xb8;
	[tilespmem:$0x18100] =	vst v63  }
0xd4: {  	s22 =	simm.s32 $0x13100  }
0xd5: {  	[tilespmem:s22], [sflag:$0x1] =	stream.indirect_vreg.gather [hbm4b:s8+s5], $0x80, v3, vm0, $0xb8;
	[tilespmem:$0x18100] =	vst v63  }
0xd6: {  	s23 =	simm.s32 $0x13900  }
0xd7: {  	[tilespmem:s23], [sflag:$0x1] =	stream.indirect_vreg.gather [hbm4b:s9+s5], $0x80, v3, vm0, $0xb8;
	[tilespmem:$0x18100] =	vst v63  }
0xd8: {  	_ =	swait.ge [sflag:s1], $0x4000  }
0xd9: {  	[sflag:s1] =	ssyncset.done $0x0  }
0xda: {  	[sflag:s1] =	ssyncadd.s32 $0xFFFFC000  }
0xdb: {  	_ =	swait.ge [sflag:s1], $0x4000  }
0xdc: {  	[sflag:s1] =	ssyncset.done $0x0  }
0xdd: {  	[sflag:s1] =	ssyncadd.s32 $0xFFFFC000  }
0xde: {  	_ =	swait.ge [sflag:s1], $0x4000  }
0xdf: {  	[sflag:s1] =	ssyncset.done $0x0  }
0xe0: {  	s6 =	simm.s32 $0x0;
	[sflag:s1] =	ssyncadd.s32 $0xFFFFC000  }
.LBB2_6:
0xe1: {  	s11 =	sshll.u32 s6, $0xA;
	s12 =	sshll.u32 s6, $0x7  }
0xe2: {  	s11 =	sand.u32 $0x2000, s11;
	s12 =	sand.u32 $0x380, s12  }
0xe3: {  	s23 =	sand.u32 $0x40, s5;
	s12 =	sor.u32 s11, s12  }
0xe4: {  	s13 =	sand.u32 $0x1C00, s5;
	s11 =	sor.u32 s23, s12  }
0xe5: {  	s11 =	sor.u32 s13, s11  }
0xe6: {  	v7 =	vld [tilespmem:s11+$0x14100]  }
0xe7: {  	v8 =	vld [tilespmem:s11+$0x14110]  }
0xe8: {  	v6 =	vld [tilespmem:s11+$0xC100]  }
0xe9: {  	v5 =	vld [tilespmem:s11+$0xC110]  }
0xea: {  	v4 =	vld [tilespmem:s11+$0xC120]  }
0xeb: {  	v3 =	vld [tilespmem:s11+$0xC130]  }
0xec: {  	s21 =	simm.s32 $0x40;
	s13 =	simm.s32 $0x0;
	v9 =	vld [tilespmem:s11+$0x4100]  }
.LBB2_7:
0xed: {  	p0 =	sne.s32 s21, $0x3C0;
	v10 =	vld [tilespmem:s11+$0x4110]  }
0xee: {  	v11 =	vld [tilespmem:s11+$0x4120]  }
0xef: {  	s22 =	sand.u32 $0x40, s21;
	s13 =	sadd.s32 $0x200, s13;
	v12 =	vld [tilespmem:s11+$0x4130]  }
0xf0: {  	s23 =	sand.u32 $0x1C00, s13;
	s22 =	sor.u32 s22, s12;
	v13 =	vld [tilespmem:s11+$0x14120]  }
0xf1: {  	s22 =	sor.u32 s23, s22;
	v6 =	vadd.f32 v6, v9;
	v9 =	vld [tilespmem:s11+$0x14130]  }
0xf2: {  	v14 =	vld [tilespmem:s22+$0x14100];
	v5 =	vadd.f32 v5, v10  }
0xf3: {  	v10 =	vld [tilespmem:s22+$0x14110];
	v7 =	vadd.f32 v7, v6;
	v4 =	vadd.f32 v4, v11  }
.Ltmp2:
0xf4: {  	v6 =	vld [tilespmem:s22+$0xC100];
	v8 =	vadd.f32 v8, v5;
	v3 =	vadd.f32 v3, v12;
	(pc) =	sbr.rel @p0 .LBB2_7-.Ltmp2, $4  }
0xf5: {  	v5 =	vld [tilespmem:s22+$0xC110];
	[tilespmem:s11+$0x4100] =	vst v7;
	v11 =	vadd.f32 v13, v4  }
0xf6: {  	v4 =	vld [tilespmem:s22+$0xC120];
	[tilespmem:s11+$0x4110] =	vst v8;
	v12 =	vadd.f32 v9, v3  }
0xf7: {  	v3 =	vld [tilespmem:s22+$0xC130];
	[tilespmem:s11+$0x4120] =	vst v11;
	v7 =	vmov v14  }
0xf8: {  	s21 =	sadd.s32 $0x40, s21;
	v9 =	vld [tilespmem:s22+$0x4100];
	[tilespmem:s11+$0x4130] =	vst v12;
	v8 =	vmov v10;
	s11 =	smov.u32 s22  }
0xf9: {  	v10 =	vld [tilespmem:s11+$0x4110]  }
0xfa: {  	v11 =	vld [tilespmem:s11+$0x4120]  }
0xfb: {  	v12 =	vld [tilespmem:s11+$0x4130]  }
0xfc: {  	v13 =	vld [tilespmem:s11+$0x14120]  }
0xfd: {  	v63 =	vld [tilespmem:s11+$0x14130];
	v6 =	vadd.f32 v6, v9  }
0xfe: {  	s6 =	sadd.s32 $0x1, s6;
	v5 =	vadd.f32 v5, v10  }
0xff: {  	p0 =	sne.s32 s6, $0x10;
	v4 =	vadd.f32 v4, v11;
	v6 =	vadd.f32 v7, v6  }
.Ltmp3:
0x100: {  	v3 =	vadd.f32 v3, v12;
	v5 =	vadd.f32 v8, v5;
	(pc) =	sbr.rel @p0 .LBB2_6-.Ltmp3, $4  }
0x101: {  	v4 =	vadd.f32 v13, v4;
	[tilespmem:s11+$0x4100] =	vst v6  }
0x102: {  	v3 =	vadd.f32 v63, v3;
	[tilespmem:s11+$0x4110] =	vst v5  }
0x103: {  	[tilespmem:s11+$0x4120] =	vst v4  }
0x104: {  	[tilespmem:s11+$0x4130] =	vst v3  }
0x105: {  	s5 =	simm.s32 $0x0;
	s6 =	rddreg [dreg:$0x9]  }
0x106: {  	[hbm4b:s6+s5] =	stream.linear.scatter [tilespmem:s10], [sflag:$0x4], $0x4000, $0x38;
	[tilespmem:$0x18100] =	vst v63  }
0x107: {  	_ =	swait.ge [sflag:s19], $0x4000  }
0x108: {  	[sflag:s19] =	ssyncset.done $0x0  }
0x109: {  	s23 =	rddreg [dreg:$0xa];
	[sflag:s19] =	ssyncadd.s32 $0xFFFFC000  }
0x10a: {  	[tilespmem:s10], [sflag:$0x2] =	stream.linear.gather [hbm4b:s23+s5], $0x4000, $0x38;
	[tilespmem:$0x18100] =	vst v63  }
0x10b: {  	v3 =	vld [tilespmem:$0x30];
	_ =	sdelay $0x4  }
0x10c: {  	v4 =	vshll.u32 v3, $0x3  }
0x10d: {  	v3 =	vand.u32 $0x7, v3;
	v4 =	vand.u32 $0xFFFFFFC0, v4  }
0x10e: {  	v3 =	vor.u32 v3, v4  }
0x10f: {  	v4 =	vperm.xlane v3, v0;
	_ =	sdelay $0x1  }
0x110: {  	v4 =	vadd.s32 v1, v4;
	_ =	sdelay $0x3  }
0x111: {  	s11 =	simm.s32 $0xC100  }
0x112: {  	[tilespmem:s11], [sflag:$0x2] =	stream.indirect_vreg.gather [hbm4b:s3+s5], $0x80, v4, vm0, $0xb8;
	[tilespmem:$0x18100] =	vst v63  }
0x113: {  	s12 =	simm.s32 $0xC900;
	v3 =	vperm.xlane v3, v2  }
0x114: {  	[tilespmem:s12], [sflag:$0x2] =	stream.indirect_vreg.gather [hbm4b:s7+s5], $0x80, v4, vm0, $0xb8;
	[tilespmem:$0x18100] =	vst v63  }
0x115: {  	s13 =	simm.s32 $0xD100;
	v3 =	vadd.s32 v1, v3  }
0x116: {  	[tilespmem:s13], [sflag:$0x2] =	stream.indirect_vreg.gather [hbm4b:s8+s5], $0x80, v4, vm0, $0xb8;
	[tilespmem:$0x18100] =	vst v63  }
0x117: {  	s21 =	simm.s32 $0xD900  }
0x118: {  	[tilespmem:s21], [sflag:$0x2] =	stream.indirect_vreg.gather [hbm4b:s9+s5], $0x80, v4, vm0, $0xb8;
	[tilespmem:$0x18100] =	vst v63  }
0x119: {  	s22 =	simm.s32 $0xE100  }
0x11a: {  	[tilespmem:s22], [sflag:$0x2] =	stream.indirect_vreg.gather [hbm4b:s3+s5], $0x80, v3, vm0, $0xb8;
	[tilespmem:$0x18100] =	vst v63  }
0x11b: {  	s23 =	simm.s32 $0xE900  }
0x11c: {  	[tilespmem:s23], [sflag:$0x2] =	stream.indirect_vreg.gather [hbm4b:s7+s5], $0x80, v3, vm0, $0xb8;
	[tilespmem:$0x18100] =	vst v63  }
0x11d: {  	_ = 	snop  }
0x11e: {  	[tilespmem:s14], [sflag:$0x2] =	stream.indirect_vreg.gather [hbm4b:s8+s5], $0x80, v3, vm0, $0xb8;
	[tilespmem:$0x18100] =	vst v63  }
0x11f: {  	_ = 	snop  }
0x120: {  	[tilespmem:s24], [sflag:$0x2] =	stream.indirect_vreg.gather [hbm4b:s9+s5], $0x80, v3, vm0, $0xb8;
	[tilespmem:$0x18100] =	vst v63  }
0x121: {  	v3 =	vld [tilespmem:$0xB0];
	_ =	sdelay $0x4  }
0x122: {  	v63 =	vshll.u32 v3, $0x3  }
0x123: {  	v3 =	vand.u32 $0x7, v3;
	v4 =	vand.u32 $0xFFFFFFC0, v63  }
0x124: {  	v3 =	vor.u32 v3, v4  }
0x125: {  	v4 =	vperm.xlane v3, v0;
	_ =	sdelay $0x1  }
0x126: {  	v4 =	vadd.s32 v1, v4;
	_ =	sdelay $0x4  }
0x127: {  	[tilespmem:s15], [sflag:$0x2] =	stream.indirect_vreg.gather [hbm4b:s3+s5], $0x80, v4, vm0, $0xb8;
	[tilespmem:$0x18100] =	vst v63  }
0x128: {  	v3 =	vperm.xlane v3, v2  }
0x129: {  	[tilespmem:s25], [sflag:$0x2] =	stream.indirect_vreg.gather [hbm4b:s7+s5], $0x80, v4, vm0, $0xb8;
	[tilespmem:$0x18100] =	vst v63  }
0x12a: {  	v3 =	vadd.s32 v1, v3  }
0x12b: {  	[tilespmem:s16], [sflag:$0x2] =	stream.indirect_vreg.gather [hbm4b:s8+s5], $0x80, v4, vm0, $0xb8;
	[tilespmem:$0x18100] =	vst v63  }
0x12c: {  	_ = 	snop  }
0x12d: {  	[tilespmem:s26], [sflag:$0x2] =	stream.indirect_vreg.gather [hbm4b:s9+s5], $0x80, v4, vm0, $0xb8;
	[tilespmem:$0x18100] =	vst v63  }
0x12e: {  	_ = 	snop  }
0x12f: {  	[tilespmem:s17], [sflag:$0x2] =	stream.indirect_vreg.gather [hbm4b:s3+s5], $0x80, v3, vm0, $0xb8;
	[tilespmem:$0x18100] =	vst v63  }
0x130: {  	_ = 	snop  }
0x131: {  	[tilespmem:s28], [sflag:$0x2] =	stream.indirect_vreg.gather [hbm4b:s7+s5], $0x80, v3, vm0, $0xb8;
	[tilespmem:$0x18100] =	vst v63  }
0x132: {  	_ = 	snop  }
0x133: {  	[tilespmem:s29], [sflag:$0x2] =	stream.indirect_vreg.gather [hbm4b:s8+s5], $0x80, v3, vm0, $0xb8;
	[tilespmem:$0x18100] =	vst v63  }
0x134: {  	_ = 	snop  }
0x135: {  	[tilespmem:s30], [sflag:$0x2] =	stream.indirect_vreg.gather [hbm4b:s9+s5], $0x80, v3, vm0, $0xb8;
	[tilespmem:$0x18100] =	vst v63  }
0x136: {  	_ =	swait.ge [sflag:s31], $0x4000  }
0x137: {  	[sflag:s31] =	ssyncset.done $0x0  }
0x138: {  	[sflag:s31] =	ssyncadd.s32 $0xFFFFC000  }
0x139: {  	_ =	swait.ge [sflag:s31], $0x4000  }
0x13a: {  	[sflag:s31] =	ssyncset.done $0x0  }
0x13b: {  	[sflag:s31] =	ssyncadd.s32 $0xFFFFC000  }
0x13c: {  	_ =	swait.ge [sflag:s31], $0x4000  }
0x13d: {  	[sflag:s31] =	ssyncset.done $0x0  }
0x13e: {  	s6 =	simm.s32 $0x0;
	[sflag:s31] =	ssyncadd.s32 $0xFFFFC000  }
.LBB2_10:
0x13f: {  	s11 =	sshll.u32 s6, $0xA;
	s12 =	sshll.u32 s6, $0x7  }
0x140: {  	s11 =	sand.u32 $0x2000, s11;
	s12 =	sand.u32 $0x380, s12  }
0x141: {  	s23 =	sand.u32 $0x40, s5;
	s12 =	sor.u32 s11, s12  }
0x142: {  	s13 =	sand.u32 $0x1C00, s5;
	s11 =	sor.u32 s23, s12  }
0x143: {  	s11 =	sor.u32 s13, s11  }
0x144: {  	v7 =	vld [tilespmem:s11+$0x10100]  }
0x145: {  	v8 =	vld [tilespmem:s11+$0x10110]  }
0x146: {  	v6 =	vld [tilespmem:s11+$0x8100]  }
0x147: {  	v5 =	vld [tilespmem:s11+$0x8110]  }
0x148: {  	v4 =	vld [tilespmem:s11+$0x8120]  }
0x149: {  	v3 =	vld [tilespmem:s11+$0x8130]  }
0x14a: {  	s21 =	simm.s32 $0x40;
	s13 =	simm.s32 $0x0;
	v9 =	vld [tilespmem:s11+$0x100]  }
.LBB2_11:
0x14b: {  	p0 =	sne.s32 s21, $0x3C0;
	v10 =	vld [tilespmem:s11+$0x110]  }
0x14c: {  	v11 =	vld [tilespmem:s11+$0x120]  }
0x14d: {  	s22 =	sand.u32 $0x40, s21;
	s13 =	sadd.s32 $0x200, s13;
	v12 =	vld [tilespmem:s11+$0x130]  }
0x14e: {  	s23 =	sand.u32 $0x1C00, s13;
	s22 =	sor.u32 s22, s12;
	v13 =	vld [tilespmem:s11+$0x10120]  }
0x14f: {  	s22 =	sor.u32 s23, s22;
	v6 =	vadd.f32 v6, v9;
	v9 =	vld [tilespmem:s11+$0x10130]  }
0x150: {  	v14 =	vld [tilespmem:s22+$0x10100];
	v5 =	vadd.f32 v5, v10  }
0x151: {  	v10 =	vld [tilespmem:s22+$0x10110];
	v7 =	vadd.f32 v7, v6;
	v4 =	vadd.f32 v4, v11  }
.Ltmp4:
0x152: {  	v6 =	vld [tilespmem:s22+$0x8100];
	v8 =	vadd.f32 v8, v5;
	v3 =	vadd.f32 v3, v12;
	(pc) =	sbr.rel @p0 .LBB2_11-.Ltmp4, $4  }
0x153: {  	v5 =	vld [tilespmem:s22+$0x8110];
	[tilespmem:s11+$0x100] =	vst v7;
	v11 =	vadd.f32 v13, v4  }
0x154: {  	v4 =	vld [tilespmem:s22+$0x8120];
	[tilespmem:s11+$0x110] =	vst v8;
	v12 =	vadd.f32 v9, v3  }
0x155: {  	v3 =	vld [tilespmem:s22+$0x8130];
	[tilespmem:s11+$0x120] =	vst v11;
	v7 =	vmov v14  }
0x156: {  	s21 =	sadd.s32 $0x40, s21;
	v9 =	vld [tilespmem:s22+$0x100];
	[tilespmem:s11+$0x130] =	vst v12;
	v8 =	vmov v10;
	s11 =	smov.u32 s22  }
0x157: {  	v10 =	vld [tilespmem:s11+$0x110]  }
0x158: {  	v11 =	vld [tilespmem:s11+$0x120]  }
0x159: {  	v12 =	vld [tilespmem:s11+$0x130]  }
0x15a: {  	v13 =	vld [tilespmem:s11+$0x10120]  }
0x15b: {  	v63 =	vld [tilespmem:s11+$0x10130];
	v6 =	vadd.f32 v6, v9  }
0x15c: {  	s6 =	sadd.s32 $0x1, s6;
	v5 =	vadd.f32 v5, v10  }
0x15d: {  	p0 =	sne.s32 s6, $0x10;
	v4 =	vadd.f32 v4, v11;
	v6 =	vadd.f32 v7, v6  }
.Ltmp5:
0x15e: {  	v3 =	vadd.f32 v3, v12;
	v5 =	vadd.f32 v8, v5;
	(pc) =	sbr.rel @p0 .LBB2_10-.Ltmp5, $4  }
0x15f: {  	v4 =	vadd.f32 v13, v4;
	[tilespmem:s11+$0x100] =	vst v6  }
0x160: {  	v3 =	vadd.f32 v63, v3;
	[tilespmem:s11+$0x110] =	vst v5  }
0x161: {  	[tilespmem:s11+$0x120] =	vst v4  }
0x162: {  	[tilespmem:s11+$0x130] =	vst v3  }
0x163: {  	s5 =	simm.s32 $0x0;
	s6 =	rddreg [dreg:$0xb]  }
0x164: {  	[hbm4b:s6+s5] =	stream.linear.scatter [tilespmem:s20], [sflag:$0x3], $0x4000, $0x38;
	[tilespmem:$0x18100] =	vst v63  }
0x165: {  	_ =	swait.ge [sflag:s1], $0x4000  }
0x166: {  	[sflag:s1] =	ssyncset.done $0x0  }
0x167: {  	[sflag:s1] =	ssyncadd.s32 $0xFFFFC000  }
0x168: {  	_ =	swait.ge [sflag:s1], $0x4000  }
0x169: {  	[sflag:s1] =	ssyncset.done $0x0  }
0x16a: {  	[sflag:s1] =	ssyncadd.s32 $0xFFFFC000  }
0x16b: {  	_ =	swait.ge [sflag:s1], $0x4000  }
0x16c: {  	[sflag:s1] =	ssyncset.done $0x0  }
0x16d: {  	s6 =	simm.s32 $0x0;
	[sflag:s1] =	ssyncadd.s32 $0xFFFFC000  }
.LBB2_14:
0x16e: {  	s11 =	sshll.u32 s6, $0xA;
	s12 =	sshll.u32 s6, $0x7  }
0x16f: {  	s11 =	sand.u32 $0x2000, s11;
	s12 =	sand.u32 $0x380, s12  }
0x170: {  	s23 =	sand.u32 $0x40, s5;
	s12 =	sor.u32 s11, s12  }
0x171: {  	s13 =	sand.u32 $0x1C00, s5;
	s11 =	sor.u32 s23, s12  }
0x172: {  	s11 =	sor.u32 s13, s11  }
0x173: {  	v7 =	vld [tilespmem:s11+$0x14100]  }
0x174: {  	v8 =	vld [tilespmem:s11+$0x14110]  }
0x175: {  	v6 =	vld [tilespmem:s11+$0xC100]  }
0x176: {  	v5 =	vld [tilespmem:s11+$0xC110]  }
0x177: {  	v4 =	vld [tilespmem:s11+$0xC120]  }
0x178: {  	v3 =	vld [tilespmem:s11+$0xC130]  }
0x179: {  	s21 =	simm.s32 $0x40;
	s13 =	simm.s32 $0x0;
	v9 =	vld [tilespmem:s11+$0x4100]  }
.LBB2_15:
0x17a: {  	p0 =	sne.s32 s21, $0x3C0;
	v10 =	vld [tilespmem:s11+$0x4110]  }
0x17b: {  	v11 =	vld [tilespmem:s11+$0x4120]  }
0x17c: {  	s22 =	sand.u32 $0x40, s21;
	s13 =	sadd.s32 $0x200, s13;
	v12 =	vld [tilespmem:s11+$0x4130]  }
0x17d: {  	s23 =	sand.u32 $0x1C00, s13;
	s22 =	sor.u32 s22, s12;
	v13 =	vld [tilespmem:s11+$0x14120]  }
0x17e: {  	s22 =	sor.u32 s23, s22;
	v6 =	vadd.f32 v6, v9;
	v9 =	vld [tilespmem:s11+$0x14130]  }
0x17f: {  	v14 =	vld [tilespmem:s22+$0x14100];
	v5 =	vadd.f32 v5, v10  }
0x180: {  	v10 =	vld [tilespmem:s22+$0x14110];
	v7 =	vadd.f32 v7, v6;
	v4 =	vadd.f32 v4, v11  }
.Ltmp6:
0x181: {  	v6 =	vld [tilespmem:s22+$0xC100];
	v8 =	vadd.f32 v8, v5;
	v3 =	vadd.f32 v3, v12;
	(pc) =	sbr.rel @p0 .LBB2_15-.Ltmp6, $4  }
0x182: {  	v5 =	vld [tilespmem:s22+$0xC110];
	[tilespmem:s11+$0x4100] =	vst v7;
	v11 =	vadd.f32 v13, v4  }
0x183: {  	v4 =	vld [tilespmem:s22+$0xC120];
	[tilespmem:s11+$0x4110] =	vst v8;
	v12 =	vadd.f32 v9, v3  }
0x184: {  	v3 =	vld [tilespmem:s22+$0xC130];
	[tilespmem:s11+$0x4120] =	vst v11;
	v7 =	vmov v14  }
0x185: {  	s21 =	sadd.s32 $0x40, s21;
	v9 =	vld [tilespmem:s22+$0x4100];
	[tilespmem:s11+$0x4130] =	vst v12;
	v8 =	vmov v10;
	s11 =	smov.u32 s22  }
0x186: {  	v10 =	vld [tilespmem:s11+$0x4110]  }
0x187: {  	v11 =	vld [tilespmem:s11+$0x4120]  }
0x188: {  	v12 =	vld [tilespmem:s11+$0x4130]  }
0x189: {  	v13 =	vld [tilespmem:s11+$0x14120]  }
0x18a: {  	v63 =	vld [tilespmem:s11+$0x14130];
	v6 =	vadd.f32 v6, v9  }
0x18b: {  	s6 =	sadd.s32 $0x1, s6;
	v5 =	vadd.f32 v5, v10  }
0x18c: {  	p0 =	sne.s32 s6, $0x10;
	v4 =	vadd.f32 v4, v11;
	v6 =	vadd.f32 v7, v6  }
.Ltmp7:
0x18d: {  	v3 =	vadd.f32 v3, v12;
	v5 =	vadd.f32 v8, v5;
	(pc) =	sbr.rel @p0 .LBB2_14-.Ltmp7, $4  }
0x18e: {  	v4 =	vadd.f32 v13, v4;
	[tilespmem:s11+$0x4100] =	vst v6  }
0x18f: {  	v3 =	vadd.f32 v63, v3;
	[tilespmem:s11+$0x4110] =	vst v5  }
0x190: {  	[tilespmem:s11+$0x4120] =	vst v4  }
0x191: {  	[tilespmem:s11+$0x4130] =	vst v3  }
0x192: {  	s5 =	rddreg [dreg:$0xc]  }
0x193: {  	[hbm4b:s5+s2] =	stream.linear.scatter [tilespmem:s10], [sflag:$0x4], $0x4000, $0x38;
	[tilespmem:$0x18100] =	vst v63  }
0x194: {  	_ =	swait.ge [sflag:s0], $0x4000  }
0x195: {  	[sflag:s0] =	ssyncset.done $0x0  }
0x196: {  	[sflag:s0] =	ssyncadd.s32 $0xFFFFC000  }
0x197: {  	_ =	swait.ge [sflag:s19], $0x4000  }
0x198: {  	s4 =	sadd.s32 $0x1, s4;
	s23 =	rddreg [dreg:$0xd]  }
0x199: {  	p0 =	sne.s32 s4, s23  }
.Ltmp8:
0x19a: {  	_ = 	snop;
	(pc) =	sbr.rel @p0 .LBB2_1-.Ltmp8, $3  }
0x19b: {  	_ =	sdelay $0x1  }
0x19c: {  	[sflag:s19] =	ssyncset.done $0x0  }
0x19d: {  	[sflag:s19] =	ssyncadd.s32 $0xFFFFC000;
	s23 =	simm.s32 $0x8100  }
0x19e: {  	_ =	sfence.sel $0x180000  }
0x19f: {  	[bflag:$0x0] =	sbarrier.arrive $0xFFFF  }
0x1a0: {  	_ =	strace $0x9000004A  }
0x1a1: {  	s0 =	stileid.u32;
	[bflag:$0x2] =	sbarrier.arrive $0xFFFF  }
0x1a2: {  	p0 =	sne.s32 s0, $0x0;
	s0 =	rddreg [dreg:$0x2]  }
0x1a3: {  	s0 =	sadd.s32 @!p0 $0x100000, s0  }
0x1a4: {  	[sflag:s0] =	ssyncadd.tile.s32 @!p0 $0x1;
	_ =	shalt  }
.Lfunc_end2:
_tile_overlayer_lowered:
.L_overlay_start_2:
0x1a5: {  	(tag) =	ssettag $0x2  }
0x1a6: {  	s0 =	rddreg [dreg:$0x0];
	s2 =	stileid.u32  }
0x1a7: {  	s1 =	rddreg [dreg:$0x1];
	p0 =	sne.s32 s2, $0x0  }
0x1a8: {  	s3 =	rddreg [dreg:$0x2];
	[bflag:$0x3] =	sbarrier.arrive $0xFFFF;
	s2 =	simm.s32 @!p0 $0x1C05  }
0x1a9: {  	[timem:s3], [sflag:s2] =	dma.local @!p0 [hbm:s0], s1  }
0x1aa: {  	s0 =	simm.s32 @!p0 $0x5  }
0x1ab: {  	_ =	swait.ge @!p0 [sflag:s0], s1  }
0x1ac: {  	s1 =	ssub.s32 @!p0 $0x0, s1;
	[sflag:s0] =	ssyncset.done @!p0 $0x0  }
0x1ad: {  	[sflag:s0] =	ssyncadd.s32 @!p0 s1  }
0x1ae: {  	[bflag:$0x3] =	sbarrier.arrive $0xFFFF  }
0x1af: {  	_ =	shalt  }

// kernel: kernel.7.cloned.1.call-start
scs
__scs_entry_jumppad:
0x0: {  	(pc) =	sbr.rel $0x88, $3  }
0x1: {  	(tag) =	ssettag $0x0;
	lr =	simm.s32 $0x1  }
0x2: {  	[smem:$0x3F9A] =	sst lr;
	_ =	strace $0xD0000000  }
0x3: {  	_ = 	snop  }
0x4: {  	_ = 	snop  }
0x5: {  	_ = 	snop  }
0x6: {  	_ = 	snop  }
0x7: {  	_ = 	snop  }
__scs_overlays_trampoline_lowered:
0x8: {  	[smem:$0x3FA9] =	sst s0  }
0x9: {  	[smem:$0x3FAA] =	sst s1  }
0xa: {  	[smem:$0x3FAB] =	sst s2  }
0xb: {  	[smem:$0x3FAC] =	sst s3  }
0xc: {  	[smem:$0x3FAD] =	sst s4  }
0xd: {  	[smem:$0x3FAE] =	sst s5  }
0xe: {  	[smem:$0x3FAF] =	sst s6  }
0xf: {  	[smem:$0x3FB0] =	sst s7  }
0x10: {  	[smem:$0x3FB1] =	sst s8  }
0x11: {  	[smem:$0x3FB2] =	sst s9;
	s0 =	simm.s32 @!p0 $0x0  }
0x12: {  	s1 =	sld [smem:$0x3F98];
	s0 =	simm.s32 @p0 $0x1  }
0x13: {  	[smem:$0x3FB3] =	sst s0;
	s0 =	simm.s32 @!p1 $0x0  }
0x14: {  	s2 =	sld [smem:$0x3F97];
	s0 =	simm.s32 @p1 $0x1  }
0x15: {  	[smem:$0x3FB4] =	sst s0;
	s0 =	simm.s32 @!p2 $0x0  }
0x16: {  	s3 =	sld [smem:$0x3FDB];
	s0 =	simm.s32 @p2 $0x1  }
0x17: {  	s4 =	simm.s32 $0x1BF5;
	[smem:$0x3FB6] =	sst s0  }
0x18: {  	s0 =	sld [smem:$0x3F99];
	_ =	swait.ge [sflag:s4], $0x0  }
0x19: {  	s7 =	sld [smem:$0x3F9A]  }
0x1a: {  	s8 =	sadd.s32 $0xFFFFE003, lr  }
0x1b: {  	s9 =	sadd.s32 $0xFFFFFEF7, lr;
	s5 =	simm.s32 $0xFFFFFFFF;
	p2 =	slt.u32 s8, $0xFFFFF086  }
0x1c: {  	p1 =	slt.u32 s9, $0xF7A;
	s5 =	simm.s32 @!p2 $0x0  }
0x1d: {  	s5 =	simm.s32 @p1 $0x1;
	p0 =	seq.s32 s7, s2  }
0x1e: {  	s7 =	smul.u32 @!p0 $0xF7A, s2;
	p2 =	seq.s32 @!p0 s5, $0x0  }
0x1f: {  	s9 =	smul.u32 $0xF7A, s1;
	s8 =	simm.s32 @!p0 $0x1BF5;
	p2 =	por !p2, p0  }
0x20: {  	[sflag:s8] =	ssyncset.s32 @!p0 $0xFFFFF086;
	s6 =	sadd.s32 @!p0 s3, s7;
	s7 =	simm.s32 @!p0 $0x108  }
0x21: {  	s3 =	sadd.s32 s3, s9;
	s6 =	sadd.s32 @!p0 $0x88, s6;
	s7 =	simm.s32 @p2 $0x1082  }
0x22: {  	[simem:s7], [sflag:s8] =	dma.local @!p0 [hbm:s6], $0xF7A  }
0x23: {  	s9 =	sor.u32 $0xD0000000, s2;
	s6 =	simm.s32 $0x108;
	_ =	swait.ge @!p0 [sflag:s8], $0x0  }
0x24: {  	s3 =	sadd.s32 $0x88, s3;
	s6 =	simm.s32 @!p1 $0x1082;
	[sflag:s4] =	ssyncset.s32 $0xFFFFF086  }
0x25: {  	[simem:s6], [sflag:s4] =	dma.local [hbm:s3], $0xF7A  }
0x26: {  	[smem:$0x3F9A] =	sst s1;
	(tag) =	ssettag s2;
	_ =	strace s9  }
0x27: {  	s1 =	sld [smem:$0x3FAA]  }
0x28: {  	s2 =	sld [smem:$0x3FAB]  }
0x29: {  	s4 =	sld [smem:$0x3FAD]  }
0x2a: {  	p0 =	seq.s32 s5, $0x0;
	s5 =	sld [smem:$0x3FAE]  }
0x2b: {  	s6 =	sld [smem:$0x3FAF]  }
0x2c: {  	s7 =	sld [smem:$0x3FB0]  }
0x2d: {  	s3 =	simm.s32 $0x108;
	s8 =	sld [smem:$0x3FB1]  }
0x2e: {  	s3 =	simm.s32 @!p0 $0x1082;
	s9 =	sld [smem:$0x3FB2]  }
0x2f: {  	lr =	sadd.s32 s0, s3;
	s0 =	sld [smem:$0x3FA9]  }
0x30: {  	s3 =	sld [smem:$0x3FAC]  }
0x31: {  	[smem:$0x3FB5] =	sst s10  }
0x32: {  	s10 =	sld [smem:$0x3FB3];
	_ =	sdelay $0x3  }
0x33: {  	p0 =	seq.s32 s10, $0x1;
	s10 =	sld [smem:$0x3FB5];
	_ =	sdelay $0x3  }
0x34: {  	[smem:$0x3FB5] =	sst s10  }
0x35: {  	s10 =	sld [smem:$0x3FB4];
	_ =	sdelay $0x3  }
0x36: {  	p1 =	seq.s32 s10, $0x1;
	s10 =	sld [smem:$0x3FB5];
	_ =	sdelay $0x3  }
0x37: {  	[smem:$0x3FB5] =	sst s10  }
0x38: {  	s10 =	sld [smem:$0x3FB6]  }
0x39: {  	_ = 	snop;
	(pc) =	sbr.ind lr, $3  }
0x3a: {  	_ = 	snop  }
0x3b: {  	_ = 	snop  }
0x3c: {  	p2 =	seq.s32 s10, $0x1;
	s10 =	sld [smem:$0x3FB5]  }
0x3d: {  	_ =	shalt  }
0x3e: {  	_ =	shalt  }
0x3f: {  	_ =	shalt  }
0x40: {  	_ =	shalt  }
0x41: {  	_ =	shalt  }
0x42: {  	_ =	shalt  }
0x43: {  	_ =	shalt  }
0x44: {  	_ =	shalt  }
0x45: {  	_ =	shalt  }
0x46: {  	_ =	shalt  }
0x47: {  	_ =	shalt  }
0x48: {  	_ =	shalt  }
0x49: {  	_ =	shalt  }
0x4a: {  	_ =	shalt  }
0x4b: {  	_ =	shalt  }
0x4c: {  	_ =	shalt  }
0x4d: {  	_ =	shalt  }
0x4e: {  	_ =	shalt  }
0x4f: {  	_ =	shalt  }
0x50: {  	_ =	shalt  }
0x51: {  	_ =	shalt  }
0x52: {  	_ =	shalt  }
0x53: {  	_ =	shalt  }
0x54: {  	_ =	shalt  }
0x55: {  	_ =	shalt  }
0x56: {  	_ =	shalt  }
0x57: {  	_ =	shalt  }
0x58: {  	_ =	shalt  }
0x59: {  	_ =	shalt  }
0x5a: {  	_ =	shalt  }
0x5b: {  	_ =	shalt  }
0x5c: {  	_ =	shalt  }
0x5d: {  	_ =	shalt  }
0x5e: {  	_ =	shalt  }
0x5f: {  	_ =	shalt  }
0x60: {  	_ =	shalt  }
0x61: {  	_ =	shalt  }
0x62: {  	_ =	shalt  }
0x63: {  	_ =	shalt  }
0x64: {  	_ =	shalt  }
0x65: {  	_ =	shalt  }
0x66: {  	_ =	shalt  }
0x67: {  	_ =	shalt  }
0x68: {  	_ =	shalt  }
0x69: {  	_ =	shalt  }
0x6a: {  	_ =	shalt  }
0x6b: {  	_ =	shalt  }
0x6c: {  	_ =	shalt  }
0x6d: {  	_ =	shalt  }
0x6e: {  	_ =	shalt  }
0x6f: {  	_ =	shalt  }
0x70: {  	_ =	shalt  }
0x71: {  	_ =	shalt  }
0x72: {  	_ =	shalt  }
0x73: {  	_ =	shalt  }
0x74: {  	_ =	shalt  }
0x75: {  	_ =	shalt  }
0x76: {  	_ =	shalt  }
0x77: {  	_ =	shalt  }
0x78: {  	_ =	shalt  }
0x79: {  	_ =	shalt  }
0x7a: {  	_ =	shalt  }
0x7b: {  	_ =	shalt  }
0x7c: {  	_ =	shalt  }
0x7d: {  	_ =	shalt  }
0x7e: {  	_ =	shalt  }
0x7f: {  	_ =	shalt  }
0x80: {  	_ =	shalt  }
0x81: {  	_ =	shalt  }
0x82: {  	_ =	shalt  }
0x83: {  	_ =	shalt  }
0x84: {  	_ =	shalt  }
0x85: {  	_ =	shalt  }
0x86: {  	_ =	shalt  }
0x87: {  	_ =	shalt  }
.Lfunc_end0:
.L_simem_size_0:
called_computation_lowered:
.L_overlay_start_0:
0x88: {  	s2 =	sld [smem:$0x3FD9]  }
0x89: {  	s3 =	sld [smem:$0x3FFE];
	_ =	sdelay $0x1  }
0x8a: {  	s1 =	srdreg.scid  }
0x8b: {  	s0 =	sand.u32 $0x1, s1  }
0x8c: {  	s17 =	sshll.u32 s0, $0xA;
	s2 =	sadd.s32 s3, s2  }
0x8d: {  	s2 =	sadd.s32 s2, s17  }
0x8e: {  	[smem:$0x3FC1] =	sst s2  }
0x8f: {  	_ = 	snop  }
0x90: {  	s2 =	sld [smem:$0x3FC9]  }
0x91: {  	s18 =	sld [smem:$0x3FD0];
	(tm) =	ssettm $0x1  }
0x92: {  	s4 =	sld [smem:$0x3FFB];
	_ =	sdelay $0x3  }
0x93: {  	_ =	strace s4  }
0x94: {  	s4 =	sld [smem:$0x3FFC];
	_ =	sdelay $0x3  }
0x95: {  	_ =	strace s4  }
0x96: {  	s4 =	sld [smem:$0x3FFD];
	_ =	sdelay $0x3  }
0x97: {  	_ =	strace s4  }
0x98: {  	_ =	strace $0x8FFFFFFF  }
0x99: {  	s19 =	sld [smem:$0x3FDB];
	_ =	sdelay $0x1  }
0x9a: {  	s5 =	simm.s32 $_scs_section_size  }
0x9b: {  	s6 =	simm.s32 $_size__tile_overlayer_lowered;
	s7 =	simm.s32 $_tile_overlayer_lowered  }
0x9c: {  	s22 =	simm.s32 $0x1BFF;
	s21 =	sshll.u32 s7, $0x1;
	s4 =	sadd.s32 s5, s19  }
0x9d: {  	s8 =	simm.s32 $0x0;
	s20 =	sshll.u32 s6, $0x1;
	s6 =	sadd.s32 s21, s4  }
0x9e: {  	[timem:s8], [sflag:s22] =	dma.local [hbm:s6], s20  }
0x9f: {  	_ =	swait.ge [sflag:s22], s20  }
0xa0: {  	s5 =	ssub.s32 $0x0, s20;
	[sflag:s22] =	ssyncset.done $0x0  }
0xa1: {  	[sflag:s22] =	ssyncadd.s32 s5;
	_ =	sdelay $0x1  }
0xa2: {  	s23 =	simm.s32 $0x1B8B  }
0xa3: {  	_ =	swait.ge [sflag:s23], $0x1  }
0xa4: {  	[sflag:s23] =	ssyncset.done $0x0  }
0xa5: {  	s25 =	simm.s32 $0x1B8E;
	s24 =	sld [smem:$0x3FFE];
	[sflag:s23] =	ssyncadd.s32 $0xFFFFFFFF  }
0xa6: {  	s26 =	simm.s32 $execute0_lowered;
	[smem:$0x3FD2] =	sst s25  }
0xa7: {  	s6 =	sshll.u32 s26, $0x1;
	_ =	strace $0x80000046;
	[dreg:$0x1] =	wrdreg $0xFFFFFFFF  }
0xa8: {  	s28 =	simm.s32 $_size_execute0_lowered;
	s4 =	sadd.s32 s4, s6;
	[dreg:$0x0] =	wrdreg $0x0  }
0xa9: {  	s6 =	sshll.u32 s28, $0x1;
	[dreg:$0x2] =	wrdreg s4  }
0xaa: {  	[dreg:$0x3] =	wrdreg s6  }
0xab: {  	[dreg:$0x4] =	wrdreg $0xC0  }
0xac: {  	_ =	task [dreg:s8], $0x5FFFF  }
0xad: {  	[dreg:$0x1] =	wrdreg $0xFFFFFFFF  }
0xae: {  	[dreg:$0x0] =	wrdreg $0x60  }
0xaf: {  	[dreg:$0x2] =	wrdreg s2  }
0xb0: {  	[dreg:$0x3] =	wrdreg s18  }
0xb1: {  	[dreg:$0x4] =	wrdreg s24  }
0xb2: {  	[dreg:$0x5] =	wrdreg $0x9  }
0xb3: {  	_ =	task.clear_ibuf [dreg:s8], $0x6FFFF;
	_ =	strace $0x90000046  }
0xb4: {  	s29 =	simm.s32 $0x9;
	_ =	strace $0x80000048  }
0xb5: {  	_ =	swait.ge [sflag:s29], $0x1  }
0xb6: {  	[sflag:s29] =	ssyncadd.s32 $0xFFFFFFFF  }
0xb7: {  	_ =	strace $0x90000048  }
0xb8: {  	_ =	sfence  }
0xb9: {  	s30 =	sld [smem:$0x0];
	_ =	sdelay $0x2  }
0xba: {  	s31 =	sshll.u32 s1, $0xD;
	s1 =	sshrl.u32 s1, $0x2  }
0xbb: {  	s3 =	sand.u32 $0x4000, s31;
	s1 =	sadd.s32 s1, s30  }
0xbc: {  	s0 =	sor.u32 s3, s0;
	s1 =	sshll.u32 s1, $0x11  }
0xbd: {  	s0 =	sor.u32 s1, s0  }
0xbe: {  	s0 =	sadd.s32 $0x8F2B, s0  }
0xbf: {  	[sflag:s0] =	ssyncadd.remote.s32 $0x1  }
0xc0: {  	_ =	sfence.sel $0xFFFF  }
0xc1: {  	[dreg:$0x0] =	wrdreg $0xFFFFFFFF;
	(pc) =	sbr.abs _section_cstart, $3  }
0xc2: {  	[dreg:$0x1] =	wrdreg $0xFFFFFFFF  }
0xc3: {  	_ =	task.clear_ibuf [dreg:s8], $0x2FFFF;
	_ =	strace $0x9FFFFFFF  }
0xc4: {  	(tm) =	ssettm $0x7FFFFFFF  }
0xc5: {  	_ =	shalt  }
tec
execute0_lowered:
.L_overlay_start_1:
0x0: {  	(tag) =	ssettag $0x1  }
0x1: {  	s1 =	rddreg [dreg:$0x0]  }
0x2: {  	s0 =	srdreg.scid;
	s4 =	rddreg [dreg:$0x1]  }
0x3: {  	s2 =	stileid.u32;
	s5 =	rddreg [dreg:$0x2];
	s3 =	simm.s32 $0x0  }
0x4: {  	s28 =	simm.s32 $0x1900;
	s0 =	sand.u32 $0x1, s0;
	s2 =	sshll.u32 s2, $0x1  }
0x5: {  	s29 =	simm.s32 $0x2100;
	s30 =	simm.s32 $0x2900;
	s2 =	sor.u32 s0, s2  }
0x6: {  	s31 =	simm.s32 $0x3100;
	s17 =	simm.s32 $0xA100;
	s6 =	smul.u32 $0x18, s2  }
0x7: {  	s18 =	simm.s32 $0xA900;
	s0 =	ssub.s32 $0x2, s0;
	s7 =	smul.u32 $0x6000, s2  }
0x8: {  	[smem:$0x7FF] =	sst s3;
	s2 =	smul.u32 $0x30000, s2;
	s23 =	sshrl.u32 s0, $0x1  }
0x9: {  	s5 =	sadd.s32 $0x40200, s5;
	_ =	strace $0x80000047;
	s0 =	ssub.s32 s0, s23  }
0xa: {  	s4 =	sadd.s32 s4, s6;
	s19 =	sadd.s32 s5, s7;
	s2 =	sshrl.u32 s2, $0x3  }
0xb: {  	s6 =	sadd.s32 $0x200, s1;
	s7 =	sadd.s32 $0x300, s1;
	[dreg:$0x4] =	wrdreg s4  }
0xc: {  	s15 =	smax.u32 s0, $0x1;
	s20 =	sadd.s32 $0xC00, s19;
	[dreg:$0xc] =	wrdreg s19  }
0xd: {  	s21 =	sadd.s32 $0x1800, s19;
	s2 =	sadd.s32 s5, s2;
	[dreg:$0x5] =	wrdreg s20  }
0xe: {  	s5 =	sadd.s32 $0x100, s1;
	[dreg:$0x6] =	wrdreg s21;
	s22 =	sadd.s32 $0x2400, s2  }
0xf: {  	s19 =	simm.s32 $0xB100;
	s24 =	sadd.s32 $0x3000, s2;
	[dreg:$0x7] =	wrdreg s22  }
0x10: {  	s4 =	simm.s32 $0x12100;
	s25 =	sadd.s32 $0x3C00, s2;
	[dreg:$0x8] =	wrdreg s24  }
0x11: {  	s26 =	sadd.s32 $0x4800, s2;
	s2 =	sadd.s32 $0x5400, s2;
	[dreg:$0x9] =	wrdreg s25  }
0x12: {  	v2 =	vlaneseq.u32;
	s20 =	simm.s32 $0xB900;
	s21 =	simm.s32 $0xC100;
	[dreg:$0xa] =	wrdreg s26  }
0x13: {  	vm0 =	vmmov $0xffff;
	v1 =	vshrl.u32 v2, $0x3;
	[dreg:$0xb] =	wrdreg s2;
	s25 =	simm.s32 $0x900;
	s26 =	simm.s32 $0x1100  }
0x14: {  	v0 =	vand.u32 $0x7, v2;
	v2 =	vor.u32 $0x8, v2;
	v1 =	vmul.u32 $0x8, v1;
	s24 =	simm.s32 $0x7900;
	s22 =	simm.s32 $0x9100;
	s2 =	simm.s32 $0x5  }
.LBB2_1:
0x15: {  	s23 =	rddreg [dreg:$0x4];
	s0 =	simm.s32 $0x9  }
0x16: {  	[tilespmem:s3], [sflag:$0x9] =	stream.linear.gather [hbm4b:s23+s3], $0xC0, $0x38;
	[tilespmem:$0x18100] =	vst v63  }
0x17: {  	_ =	swait.ge [sflag:s0], $0xC0  }
0x18: {  	[sflag:s0] =	ssyncset.done $0x0  }
0x19: {  	[sflag:s0] =	ssyncadd.s32 $0xFFFFFF40  }
0x1a: {  	v3 =	vld [tilespmem:$0x0];
	_ =	sdelay $0x4  }
0x1b: {  	v4 =	vshll.u32 v3, $0x3  }
0x1c: {  	v3 =	vand.u32 $0x7, v3;
	v4 =	vand.u32 $0xFFFFFFC0, v4  }
0x1d: {  	v3 =	vor.u32 v3, v4  }
0x1e: {  	v4 =	vperm.xlane v3, v0;
	_ =	sdelay $0x1  }
0x1f: {  	v4 =	vadd.s32 v1, v4;
	_ =	sdelay $0x3  }
0x20: {  	s16 =	simm.s32 $0x100  }
0x21: {  	[tilespmem:s16], [sflag:$0x1] =	stream.indirect_vreg.gather [hbm4b:s1+s3], $0x80, v4, vm0, $0xb8;
	[tilespmem:$0x18100] =	vst v63  }
0x22: {  	v3 =	vperm.xlane v3, v2  }
0x23: {  	[tilespmem:s25], [sflag:$0x1] =	stream.indirect_vreg.gather [hbm4b:s5+s3], $0x80, v4, vm0, $0xb8;
	[tilespmem:$0x18100] =	vst v63  }
0x24: {  	v3 =	vadd.s32 v1, v3  }
0x25: {  	[tilespmem:s26], [sflag:$0x1] =	stream.indirect_vreg.gather [hbm4b:s6+s3], $0x80, v4, vm0, $0xb8;
	[tilespmem:$0x18100] =	vst v63  }
0x26: {  	_ = 	snop  }
0x27: {  	[tilespmem:s28], [sflag:$0x1] =	stream.indirect_vreg.gather [hbm4b:s7+s3], $0x80, v4, vm0, $0xb8;
	[tilespmem:$0x18100] =	vst v63  }
0x28: {  	_ = 	snop  }
0x29: {  	[tilespmem:s29], [sflag:$0x1] =	stream.indirect_vreg.gather [hbm4b:s1+s3], $0x80, v3, vm0, $0xb8;
	[tilespmem:$0x18100] =	vst v63  }
0x2a: {  	_ = 	snop  }
0x2b: {  	[tilespmem:s30], [sflag:$0x1] =	stream.indirect_vreg.gather [hbm4b:s5+s3], $0x80, v3, vm0, $0xb8;
	[tilespmem:$0x18100] =	vst v63  }
0x2c: {  	_ = 	snop  }
0x2d: {  	[tilespmem:s31], [sflag:$0x1] =	stream.indirect_vreg.gather [hbm4b:s6+s3], $0x80, v3, vm0, $0xb8;
	[tilespmem:$0x18100] =	vst v63  }
0x2e: {  	s10 =	simm.s32 $0x3900  }
0x2f: {  	[tilespmem:s10], [sflag:$0x1] =	stream.indirect_vreg.gather [hbm4b:s7+s3], $0x80, v3, vm0, $0xb8;
	[tilespmem:$0x18100] =	vst v63  }
0x30: {  	v3 =	vld.msk [tilespmem:$0x10], $0xff;
	_ =	sdelay $0x4  }
0x31: {  	v49 =	vshll.u32 v3, $0x3  }
0x32: {  	v3 =	vand.u32 $0x7, v3;
	v4 =	vand.u32 $0xFFFFFFC0, v49  }
0x33: {  	v3 =	vor.u32 v3, v4  }
0x34: {  	v3 =	vperm.xlane v3, v0;
	_ =	sdelay $0x1  }
0x35: {  	v3 =	vadd.s32 v1, v3;
	_ =	sdelay $0x3  }
0x36: {  	s9 =	simm.s32 $0x4100  }
0x37: {  	[tilespmem:s9], [sflag:$0x1] =	stream.indirect_vreg.gather [hbm4b:s1+s3], $0x80, v3, vm0, $0xb8;
	[tilespmem:$0x18100] =	vst v63  }
0x38: {  	s11 =	simm.s32 $0x4900  }
0x39: {  	[tilespmem:s11], [sflag:$0x1] =	stream.indirect_vreg.gather [hbm4b:s5+s3], $0x80, v3, vm0, $0xb8;
	[tilespmem:$0x18100] =	vst v63  }
0x3a: {  	s13 =	simm.s32 $0x5100  }
0x3b: {  	[tilespmem:s13], [sflag:$0x1] =	stream.indirect_vreg.gather [hbm4b:s6+s3], $0x80, v3, vm0, $0xb8;
	[tilespmem:$0x18100] =	vst v63  }
0x3c: {  	s12 =	simm.s32 $0x5900  }
0x3d: {  	[tilespmem:s12], [sflag:$0x1] =	stream.indirect_vreg.gather [hbm4b:s7+s3], $0x80, v3, vm0, $0xb8;
	[tilespmem:$0x18100] =	vst v63  }
0x3e: {  	v3 =	vld [tilespmem:$0x18];
	_ =	sdelay $0x4  }
0x3f: {  	v50 =	vshll.u32 v3, $0x3  }
0x40: {  	v3 =	vand.u32 $0x7, v3;
	v4 =	vand.u32 $0xFFFFFFC0, v50  }
0x41: {  	v3 =	vor.u32 v3, v4  }
0x42: {  	v4 =	vperm.xlane v3, v0;
	_ =	sdelay $0x1  }
0x43: {  	v4 =	vadd.s32 v1, v4;
	_ =	sdelay $0x3  }
0x44: {  	s23 =	simm.s32 $0x6100  }
0x45: {  	[tilespmem:s23], [sflag:$0x2] =	stream.indirect_vreg.gather [hbm4b:s1+s3], $0x80, v4, vm0, $0xb8;
	[tilespmem:$0x18100] =	vst v63  }
0x46: {  	s8 =	simm.s32 $0x6900;
	v3 =	vperm.xlane v3, v2  }
0x47: {  	[tilespmem:s8], [sflag:$0x2] =	stream.indirect_vreg.gather [hbm4b:s5+s3], $0x80, v4, vm0, $0xb8;
	[tilespmem:$0x18100] =	vst v63  }
0x48: {  	s14 =	simm.s32 $0x7100;
	v3 =	vadd.s32 v1, v3  }
0x49: {  	[tilespmem:s14], [sflag:$0x2] =	stream.indirect_vreg.gather [hbm4b:s6+s3], $0x80, v4, vm0, $0xb8;
	[tilespmem:$0x18100] =	vst v63  }
0x4a: {  	_ = 	snop  }
0x4b: {  	[tilespmem:s24], [sflag:$0x2] =	stream.indirect_vreg.gather [hbm4b:s7+s3], $0x80, v4, vm0, $0xb8;
	[tilespmem:$0x18100] =	vst v63  }
0x4c: {  	s14 =	simm.s32 $0x8100  }
0x4d: {  	[tilespmem:s14], [sflag:$0x2] =	stream.indirect_vreg.gather [hbm4b:s1+s3], $0x80, v3, vm0, $0xb8;
	[tilespmem:$0x18100] =	vst v63  }
0x4e: {  	s16 =	simm.s32 $0x8900  }
0x4f: {  	[tilespmem:s16], [sflag:$0x2] =	stream.indirect_vreg.gather [hbm4b:s5+s3], $0x80, v3, vm0, $0xb8;
	[tilespmem:$0x18100] =	vst v63  }
0x50: {  	_ = 	snop  }
0x51: {  	[tilespmem:s22], [sflag:$0x2] =	stream.indirect_vreg.gather [hbm4b:s6+s3], $0x80, v3, vm0, $0xb8;
	[tilespmem:$0x18100] =	vst v63  }
0x52: {  	s16 =	simm.s32 $0x9900  }
0x53: {  	[tilespmem:s16], [sflag:$0x2] =	stream.indirect_vreg.gather [hbm4b:s7+s3], $0x80, v3, vm0, $0xb8;
	[tilespmem:$0x18100] =	vst v63  }
0x54: {  	v3 =	vld.msk [tilespmem:$0x28], $0xff;
	_ =	sdelay $0x4  }
0x55: {  	v51 =	vshll.u32 v3, $0x3  }
0x56: {  	v3 =	vand.u32 $0x7, v3;
	v4 =	vand.u32 $0xFFFFFFC0, v51  }
0x57: {  	v3 =	vor.u32 v3, v4  }
0x58: {  	v3 =	vperm.xlane v3, v0;
	_ =	sdelay $0x1  }
0x59: {  	v3 =	vadd.s32 v1, v3;
	_ =	sdelay $0x4  }
0x5a: {  	[tilespmem:s17], [sflag:$0x2] =	stream.indirect_vreg.gather [hbm4b:s1+s3], $0x80, v3, vm0, $0xb8;
	[tilespmem:$0x18100] =	vst v63  }
0x5b: {  	_ = 	snop  }
0x5c: {  	[tilespmem:s18], [sflag:$0x2] =	stream.indirect_vreg.gather [hbm4b:s5+s3], $0x80, v3, vm0, $0xb8;
	[tilespmem:$0x18100] =	vst v63  }
0x5d: {  	_ = 	snop  }
0x5e: {  	[tilespmem:s19], [sflag:$0x2] =	stream.indirect_vreg.gather [hbm4b:s6+s3], $0x80, v3, vm0, $0xb8;
	[tilespmem:$0x18100] =	vst v63  }
0x5f: {  	_ = 	snop  }
0x60: {  	[tilespmem:s20], [sflag:$0x2] =	stream.indirect_vreg.gather [hbm4b:s7+s3], $0x80, v3, vm0, $0xb8;
	[tilespmem:$0x18100] =	vst v63  }
0x61: {  	v3 =	vld [tilespmem:$0x30];
	_ =	sdelay $0x4  }
0x62: {  	v52 =	vshll.u32 v3, $0x3  }
0x63: {  	v3 =	vand.u32 $0x7, v3;
	v4 =	vand.u32 $0xFFFFFFC0, v52  }
0x64: {  	v3 =	vor.u32 v3, v4  }
0x65: {  	v4 =	vperm.xlane v3, v0;
	_ =	sdelay $0x1  }
0x66: {  	v4 =	vadd.s32 v1, v4;
	_ =	sdelay $0x4  }
0x67: {  	[tilespmem:s21], [sflag:$0x3] =	stream.indirect_vreg.gather [hbm4b:s1+s3], $0x80, v4, vm0, $0xb8;
	[tilespmem:$0x18100] =	vst v63  }
0x68: {  	s23 =	simm.s32 $0xC900;
	v3 =	vperm.xlane v3, v2  }
0x69: {  	[tilespmem:s23], [sflag:$0x3] =	stream.indirect_vreg.gather [hbm4b:s5+s3], $0x80, v4, vm0, $0xb8;
	[tilespmem:$0x18100] =	vst v63  }
0x6a: {  	s8 =	simm.s32 $0xD100;
	v3 =	vadd.s32 v1, v3  }
0x6b: {  	[tilespmem:s8], [sflag:$0x3] =	stream.indirect_vreg.gather [hbm4b:s6+s3], $0x80, v4, vm0, $0xb8;
	[tilespmem:$0x18100] =	vst v63  }
0x6c: {  	s23 =	simm.s32 $0xD900  }
0x6d: {  	[tilespmem:s23], [sflag:$0x3] =	stream.indirect_vreg.gather [hbm4b:s7+s3], $0x80, v4, vm0, $0xb8;
	[tilespmem:$0x18100] =	vst v63  }
0x6e: {  	s8 =	simm.s32 $0xE100  }
0x6f: {  	[tilespmem:s8], [sflag:$0x3] =	stream.indirect_vreg.gather [hbm4b:s1+s3], $0x80, v3, vm0, $0xb8;
	[tilespmem:$0x18100] =	vst v63  }
0x70: {  	s23 =	simm.s32 $0xE900  }
0x71: {  	[tilespmem:s23], [sflag:$0x3] =	stream.indirect_vreg.gather [hbm4b:s5+s3], $0x80, v3, vm0, $0xb8;
	[tilespmem:$0x18100] =	vst v63  }
0x72: {  	s8 =	simm.s32 $0xF100  }
0x73: {  	[tilespmem:s8], [sflag:$0x3] =	stream.indirect_vreg.gather [hbm4b:s6+s3], $0x80, v3, vm0, $0xb8;
	[tilespmem:$0x18100] =	vst v63  }
0x74: {  	s23 =	simm.s32 $0xF900  }
0x75: {  	[tilespmem:s23], [sflag:$0x3] =	stream.indirect_vreg.gather [hbm4b:s7+s3], $0x80, v3, vm0, $0xb8;
	[tilespmem:$0x18100] =	vst v63  }
0x76: {  	v3 =	vld.msk [tilespmem:$0x40], $0xff;
	_ =	sdelay $0x4  }
0x77: {  	v53 =	vshll.u32 v3, $0x3  }
0x78: {  	v3 =	vand.u32 $0x7, v3;
	v4 =	vand.u32 $0xFFFFFFC0, v53  }
0x79: {  	v3 =	vor.u32 v3, v4  }
0x7a: {  	v3 =	vperm.xlane v3, v0;
	_ =	sdelay $0x1  }
0x7b: {  	v3 =	vadd.s32 v1, v3;
	_ =	sdelay $0x3  }
0x7c: {  	s8 =	simm.s32 $0x10100  }
0x7d: {  	[tilespmem:s8], [sflag:$0x3] =	stream.indirect_vreg.gather [hbm4b:s1+s3], $0x80, v3, vm0, $0xb8;
	[tilespmem:$0x18100] =	vst v63  }
0x7e: {  	s23 =	simm.s32 $0x10900  }
0x7f: {  	[tilespmem:s23], [sflag:$0x3] =	stream.indirect_vreg.gather [hbm4b:s5+s3], $0x80, v3, vm0, $0xb8;
	[tilespmem:$0x18100] =	vst v63  }
0x80: {  	s8 =	simm.s32 $0x11100  }
0x81: {  	[tilespmem:s8], [sflag:$0x3] =	stream.indirect_vreg.gather [hbm4b:s6+s3], $0x80, v3, vm0, $0xb8;
	[tilespmem:$0x18100] =	vst v63  }
0x82: {  	s23 =	simm.s32 $0x11900  }
0x83: {  	[tilespmem:s23], [sflag:$0x3] =	stream.indirect_vreg.gather [hbm4b:s7+s3], $0x80, v3, vm0, $0xb8;
	[tilespmem:$0x18100] =	vst v63  }
0x84: {  	v3 =	vld [tilespmem:$0x48];
	_ =	sdelay $0x4  }
0x85: {  	v54 =	vshll.u32 v3, $0x3  }
0x86: {  	v3 =	vand.u32 $0x7, v3;
	v4 =	vand.u32 $0xFFFFFFC0, v54  }
0x87: {  	v3 =	vor.u32 v3, v4  }
0x88: {  	v4 =	vperm.xlane v3, v0;
	_ =	sdelay $0x1  }
0x89: {  	v4 =	vadd.s32 v1, v4;
	_ =	sdelay $0x4  }
0x8a: {  	[tilespmem:s4], [sflag:$0x4] =	stream.indirect_vreg.gather [hbm4b:s1+s3], $0x80, v4, vm0, $0xb8;
	[tilespmem:$0x18100] =	vst v63  }
0x8b: {  	s8 =	simm.s32 $0x12900;
	v3 =	vperm.xlane v3, v2  }
0x8c: {  	[tilespmem:s8], [sflag:$0x4] =	stream.indirect_vreg.gather [hbm4b:s5+s3], $0x80, v4, vm0, $0xb8;
	[tilespmem:$0x18100] =	vst v63  }
0x8d: {  	s23 =	simm.s32 $0x13100;
	v3 =	vadd.s32 v1, v3  }
0x8e: {  	[tilespmem:s23], [sflag:$0x4] =	stream.indirect_vreg.gather [hbm4b:s6+s3], $0x80, v4, vm0, $0xb8;
	[tilespmem:$0x18100] =	vst v63  }
0x8f: {  	s8 =	simm.s32 $0x13900  }
0x90: {  	[tilespmem:s8], [sflag:$0x4] =	stream.indirect_vreg.gather [hbm4b:s7+s3], $0x80, v4, vm0, $0xb8;
	[tilespmem:$0x18100] =	vst v63  }
0x91: {  	s23 =	simm.s32 $0x14100  }
0x92: {  	[tilespmem:s23], [sflag:$0x4] =	stream.indirect_vreg.gather [hbm4b:s1+s3], $0x80, v3, vm0, $0xb8;
	[tilespmem:$0x18100] =	vst v63  }
0x93: {  	s8 =	simm.s32 $0x14900  }
0x94: {  	[tilespmem:s8], [sflag:$0x4] =	stream.indirect_vreg.gather [hbm4b:s5+s3], $0x80, v3, vm0, $0xb8;
	[tilespmem:$0x18100] =	vst v63  }
0x95: {  	s23 =	simm.s32 $0x15100  }
0x96: {  	[tilespmem:s23], [sflag:$0x4] =	stream.indirect_vreg.gather [hbm4b:s6+s3], $0x80, v3, vm0, $0xb8;
	[tilespmem:$0x18100] =	vst v63  }
0x97: {  	s8 =	simm.s32 $0x15900  }
0x98: {  	[tilespmem:s8], [sflag:$0x4] =	stream.indirect_vreg.gather [hbm4b:s7+s3], $0x80, v3, vm0, $0xb8;
	[tilespmem:$0x18100] =	vst v63  }
0x99: {  	v3 =	vld.msk [tilespmem:$0x58], $0xff;
	_ =	sdelay $0x4  }
0x9a: {  	v55 =	vshll.u32 v3, $0x3  }
0x9b: {  	v3 =	vand.u32 $0x7, v3;
	v4 =	vand.u32 $0xFFFFFFC0, v55  }
0x9c: {  	v3 =	vor.u32 v3, v4  }
0x9d: {  	v3 =	vperm.xlane v3, v0;
	_ =	sdelay $0x1  }
0x9e: {  	v3 =	vadd.s32 v1, v3;
	_ =	sdelay $0x3  }
0x9f: {  	s23 =	simm.s32 $0x16100  }
0xa0: {  	[tilespmem:s23], [sflag:$0x4] =	stream.indirect_vreg.gather [hbm4b:s1+s3], $0x80, v3, vm0, $0xb8;
	[tilespmem:$0x18100] =	vst v63  }
0xa1: {  	s8 =	simm.s32 $0x16900  }
0xa2: {  	[tilespmem:s8], [sflag:$0x4] =	stream.indirect_vreg.gather [hbm4b:s5+s3], $0x80, v3, vm0, $0xb8;
	[tilespmem:$0x18100] =	vst v63  }
0xa3: {  	s23 =	simm.s32 $0x17100  }
0xa4: {  	[tilespmem:s23], [sflag:$0x4] =	stream.indirect_vreg.gather [hbm4b:s6+s3], $0x80, v3, vm0, $0xb8;
	[tilespmem:$0x18100] =	vst v63  }
0xa5: {  	s0 =	simm.s32 $0x1;
	s8 =	simm.s32 $0x17900  }
0xa6: {  	[tilespmem:s8], [sflag:$0x4] =	stream.indirect_vreg.gather [hbm4b:s7+s3], $0x80, v3, vm0, $0xb8;
	[tilespmem:$0x18100] =	vst v63  }
0xa7: {  	_ =	swait.ge [sflag:s0], $0x6000  }
0xa8: {  	[sflag:s0] =	ssyncset.done $0x0  }
0xa9: {  	s8 =	simm.s32 $0x100;
	s23 =	rddreg [dreg:$0xc];
	[sflag:s0] =	ssyncadd.s32 $0xFFFFA000  }
0xaa: {  	[hbm4b:s23+s3] =	stream.linear.scatter [tilespmem:s8], [sflag:$0x5], $0x6000, $0x38;
	[tilespmem:$0x18100] =	vst v63  }
0xab: {  	_ =	swait.ge [sflag:s2], $0x6000  }
0xac: {  	[sflag:s2] =	ssyncset.done $0x0  }
0xad: {  	[sflag:s2] =	ssyncadd.s32 $0xFFFFA000  }
0xae: {  	v3 =	vld [tilespmem:$0x60];
	_ =	sdelay $0x4  }
0xaf: {  	v56 =	vshll.u32 v3, $0x3  }
0xb0: {  	v3 =	vand.u32 $0x7, v3;
	v4 =	vand.u32 $0xFFFFFFC0, v56  }
0xb1: {  	v3 =	vor.u32 v3, v4  }
0xb2: {  	v4 =	vperm.xlane v3, v0;
	_ =	sdelay $0x1  }
0xb3: {  	v4 =	vadd.s32 v1, v4;
	_ =	sdelay $0x4  }
0xb4: {  	[tilespmem:s8], [sflag:$0x1] =	stream.indirect_vreg.gather [hbm4b:s1+s3], $0x80, v4, vm0, $0xb8;
	[tilespmem:$0x18100] =	vst v63  }
0xb5: {  	v3 =	vperm.xlane v3, v2  }
0xb6: {  	[tilespmem:s25], [sflag:$0x1] =	stream.indirect_vreg.gather [hbm4b:s5+s3], $0x80, v4, vm0, $0xb8;
	[tilespmem:$0x18100] =	vst v63  }
0xb7: {  	v3 =	vadd.s32 v1, v3  }
0xb8: {  	[tilespmem:s26], [sflag:$0x1] =	stream.indirect_vreg.gather [hbm4b:s6+s3], $0x80, v4, vm0, $0xb8;
	[tilespmem:$0x18100] =	vst v63  }
0xb9: {  	_ = 	snop  }
0xba: {  	[tilespmem:s28], [sflag:$0x1] =	stream.indirect_vreg.gather [hbm4b:s7+s3], $0x80, v4, vm0, $0xb8;
	[tilespmem:$0x18100] =	vst v63  }
0xbb: {  	_ = 	snop  }
0xbc: {  	[tilespmem:s29], [sflag:$0x1] =	stream.indirect_vreg.gather [hbm4b:s1+s3], $0x80, v3, vm0, $0xb8;
	[tilespmem:$0x18100] =	vst v63  }
0xbd: {  	_ = 	snop  }
0xbe: {  	[tilespmem:s30], [sflag:$0x1] =	stream.indirect_vreg.gather [hbm4b:s5+s3], $0x80, v3, vm0, $0xb8;
	[tilespmem:$0x18100] =	vst v63  }
0xbf: {  	_ = 	snop  }
0xc0: {  	[tilespmem:s31], [sflag:$0x1] =	stream.indirect_vreg.gather [hbm4b:s6+s3], $0x80, v3, vm0, $0xb8;
	[tilespmem:$0x18100] =	vst v63  }
0xc1: {  	_ = 	snop  }
0xc2: {  	[tilespmem:s10], [sflag:$0x1] =	stream.indirect_vreg.gather [hbm4b:s7+s3], $0x80, v3, vm0, $0xb8;
	[tilespmem:$0x18100] =	vst v63  }
0xc3: {  	v3 =	vld.msk [tilespmem:$0x70], $0xff;
	_ =	sdelay $0x4  }
0xc4: {  	v57 =	vshll.u32 v3, $0x3  }
0xc5: {  	v3 =	vand.u32 $0x7, v3;
	v4 =	vand.u32 $0xFFFFFFC0, v57  }
0xc6: {  	v3 =	vor.u32 v3, v4  }
0xc7: {  	v3 =	vperm.xlane v3, v0;
	_ =	sdelay $0x1  }
0xc8: {  	v3 =	vadd.s32 v1, v3;
	_ =	sdelay $0x4  }
0xc9: {  	[tilespmem:s9], [sflag:$0x1] =	stream.indirect_vreg.gather [hbm4b:s1+s3], $0x80, v3, vm0, $0xb8;
	[tilespmem:$0x18100] =	vst v63  }
0xca: {  	_ = 	snop  }
0xcb: {  	[tilespmem:s11], [sflag:$0x1] =	stream.indirect_vreg.gather [hbm4b:s5+s3], $0x80, v3, vm0, $0xb8;
	[tilespmem:$0x18100] =	vst v63  }
0xcc: {  	_ = 	snop  }
0xcd: {  	[tilespmem:s13], [sflag:$0x1] =	stream.indirect_vreg.gather [hbm4b:s6+s3], $0x80, v3, vm0, $0xb8;
	[tilespmem:$0x18100] =	vst v63  }
0xce: {  	s9 =	simm.s32 $0x2  }
0xcf: {  	[tilespmem:s12], [sflag:$0x1] =	stream.indirect_vreg.gather [hbm4b:s7+s3], $0x80, v3, vm0, $0xb8;
	[tilespmem:$0x18100] =	vst v63  }
0xd0: {  	_ =	swait.ge [sflag:s9], $0x6000  }
0xd1: {  	[sflag:s9] =	ssyncset.done $0x0  }
0xd2: {  	s11 =	simm.s32 $0x6100;
	s10 =	rddreg [dreg:$0x5];
	[sflag:s9] =	ssyncadd.s32 $0xFFFFA000  }
0xd3: {  	[hbm4b:s10+s3] =	stream.linear.scatter [tilespmem:s11], [sflag:$0x6], $0x6000, $0x38;
	[tilespmem:$0x18100] =	vst v63  }
0xd4: {  	s10 =	simm.s32 $0x6  }
0xd5: {  	_ =	swait.ge [sflag:s10], $0x6000  }
0xd6: {  	[sflag:s10] =	ssyncset.done $0x0  }
0xd7: {  	[sflag:s10] =	ssyncadd.s32 $0xFFFFA000  }
0xd8: {  	v3 =	vld [tilespmem:$0x78];
	_ =	sdelay $0x4  }
0xd9: {  	v58 =	vshll.u32 v3, $0x3  }
0xda: {  	v3 =	vand.u32 $0x7, v3;
	v4 =	vand.u32 $0xFFFFFFC0, v58  }
0xdb: {  	v3 =	vor.u32 v3, v4  }
0xdc: {  	v4 =	vperm.xlane v3, v0;
	_ =	sdelay $0x1  }
0xdd: {  	v4 =	vadd.s32 v1, v4;
	_ =	sdelay $0x4  }
0xde: {  	[tilespmem:s11], [sflag:$0x2] =	stream.indirect_vreg.gather [hbm4b:s1+s3], $0x80, v4, vm0, $0xb8;
	[tilespmem:$0x18100] =	vst v63  }
0xdf: {  	s12 =	simm.s32 $0x6900;
	v3 =	vperm.xlane v3, v2  }
0xe0: {  	[tilespmem:s12], [sflag:$0x2] =	stream.indirect_vreg.gather [hbm4b:s5+s3], $0x80, v4, vm0, $0xb8;
	[tilespmem:$0x18100] =	vst v63  }
0xe1: {  	s13 =	simm.s32 $0x7100;
	v3 =	vadd.s32 v1, v3  }
0xe2: {  	[tilespmem:s13], [sflag:$0x2] =	stream.indirect_vreg.gather [hbm4b:s6+s3], $0x80, v4, vm0, $0xb8;
	[tilespmem:$0x18100] =	vst v63  }
0xe3: {  	_ = 	snop  }
0xe4: {  	[tilespmem:s24], [sflag:$0x2] =	stream.indirect_vreg.gather [hbm4b:s7+s3], $0x80, v4, vm0, $0xb8;
	[tilespmem:$0x18100] =	vst v63  }
0xe5: {  	_ = 	snop  }
0xe6: {  	[tilespmem:s14], [sflag:$0x2] =	stream.indirect_vreg.gather [hbm4b:s1+s3], $0x80, v3, vm0, $0xb8;
	[tilespmem:$0x18100] =	vst v63  }
0xe7: {  	s14 =	simm.s32 $0x8900  }
0xe8: {  	[tilespmem:s14], [sflag:$0x2] =	stream.indirect_vreg.gather [hbm4b:s5+s3], $0x80, v3, vm0, $0xb8;
	[tilespmem:$0x18100] =	vst v63  }
0xe9: {  	_ = 	snop  }
0xea: {  	[tilespmem:s22], [sflag:$0x2] =	stream.indirect_vreg.gather [hbm4b:s6+s3], $0x80, v3, vm0, $0xb8;
	[tilespmem:$0x18100] =	vst v63  }
0xeb: {  	_ = 	snop  }
0xec: {  	[tilespmem:s16], [sflag:$0x2] =	stream.indirect_vreg.gather [hbm4b:s7+s3], $0x80, v3, vm0, $0xb8;
	[tilespmem:$0x18100] =	vst v63  }
0xed: {  	v3 =	vld.msk [tilespmem:$0x88], $0xff;
	_ =	sdelay $0x4  }
0xee: {  	v59 =	vshll.u32 v3, $0x3  }
0xef: {  	v3 =	vand.u32 $0x7, v3;
	v4 =	vand.u32 $0xFFFFFFC0, v59  }
0xf0: {  	v3 =	vor.u32 v3, v4  }
0xf1: {  	v3 =	vperm.xlane v3, v0;
	_ =	sdelay $0x1  }
0xf2: {  	v3 =	vadd.s32 v1, v3;
	_ =	sdelay $0x4  }
0xf3: {  	[tilespmem:s17], [sflag:$0x2] =	stream.indirect_vreg.gather [hbm4b:s1+s3], $0x80, v3, vm0, $0xb8;
	[tilespmem:$0x18100] =	vst v63  }
0xf4: {  	_ = 	snop  }
0xf5: {  	[tilespmem:s18], [sflag:$0x2] =	stream.indirect_vreg.gather [hbm4b:s5+s3], $0x80, v3, vm0, $0xb8;
	[tilespmem:$0x18100] =	vst v63  }
0xf6: {  	_ = 	snop  }
0xf7: {  	[tilespmem:s19], [sflag:$0x2] =	stream.indirect_vreg.gather [hbm4b:s6+s3], $0x80, v3, vm0, $0xb8;
	[tilespmem:$0x18100] =	vst v63  }
0xf8: {  	s11 =	simm.s32 $0x3  }
0xf9: {  	[tilespmem:s20], [sflag:$0x2] =	stream.indirect_vreg.gather [hbm4b:s7+s3], $0x80, v3, vm0, $0xb8;
	[tilespmem:$0x18100] =	vst v63  }
0xfa: {  	_ =	swait.ge [sflag:s11], $0x6000  }
0xfb: {  	[sflag:s11] =	ssyncset.done $0x0  }
0xfc: {  	s12 =	simm.s32 $0x7;
	s16 =	rddreg [dreg:$0x6];
	[sflag:s11] =	ssyncadd.s32 $0xFFFFA000  }
0xfd: {  	[hbm4b:s16+s3] =	stream.linear.scatter [tilespmem:s21], [sflag:$0x7], $0x6000, $0x38;
	[tilespmem:$0x18100] =	vst v63  }
0xfe: {  	_ =	swait.ge [sflag:s12], $0x6000  }
0xff: {  	[sflag:s12] =	ssyncset.done $0x0  }
0x100: {  	[sflag:s12] =	ssyncadd.s32 $0xFFFFA000  }
0x101: {  	v3 =	vld [tilespmem:$0x90];
	_ =	sdelay $0x4  }
0x102: {  	v60 =	vshll.u32 v3, $0x3  }
0x103: {  	v3 =	vand.u32 $0x7, v3;
	v4 =	vand.u32 $0xFFFFFFC0, v60  }
0x104: {  	v3 =	vor.u32 v3, v4  }
0x105: {  	v4 =	vperm.xlane v3, v0;
	_ =	sdelay $0x1  }
0x106: {  	v4 =	vadd.s32 v1, v4;
	_ =	sdelay $0x4  }
0x107: {  	[tilespmem:s21], [sflag:$0x3] =	stream.indirect_vreg.gather [hbm4b:s1+s3], $0x80, v4, vm0, $0xb8;
	[tilespmem:$0x18100] =	vst v63  }
0x108: {  	s23 =	simm.s32 $0xC900;
	v3 =	vperm.xlane v3, v2  }
0x109: {  	[tilespmem:s23], [sflag:$0x3] =	stream.indirect_vreg.gather [hbm4b:s5+s3], $0x80, v4, vm0, $0xb8;
	[tilespmem:$0x18100] =	vst v63  }
0x10a: {  	s14 =	simm.s32 $0xD100;
	v3 =	vadd.s32 v1, v3  }
0x10b: {  	[tilespmem:s14], [sflag:$0x3] =	stream.indirect_vreg.gather [hbm4b:s6+s3], $0x80, v4, vm0, $0xb8;
	[tilespmem:$0x18100] =	vst v63  }
0x10c: {  	s16 =	simm.s32 $0xD900  }
0x10d: {  	[tilespmem:s16], [sflag:$0x3] =	stream.indirect_vreg.gather [hbm4b:s7+s3], $0x80, v4, vm0, $0xb8;
	[tilespmem:$0x18100] =	vst v63  }
0x10e: {  	s23 =	simm.s32 $0xE100  }
0x10f: {  	[tilespmem:s23], [sflag:$0x3] =	stream.indirect_vreg.gather [hbm4b:s1+s3], $0x80, v3, vm0, $0xb8;
	[tilespmem:$0x18100] =	vst v63  }
0x110: {  	s14 =	simm.s32 $0xE900  }
0x111: {  	[tilespmem:s14], [sflag:$0x3] =	stream.indirect_vreg.gather [hbm4b:s5+s3], $0x80, v3, vm0, $0xb8;
	[tilespmem:$0x18100] =	vst v63  }
0x112: {  	s16 =	simm.s32 $0xF100  }
0x113: {  	[tilespmem:s16], [sflag:$0x3] =	stream.indirect_vreg.gather [hbm4b:s6+s3], $0x80, v3, vm0, $0xb8;
	[tilespmem:$0x18100] =	vst v63  }
0x114: {  	s23 =	simm.s32 $0xF900  }
0x115: {  	[tilespmem:s23], [sflag:$0x3] =	stream.indirect_vreg.gather [hbm4b:s7+s3], $0x80, v3, vm0, $0xb8;
	[tilespmem:$0x18100] =	vst v63  }
0x116: {  	v3 =	vld.msk [tilespmem:$0xA0], $0xff;
	_ =	sdelay $0x4  }
0x117: {  	v61 =	vshll.u32 v3, $0x3  }
0x118: {  	v3 =	vand.u32 $0x7, v3;
	v4 =	vand.u32 $0xFFFFFFC0, v61  }
0x119: {  	v3 =	vor.u32 v3, v4  }
0x11a: {  	v3 =	vperm.xlane v3, v0;
	_ =	sdelay $0x1  }
0x11b: {  	v3 =	vadd.s32 v1, v3;
	_ =	sdelay $0x3  }
0x11c: {  	s14 =	simm.s32 $0x10100  }
0x11d: {  	[tilespmem:s14], [sflag:$0x3] =	stream.indirect_vreg.gather [hbm4b:s1+s3], $0x80, v3, vm0, $0xb8;
	[tilespmem:$0x18100] =	vst v63  }
0x11e: {  	s16 =	simm.s32 $0x10900  }
0x11f: {  	[tilespmem:s16], [sflag:$0x3] =	stream.indirect_vreg.gather [hbm4b:s5+s3], $0x80, v3, vm0, $0xb8;
	[tilespmem:$0x18100] =	vst v63  }
0x120: {  	s23 =	simm.s32 $0x11100  }
0x121: {  	[tilespmem:s23], [sflag:$0x3] =	stream.indirect_vreg.gather [hbm4b:s6+s3], $0x80, v3, vm0, $0xb8;
	[tilespmem:$0x18100] =	vst v63  }
0x122: {  	s13 =	simm.s32 $0x4;
	s14 =	simm.s32 $0x11900  }
0x123: {  	[tilespmem:s14], [sflag:$0x3] =	stream.indirect_vreg.gather [hbm4b:s7+s3], $0x80, v3, vm0, $0xb8;
	[tilespmem:$0x18100] =	vst v63  }
0x124: {  	_ =	swait.ge [sflag:s13], $0x6000  }
0x125: {  	[sflag:s13] =	ssyncset.done $0x0  }
0x126: {  	s14 =	simm.s32 $0x8;
	s16 =	rddreg [dreg:$0x7];
	[sflag:s13] =	ssyncadd.s32 $0xFFFFA000  }
0x127: {  	[hbm4b:s16+s3] =	stream.linear.scatter [tilespmem:s4], [sflag:$0x8], $0x6000, $0x38;
	[tilespmem:$0x18100] =	vst v63  }
0x128: {  	_ =	swait.ge [sflag:s14], $0x6000  }
0x129: {  	[sflag:s14] =	ssyncset.done $0x0  }
0x12a: {  	[sflag:s14] =	ssyncadd.s32 $0xFFFFA000  }
0x12b: {  	v3 =	vld [tilespmem:$0xA8];
	_ =	sdelay $0x4  }
0x12c: {  	v62 =	vshll.u32 v3, $0x3  }
0x12d: {  	v3 =	vand.u32 $0x7, v3;
	v4 =	vand.u32 $0xFFFFFFC0, v62  }
0x12e: {  	v3 =	vor.u32 v3, v4  }
0x12f: {  	v4 =	vperm.xlane v3, v0;
	_ =	sdelay $0x1  }
0x130: {  	v4 =	vadd.s32 v1, v4;
	_ =	sdelay $0x4  }
0x131: {  	[tilespmem:s4], [sflag:$0x4] =	stream.indirect_vreg.gather [hbm4b:s1+s3], $0x80, v4, vm0, $0xb8;
	[tilespmem:$0x18100] =	vst v63  }
0x132: {  	s23 =	simm.s32 $0x12900;
	v3 =	vperm.xlane v3, v2  }
0x133: {  	[tilespmem:s23], [sflag:$0x4] =	stream.indirect_vreg.gather [hbm4b:s5+s3], $0x80, v4, vm0, $0xb8;
	[tilespmem:$0x18100] =	vst v63  }
0x134: {  	v3 =	vadd.s32 v1, v3;
	s23 =	simm.s32 $0x13100  }
0x135: {  	[tilespmem:s23], [sflag:$0x4] =	stream.indirect_vreg.gather [hbm4b:s6+s3], $0x80, v4, vm0, $0xb8;
	[tilespmem:$0x18100] =	vst v63  }
0x136: {  	s23 =	simm.s32 $0x13900  }
0x137: {  	[tilespmem:s23], [sflag:$0x4] =	stream.indirect_vreg.gather [hbm4b:s7+s3], $0x80, v4, vm0, $0xb8;
	[tilespmem:$0x18100] =	vst v63  }
0x138: {  	s23 =	simm.s32 $0x14100  }
0x139: {  	[tilespmem:s23], [sflag:$0x4] =	stream.indirect_vreg.gather [hbm4b:s1+s3], $0x80, v3, vm0, $0xb8;
	[tilespmem:$0x18100] =	vst v63  }
0x13a: {  	s23 =	simm.s32 $0x14900  }
0x13b: {  	[tilespmem:s23], [sflag:$0x4] =	stream.indirect_vreg.gather [hbm4b:s5+s3], $0x80, v3, vm0, $0xb8;
	[tilespmem:$0x18100] =	vst v63  }
0x13c: {  	s23 =	simm.s32 $0x15100  }
0x13d: {  	[tilespmem:s23], [sflag:$0x4] =	stream.indirect_vreg.gather [hbm4b:s6+s3], $0x80, v3, vm0, $0xb8;
	[tilespmem:$0x18100] =	vst v63  }
0x13e: {  	s23 =	simm.s32 $0x15900  }
0x13f: {  	[tilespmem:s23], [sflag:$0x4] =	stream.indirect_vreg.gather [hbm4b:s7+s3], $0x80, v3, vm0, $0xb8;
	[tilespmem:$0x18100] =	vst v63  }
0x140: {  	v3 =	vld.msk [tilespmem:$0xB8], $0xff;
	_ =	sdelay $0x4  }
0x141: {  	v63 =	vshll.u32 v3, $0x3  }
0x142: {  	v3 =	vand.u32 $0x7, v3;
	v4 =	vand.u32 $0xFFFFFFC0, v63  }
0x143: {  	v3 =	vor.u32 v3, v4  }
0x144: {  	v3 =	vperm.xlane v3, v0;
	_ =	sdelay $0x1  }
0x145: {  	v3 =	vadd.s32 v1, v3;
	_ =	sdelay $0x3  }
0x146: {  	s23 =	simm.s32 $0x16100  }
0x147: {  	[tilespmem:s23], [sflag:$0x4] =	stream.indirect_vreg.gather [hbm4b:s1+s3], $0x80, v3, vm0, $0xb8;
	[tilespmem:$0x18100] =	vst v63  }
0x148: {  	s23 =	simm.s32 $0x16900  }
0x149: {  	[tilespmem:s23], [sflag:$0x4] =	stream.indirect_vreg.gather [hbm4b:s5+s3], $0x80, v3, vm0, $0xb8;
	[tilespmem:$0x18100] =	vst v63  }
0x14a: {  	s23 =	simm.s32 $0x17100  }
0x14b: {  	[tilespmem:s23], [sflag:$0x4] =	stream.indirect_vreg.gather [hbm4b:s6+s3], $0x80, v3, vm0, $0xb8;
	[tilespmem:$0x18100] =	vst v63  }
0x14c: {  	s23 =	simm.s32 $0x17900  }
0x14d: {  	[tilespmem:s23], [sflag:$0x4] =	stream.indirect_vreg.gather [hbm4b:s7+s3], $0x80, v3, vm0, $0xb8;
	[tilespmem:$0x18100] =	vst v63  }
0x14e: {  	_ =	swait.ge [sflag:s0], $0x6000  }
0x14f: {  	[sflag:s0] =	ssyncset.done $0x0  }
0x150: {  	s16 =	simm.s32 $0x100;
	s23 =	rddreg [dreg:$0x8];
	[sflag:s0] =	ssyncadd.s32 $0xFFFFA000  }
0x151: {  	[hbm4b:s23+s3] =	stream.linear.scatter [tilespmem:s16], [sflag:$0x5], $0x6000, $0x38;
	[tilespmem:$0x18100] =	vst v63  }
0x152: {  	_ =	swait.ge [sflag:s9], $0x6000  }
0x153: {  	[sflag:s9] =	ssyncset.done $0x0  }
0x154: {  	s8 =	simm.s32 $0x6100;
	s0 =	rddreg [dreg:$0x9];
	[sflag:s9] =	ssyncadd.s32 $0xFFFFA000  }
0x155: {  	[hbm4b:s0+s3] =	stream.linear.scatter [tilespmem:s8], [sflag:$0x6], $0x6000, $0x38;
	[tilespmem:$0x18100] =	vst v63  }
0x156: {  	_ =	swait.ge [sflag:s11], $0x6000  }
0x157: {  	[sflag:s11] =	ssyncset.done $0x0  }
0x158: {  	s9 =	rddreg [dreg:$0xa];
	[sflag:s11] =	ssyncadd.s32 $0xFFFFA000  }
0x159: {  	[hbm4b:s9+s3] =	stream.linear.scatter [tilespmem:s21], [sflag:$0x7], $0x6000, $0x38;
	[tilespmem:$0x18100] =	vst v63  }
0x15a: {  	_ =	swait.ge [sflag:s13], $0x6000  }
0x15b: {  	[sflag:s13] =	ssyncset.done $0x0  }
0x15c: {  	s16 =	rddreg [dreg:$0xb];
	[sflag:s13] =	ssyncadd.s32 $0xFFFFA000  }
0x15d: {  	[hbm4b:s16+s3] =	stream.linear.scatter [tilespmem:s4], [sflag:$0x8], $0x6000, $0x38;
	[tilespmem:$0x18100] =	vst v63  }
0x15e: {  	_ =	swait.ge [sflag:s2], $0x6000  }
0x15f: {  	[sflag:s2] =	ssyncset.done $0x0  }
0x160: {  	[sflag:s2] =	ssyncadd.s32 $0xFFFFA000  }
0x161: {  	_ =	swait.ge [sflag:s10], $0x6000  }
0x162: {  	[sflag:s10] =	ssyncset.done $0x0  }
0x163: {  	[sflag:s10] =	ssyncadd.s32 $0xFFFFA000  }
0x164: {  	p0 =	sne.s32 s15, $0x1;
	_ =	swait.ge [sflag:s12], $0x6000  }
.Ltmp0:
0x165: {  	[sflag:s12] =	ssyncset.done $0x0;
	(pc) =	sbr.rel @p0 .LBB2_1-.Ltmp0, $4  }
0x166: {  	[sflag:s12] =	ssyncadd.s32 $0xFFFFA000  }
0x167: {  	_ =	swait.ge [sflag:s14], $0x6000  }
0x168: {  	[sflag:s14] =	ssyncset.done $0x0  }
0x169: {  	s15 =	sadd.s32 $0xFFFFFFFF, s15;
	[sflag:s14] =	ssyncadd.s32 $0xFFFFA000  }
0x16a: {  	_ =	sfence.sel $0x180000  }
0x16b: {  	[bflag:$0x0] =	sbarrier.arrive $0xFFFF  }
0x16c: {  	_ =	strace $0x90000047  }
0x16d: {  	s0 =	stileid.u32;
	[bflag:$0x2] =	sbarrier.arrive $0xFFFF  }
0x16e: {  	p0 =	sne.s32 s0, $0x0;
	s0 =	rddreg [dreg:$0x3]  }
0x16f: {  	s0 =	sadd.s32 @!p0 $0x100000, s0  }
0x170: {  	[sflag:s0] =	ssyncadd.tile.s32 @!p0 $0x1;
	_ =	shalt  }
.Lfunc_end2:
_tile_overlayer_lowered:
.L_overlay_start_2:
0x171: {  	(tag) =	ssettag $0x2  }
0x172: {  	s0 =	rddreg [dreg:$0x0];
	s2 =	stileid.u32  }
0x173: {  	s1 =	rddreg [dreg:$0x1];
	p0 =	sne.s32 s2, $0x0  }
0x174: {  	s3 =	rddreg [dreg:$0x2];
	[bflag:$0x3] =	sbarrier.arrive $0xFFFF;
	s2 =	simm.s32 @!p0 $0x1C09  }
0x175: {  	[timem:s3], [sflag:s2] =	dma.local @!p0 [hbm:s0], s1  }
0x176: {  	s0 =	simm.s32 @!p0 $0x9  }
0x177: {  	_ =	swait.ge @!p0 [sflag:s0], s1  }
0x178: {  	s1 =	ssub.s32 @!p0 $0x0, s1;
	[sflag:s0] =	ssyncset.done @!p0 $0x0  }
0x179: {  	[sflag:s0] =	ssyncadd.s32 @!p0 s1  }
0x17a: {  	[bflag:$0x3] =	sbarrier.arrive $0xFFFF  }
0x17b: {  	_ =	shalt  }

</sc_bundles>
